<compile_context>
chip_gen: v7x
topology: tpu7x:2x2x1
jax: 0.10.2.dev20260603
libtpu: 0.0.44.dev20260713+nightly
codegen_flags: <defaults>
</compile_context>

<pallas_src>
import functools

import jax
import jax.numpy as jnp
from jax import lax
from jax.experimental import pallas as pl
from jax.experimental.pallas import tpu as pltpu
from jax.experimental.pallas import tpu_sc as plsc

DIM = 256
K = 8
DD = DIM // K

NC = 2
NS = 16
NW = NC * NS
CH = 80


def _seg_matrix():
    r = lax.broadcasted_iota(jnp.int32, (DIM, K), 0) // DD
    c = lax.broadcasted_iota(jnp.int32, (DIM, K), 1)
    return (r == c).astype(jnp.float32)


def _seg_matrix_t():
    r = lax.broadcasted_iota(jnp.int32, (K, DIM), 0)
    c = lax.broadcasted_iota(jnp.int32, (K, DIM), 1) // DD
    return (r == c).astype(jnp.float32)


def _dot8(t, w):
    return lax.dot_general(t, w, (((1,), (0,)), ((), ())),
                           preferred_element_type=jnp.float32)


def _pack_bf16(t):
    bits = lax.bitcast_convert_type(t, jnp.uint32)
    r = (bits + jnp.uint32(0x7FFF) + ((bits >> 16) & jnp.uint32(1))) >> 16
    half = t.shape[1] // 2
    word = r[:, :half] | (r[:, half:] << 16)
    return lax.bitcast_convert_type(word, jnp.int32)


def _unpack_bf16(wv):
    wu = lax.bitcast_convert_type(wv, jnp.uint32)
    lo = lax.bitcast_convert_type(wu << 16, jnp.float32)
    hi = lax.bitcast_convert_type(wu & jnp.uint32(0xFFFF0000), jnp.float32)
    return jnp.concatenate([lo, hi], axis=1)


def _normseg(t, w, wt):
    n2 = _dot8(t * t, w)
    inv = 1.0 / jnp.maximum(jnp.sqrt(n2), 1e-12)
    return t * _dot8(inv, wt)


def _norm_body(x_ref, o_ref):
    zn = _normseg(x_ref[...], _seg_matrix(), _seg_matrix_t())
    o_ref[...] = _pack_bf16(zn)


def _normalize(x):
    n = x.shape[0]
    bn = 4000
    return pl.pallas_call(
        _norm_body,
        grid=(n // bn,),
        in_specs=[pl.BlockSpec((bn, DIM), lambda i: (i, 0))],
        out_specs=pl.BlockSpec((bn, DIM // 2), lambda i: (i, 0)),
        out_shape=jax.ShapeDtypeStruct((n, DIM // 2), jnp.int32),
    )(x)


def _gather(z, idx):
    e_total = idx.shape[0]
    n_chunks = e_total // CH
    t_max = (n_chunks + NW - 1) // NW
    mesh = plsc.VectorSubcoreMesh(
        core_axis_name="c", subcore_axis_name="s",
        num_cores=NC, num_subcores=NS)

    @functools.partial(
        pl.kernel,
        mesh=mesh,
        out_type=jax.ShapeDtypeStruct((e_total, DIM // 2), jnp.int32),
        scratch_types=[
            pltpu.VMEM((CH,), jnp.int32),
            pltpu.VMEM((CH, DIM // 2), jnp.int32),
            pltpu.SemaphoreType.DMA,
        ],
    )
    def k(z_hbm, idx_hbm, out_hbm, idx_v, rows_v, sem):
        wid = lax.axis_index("s") * NC + lax.axis_index("c")

        def body(t, carry):
            cid = t * NW + wid

            @pl.when(cid < n_chunks)
            def _():
                base = cid * CH
                pltpu.sync_copy(idx_hbm.at[pl.ds(base, CH)], idx_v)
                pltpu.async_copy(z_hbm.at[idx_v], rows_v, sem).wait()
                pltpu.sync_copy(rows_v, out_hbm.at[pl.ds(base, CH)])

            return carry

        lax.fori_loop(0, t_max, body, 0)

    return k(z, idx)


def _route_body(mi_ref, x_ref, zg_ref, o_ref, *, bn):
    bf = jnp.bfloat16
    w = _seg_matrix().astype(bf)
    wt = _seg_matrix_t().astype(bf)
    x = _unpack_bf16(x_ref[...]).astype(bf)
    zg0 = _unpack_bf16(zg_ref[:, :DIM // 2]).astype(bf)
    zg1 = _unpack_bf16(zg_ref[:, DIM // 2:]).astype(bf)
    mi = mi_ref[0]

    def dotseg(t):
        return lax.dot_general(t, w, (((1,), (0,)), ((), ())),
                               preferred_element_type=jnp.float32)

    def bcast(s):
        r = lax.dot_general(s.astype(bf), wt, (((1,), (0,)), ((), ())),
                            preferred_element_type=jnp.float32)
        return r.astype(bf)

    def normseg16(t):
        n2 = dotseg(t * t)
        inv = 1.0 / jnp.maximum(jnp.sqrt(n2), 1e-12)
        return t * bcast(inv)

    def step(u):
        s0 = dotseg(zg0 * u)
        s1 = dotseg(zg1 * u)
        e0 = jnp.exp(s0)
        e1 = jnp.exp(s1)
        p0 = e0 / jnp.sum(e0, axis=1, keepdims=True)
        p1 = e1 / jnp.sum(e1, axis=1, keepdims=True)
        return zg0 * bcast(p0) + zg1 * bcast(p1) + x

    u1 = (zg0 + zg1) * bf(0.125) + x
    u1 = jnp.where(mi > 1, normseg16(u1), u1)
    u1 = jnp.where(mi >= 1, u1, jnp.zeros((bn, DIM), bf))
    u = lax.fori_loop(1, mi - 1, lambda it, uu: normseg16(step(uu)), u1)
    u_fin = step(u)
    o_ref[...] = jnp.where(mi >= 2, u_fin, u).astype(jnp.float32)


def _route_piece_body(mi_ref, x_ref, zg_ref, ubuf_ref, o_ref, *, bn):
    del ubuf_ref
    _route_body(mi_ref, x_ref, zg_ref, o_ref, bn=bn)


BN_R = 1000


def _routing_piece(z, zg2, ubuf, mi_arr, off_blocks):
    n = z.shape[0]
    bn = BN_R
    npiece = zg2.shape[0]
    return pl.pallas_call(
        functools.partial(_route_piece_body, bn=bn),
        grid=(npiece // bn,),
        in_specs=[
            pl.BlockSpec(memory_space=pltpu.SMEM),
            pl.BlockSpec((bn, DIM // 2), lambda i: (i + off_blocks, 0)),
            pl.BlockSpec((bn, DIM), lambda i: (i, 0)),
            pl.BlockSpec(memory_space=pl.ANY),
        ],
        out_specs=pl.BlockSpec((bn, DIM), lambda i: (i + off_blocks, 0)),
        out_shape=jax.ShapeDtypeStruct((n, DIM), jnp.float32),
        input_output_aliases={3: 0},
    )(mi_arr, z, zg2, ubuf)


def kernel(input_, neighbors, max_iter):
    a, b, d = input_.shape
    n = a * b
    x = input_.reshape(n, d)
    z = _normalize(x)
    e_total = neighbors.shape[0]
    idx = neighbors.astype(jnp.int32) + (
        jnp.arange(e_total, dtype=jnp.int32) // 20) * 5
    nsplit = 5
    e_piece = e_total // nsplit
    n_piece = n // nsplit
    zgs = [_gather(z, lax.slice(idx, (h * e_piece,), ((h + 1) * e_piece,)))
           for h in range(nsplit)]
    mi_arr = jnp.asarray(max_iter, dtype=jnp.int32).reshape(1)
    u = jnp.zeros((n, d), jnp.float32)
    for h in range(nsplit):
        u = _routing_piece(z, zgs[h].reshape(n_piece, d), u, mi_arr,
                           off_blocks=h * (n_piece // BN_R))
    return u.reshape(a, b, d)

# --- scband reference (transcript-rebuilt; emitter-appended) ---
"""Pipeline reference for scband-routing-layer-29360396436009 (READ-ONLY COPY).

The authoritative reference and input builder live on the scoring server;
editing this copy changes nothing except your own understanding.
"""

import jax, jax.numpy as jnp
import numpy as np

DIM = 256
NUM_CAPS = 8


def _l2_normalize(v, axis):
    # matches torch.nn.functional.normalize(p=2, eps=1e-12)
    norm = jnp.sqrt(jnp.sum(v * v, axis=axis, keepdims=True))
    return v / jnp.maximum(norm, 1e-12)


def setup_inputs(seed: int = 0) -> dict:
    key = jax.random.key(seed)
    k1, k2 = jax.random.split(key)
    input_ = jax.random.normal(k1, (100, 1000, 256), dtype=jnp.float32)
    # neighbors flat vector of length n*m with n=100000, m=2.
    # Module adds arange(len)//20*5 (max shift 49995) so values must be < 50006
    # to keep gather indices within z's n+1 = 100001 rows.
    neighbors = jax.random.randint(k2, (200000,), 0, 50000, dtype=jnp.int32)
    return {"input_": input_, "neighbors": neighbors, "max_iter": 3}


def reference(input_, neighbors, max_iter):
    A, B, D = input_.shape
    n = A * B
    d, k = DIM, NUM_CAPS
    delta_d = d // k
    x = input_.reshape(n, D)
    m = neighbors.shape[0] // n
    x = _l2_normalize(x.reshape(n, k, delta_d), axis=2).reshape(n, d)
    z = jnp.concatenate([x, jnp.zeros((1, d), dtype=x.dtype)], axis=0)
    index_tensor = jnp.arange(neighbors.shape[0], dtype=jnp.int32)
    result_tensor = neighbors.astype(jnp.int32) + (index_tensor // 20) * 5
    zg = jnp.take(z, result_tensor, axis=0)
    zg = zg.reshape(n, m, k, delta_d)

    def body(clus_iter, u):
        p = jnp.sum(zg * u.reshape(n, 1, k, delta_d), axis=3)
        p = jax.nn.softmax(p, axis=2)
        u = jnp.sum(zg * p.reshape(n, m, k, 1), axis=1)
        u = u + x.reshape(n, k, delta_d)
        u = jnp.where(clus_iter < max_iter - 1, _l2_normalize(u, axis=2), u)
        return u

    u0 = jnp.zeros((n, k, delta_d), dtype=x.dtype)
    u = jax.lax.fori_loop(0, max_iter, body, u0)
    return u.reshape(A, B, d)

if __name__ == "__main__":
    import jax
    _d = setup_inputs()
    print(jax.jit(kernel)(*tuple(_d.values())))

</pallas_src>

<mosaic_0001>
#map = affine_map<(d0, d1) -> (0, 0)>
#map1 = affine_map<(d0, d1) -> (0)>
module attributes {stable_mosaic.version = 14 : i64} {
  func.func @k(%arg0: i32, %arg1: i32, %arg2: memref<100000x128xi32, #tpu.memory_space<hbm>>, %arg3: memref<40000xi32, #tpu.memory_space<hbm>>, %arg4: memref<40000x128xi32, #tpu.memory_space<hbm>>, %arg5: memref<80xi32, #tpu.memory_space<vmem>>, %arg6: memref<80x128xi32, #tpu.memory_space<vmem>>, %arg7: memref<!tpu.dma_semaphore, #tpu.memory_space<semaphore_mem>>) attributes {dimension_semantics = [#tpu.dimension_semantics<core_parallel>, #tpu.dimension_semantics<subcore_parallel>], iteration_bounds = array<i64: 2, 16>, scalar_prefetch = 0 : i64, scratch_operands = 3 : i64, tpu.core_type = #tpu.core_type<sc_vector_subcore>, window_params = [{transform_indices = #map}, {transform_indices = #map1}, {transform_indices = #map}]} {
    %mul3A = arith.constant 2 : i32
    %mul3A_0 = arith.muli %arg1, %mul3A : i32
    %add3A = arith.addi %mul3A_0, %arg0 : i32
    %scan3A = arith.constant 0 : i32
    %scan3A_1 = arith.constant 0 : i32
    %scan3A_2 = arith.constant 16 : i32
    %scan3A_3 = arith.addi %scan3A_1, %scan3A_2 : i32
    %scan3A_4 = arith.constant 1 : i32
    scf.for %scan3A_6 = %scan3A_1 to %scan3A_3 step %scan3A_4  : i32 {
      %mul3A_7 = arith.constant 32 : i32
      %mul3A_8 = arith.muli %scan3A_6, %mul3A_7 : i32
      %add3A_9 = arith.addi %mul3A_8, %add3A : i32
      %lt3A = arith.constant 500 : i32
      %lt3A_10 = arith.cmpi slt, %add3A_9, %lt3A : i32
      %convert_element_type3A = arith.extui %lt3A_10 : i1 to i32
      %cond3A = arith.constant 0 : i32
      %cond3A_11 = arith.cmpi ne, %convert_element_type3A, %cond3A : i32
      scf.if %cond3A_11 {
        %mul3A_12 = arith.constant 80 : i32
        %mul3A_13 = arith.muli %add3A_9, %mul3A_12 : i32
        "tpu.region"() ({
          %run_scoped3A = tpu.sem_alloc : memref<!tpu.dma_semaphore, #tpu.memory_space<semaphore_mem>>
          %dma_start3A_18 = tpu.memref_slice %arg3[%mul3A_13] : memref<40000xi32, #tpu.memory_space<hbm>> -> memref<80xi32, #tpu.memory_space<hbm>>
          %dma_start3A_19 = tpu.memref_slice %arg3[%mul3A_13] : memref<40000xi32, #tpu.memory_space<hbm>> -> memref<80xi32, #tpu.memory_space<hbm>>
          tpu.enqueue_dma source(%dma_start3A_19 : memref<80xi32, #tpu.memory_space<hbm>>) target(%arg5 : memref<80xi32, #tpu.memory_space<vmem>>) target_semaphore(%run_scoped3A : memref<!tpu.dma_semaphore, #tpu.memory_space<semaphore_mem>>)
          %dma_wait3A_20 = tpu.memref_slice %arg3[%mul3A_13] : memref<40000xi32, #tpu.memory_space<hbm>> -> memref<80xi32, #tpu.memory_space<hbm>>
          %dma_wait3A_21 = tpu.memref_slice %arg3[%mul3A_13] : memref<40000xi32, #tpu.memory_space<hbm>> -> memref<80xi32, #tpu.memory_space<hbm>>
          tpu.wait_dma2 semaphore(%run_scoped3A : memref<!tpu.dma_semaphore, #tpu.memory_space<semaphore_mem>>) src(%dma_wait3A_21 : memref<80xi32, #tpu.memory_space<hbm>>) dst(%arg5 : memref<80xi32, #tpu.memory_space<vmem>>)
          tpu.yield
        }) : () -> ()
        %dma_start3A = arith.constant 0 : i32
        %dma_start3A_14 = arith.constant 0 : i32
        %dma_start3A_15 = tpu.memref_slice %arg2[%dma_start3A, %dma_start3A_14] : memref<100000x128xi32, #tpu.memory_space<hbm>> -> memref<100000x128xi32, #tpu.memory_space<hbm>>
        tpu.enqueue_indirect_dma source(%dma_start3A_15 : memref<100000x128xi32, #tpu.memory_space<hbm>>) target(%arg6 : memref<80x128xi32, #tpu.memory_space<vmem>>) offsets(%arg5 : memref<80xi32, #tpu.memory_space<vmem>>) semaphore(%arg7 : memref<!tpu.dma_semaphore, #tpu.memory_space<semaphore_mem>>)
        %dma_wait3A = arith.constant 0 : i32
        %dma_wait3A_16 = arith.constant 0 : i32
        %dma_wait3A_17 = tpu.memref_slice %arg2[%dma_wait3A, %dma_wait3A_16] : memref<100000x128xi32, #tpu.memory_space<hbm>> -> memref<100000x128xi32, #tpu.memory_space<hbm>>
        tpu.wait_indirect_dma semaphore(%arg7 : memref<!tpu.dma_semaphore, #tpu.memory_space<semaphore_mem>>) src(%dma_wait3A_17 : memref<100000x128xi32, #tpu.memory_space<hbm>>) dst(%arg6 : memref<80x128xi32, #tpu.memory_space<vmem>>)
        "tpu.region"() ({
          %run_scoped3A = tpu.sem_alloc : memref<!tpu.dma_semaphore, #tpu.memory_space<semaphore_mem>>
          %dma_start3A_18 = arith.constant 0 : i32
          %dma_start3A_19 = tpu.memref_slice %arg4[%mul3A_13, %dma_start3A_18] : memref<40000x128xi32, #tpu.memory_space<hbm>> -> memref<80x128xi32, #tpu.memory_space<hbm>>
          %dma_start3A_20 = arith.constant 0 : i32
          %dma_start3A_21 = tpu.memref_slice %arg4[%mul3A_13, %dma_start3A_20] : memref<40000x128xi32, #tpu.memory_space<hbm>> -> memref<80x128xi32, #tpu.memory_space<hbm>>
          tpu.enqueue_dma source(%arg6 : memref<80x128xi32, #tpu.memory_space<vmem>>) target(%dma_start3A_21 : memref<80x128xi32, #tpu.memory_space<hbm>>) target_semaphore(%run_scoped3A : memref<!tpu.dma_semaphore, #tpu.memory_space<semaphore_mem>>)
          %dma_wait3A_22 = arith.constant 0 : i32
          %dma_wait3A_23 = tpu.memref_slice %arg4[%mul3A_13, %dma_wait3A_22] : memref<40000x128xi32, #tpu.memory_space<hbm>> -> memref<80x128xi32, #tpu.memory_space<hbm>>
          %dma_wait3A_24 = arith.constant 0 : i32
          %dma_wait3A_25 = tpu.memref_slice %arg4[%mul3A_13, %dma_wait3A_24] : memref<40000x128xi32, #tpu.memory_space<hbm>> -> memref<80x128xi32, #tpu.memory_space<hbm>>
          tpu.wait_dma2 semaphore(%run_scoped3A : memref<!tpu.dma_semaphore, #tpu.memory_space<semaphore_mem>>) src(%arg6 : memref<80x128xi32, #tpu.memory_space<vmem>>) dst(%dma_wait3A_25 : memref<80x128xi32, #tpu.memory_space<hbm>>)
          tpu.yield
        }) : () -> ()
      } else {
      }
    }
    %scan3A_5 = arith.constant 16 : i32
    return
  }
}

#map = affine_map<(d0, d1) -> (0, 0)>
#map1 = affine_map<(d0, d1) -> (0)>
module attributes {stable_mosaic.version = 14 : i64} {
  func.func @k(%arg0: i32, %arg1: i32, %arg2: memref<100000x128xi32, #tpu.memory_space<hbm>>, %arg3: memref<40000xi32, #tpu.memory_space<hbm>>, %arg4: memref<40000x128xi32, #tpu.memory_space<hbm>>, %arg5: memref<80xi32, #tpu.memory_space<vmem>>, %arg6: memref<80x128xi32, #tpu.memory_space<vmem>>, %arg7: memref<!tpu.dma_semaphore, #tpu.memory_space<semaphore_mem>>) attributes {dimension_semantics = [#tpu.dimension_semantics<core_parallel>, #tpu.dimension_semantics<subcore_parallel>], iteration_bounds = array<i64: 2, 16>, scalar_prefetch = 0 : i64, scratch_operands = 3 : i64, tpu.core_type = #tpu.core_type<sc_vector_subcore>, window_params = [{transform_indices = #map}, {transform_indices = #map1}, {transform_indices = #map}]} {
    %mul3A = arith.constant 2 : i32
    %mul3A_0 = arith.muli %arg1, %mul3A : i32
    %add3A = arith.addi %mul3A_0, %arg0 : i32
    %scan3A = arith.constant 0 : i32
    %scan3A_1 = arith.constant 0 : i32
    %scan3A_2 = arith.constant 16 : i32
    %scan3A_3 = arith.addi %scan3A_1, %scan3A_2 : i32
    %scan3A_4 = arith.constant 1 : i32
    scf.for %scan3A_6 = %scan3A_1 to %scan3A_3 step %scan3A_4  : i32 {
      %mul3A_7 = arith.constant 32 : i32
      %mul3A_8 = arith.muli %scan3A_6, %mul3A_7 : i32
      %add3A_9 = arith.addi %mul3A_8, %add3A : i32
      %lt3A = arith.constant 500 : i32
      %lt3A_10 = arith.cmpi slt, %add3A_9, %lt3A : i32
      %convert_element_type3A = arith.extui %lt3A_10 : i1 to i32
      %cond3A = arith.constant 0 : i32
      %cond3A_11 = arith.cmpi ne, %convert_element_type3A, %cond3A : i32
      scf.if %cond3A_11 {
        %mul3A_12 = arith.constant 80 : i32
        %mul3A_13 = arith.muli %add3A_9, %mul3A_12 : i32
        "tpu.region"() ({
          %run_scoped3A = tpu.sem_alloc : memref<!tpu.dma_semaphore, #tpu.memory_space<semaphore_mem>>
          %dma_start3A_18 = tpu.memref_slice %arg3[%mul3A_13] : memref<40000xi32, #tpu.memory_space<hbm>> -> memref<80xi32, #tpu.memory_space<hbm>>
          %dma_start3A_19 = tpu.memref_slice %arg3[%mul3A_13] : memref<40000xi32, #tpu.memory_space<hbm>> -> memref<80xi32, #tpu.memory_space<hbm>>
          tpu.enqueue_dma source(%dma_start3A_19 : memref<80xi32, #tpu.memory_space<hbm>>) target(%arg5 : memref<80xi32, #tpu.memory_space<vmem>>) target_semaphore(%run_scoped3A : memref<!tpu.dma_semaphore, #tpu.memory_space<semaphore_mem>>)
          %dma_wait3A_20 = tpu.memref_slice %arg3[%mul3A_13] : memref<40000xi32, #tpu.memory_space<hbm>> -> memref<80xi32, #tpu.memory_space<hbm>>
          %dma_wait3A_21 = tpu.memref_slice %arg3[%mul3A_13] : memref<40000xi32, #tpu.memory_space<hbm>> -> memref<80xi32, #tpu.memory_space<hbm>>
          tpu.wait_dma2 semaphore(%run_scoped3A : memref<!tpu.dma_semaphore, #tpu.memory_space<semaphore_mem>>) src(%dma_wait3A_21 : memref<80xi32, #tpu.memory_space<hbm>>) dst(%arg5 : memref<80xi32, #tpu.memory_space<vmem>>)
          tpu.yield
        }) : () -> ()
        %dma_start3A = arith.constant 0 : i32
        %dma_start3A_14 = arith.constant 0 : i32
        %dma_start3A_15 = tpu.memref_slice %arg2[%dma_start3A, %dma_start3A_14] : memref<100000x128xi32, #tpu.memory_space<hbm>> -> memref<100000x128xi32, #tpu.memory_space<hbm>>
        tpu.enqueue_indirect_dma source(%dma_start3A_15 : memref<100000x128xi32, #tpu.memory_space<hbm>>) target(%arg6 : memref<80x128xi32, #tpu.memory_space<vmem>>) offsets(%arg5 : memref<80xi32, #tpu.memory_space<vmem>>) semaphore(%arg7 : memref<!tpu.dma_semaphore, #tpu.memory_space<semaphore_mem>>)
        %dma_wait3A = arith.constant 0 : i32
        %dma_wait3A_16 = arith.constant 0 : i32
        %dma_wait3A_17 = tpu.memref_slice %arg2[%dma_wait3A, %dma_wait3A_16] : memref<100000x128xi32, #tpu.memory_space<hbm>> -> memref<100000x128xi32, #tpu.memory_space<hbm>>
        tpu.wait_indirect_dma semaphore(%arg7 : memref<!tpu.dma_semaphore, #tpu.memory_space<semaphore_mem>>) src(%dma_wait3A_17 : memref<100000x128xi32, #tpu.memory_space<hbm>>) dst(%arg6 : memref<80x128xi32, #tpu.memory_space<vmem>>)
        "tpu.region"() ({
          %run_scoped3A = tpu.sem_alloc : memref<!tpu.dma_semaphore, #tpu.memory_space<semaphore_mem>>
          %dma_start3A_18 = arith.constant 0 : i32
          %dma_start3A_19 = tpu.memref_slice %arg4[%mul3A_13, %dma_start3A_18] : memref<40000x128xi32, #tpu.memory_space<hbm>> -> memref<80x128xi32, #tpu.memory_space<hbm>>
          %dma_start3A_20 = arith.constant 0 : i32
          %dma_start3A_21 = tpu.memref_slice %arg4[%mul3A_13, %dma_start3A_20] : memref<40000x128xi32, #tpu.memory_space<hbm>> -> memref<80x128xi32, #tpu.memory_space<hbm>>
          tpu.enqueue_dma source(%arg6 : memref<80x128xi32, #tpu.memory_space<vmem>>) target(%dma_start3A_21 : memref<80x128xi32, #tpu.memory_space<hbm>>) target_semaphore(%run_scoped3A : memref<!tpu.dma_semaphore, #tpu.memory_space<semaphore_mem>>)
          %dma_wait3A_22 = arith.constant 0 : i32
          %dma_wait3A_23 = tpu.memref_slice %arg4[%mul3A_13, %dma_wait3A_22] : memref<40000x128xi32, #tpu.memory_space<hbm>> -> memref<80x128xi32, #tpu.memory_space<hbm>>
          %dma_wait3A_24 = arith.constant 0 : i32
          %dma_wait3A_25 = tpu.memref_slice %arg4[%mul3A_13, %dma_wait3A_24] : memref<40000x128xi32, #tpu.memory_space<hbm>> -> memref<80x128xi32, #tpu.memory_space<hbm>>
          tpu.wait_dma2 semaphore(%run_scoped3A : memref<!tpu.dma_semaphore, #tpu.memory_space<semaphore_mem>>) src(%arg6 : memref<80x128xi32, #tpu.memory_space<vmem>>) dst(%dma_wait3A_25 : memref<80x128xi32, #tpu.memory_space<hbm>>)
          tpu.yield
        }) : () -> ()
      } else {
      }
    }
    %scan3A_5 = arith.constant 16 : i32
    return
  }
}

#map = affine_map<(d0, d1) -> (0, 0)>
#map1 = affine_map<(d0, d1) -> (0)>
module attributes {stable_mosaic.version = 14 : i64} {
  func.func @k(%arg0: i32, %arg1: i32, %arg2: memref<100000x128xi32, #tpu.memory_space<hbm>>, %arg3: memref<40000xi32, #tpu.memory_space<hbm>>, %arg4: memref<40000x128xi32, #tpu.memory_space<hbm>>, %arg5: memref<80xi32, #tpu.memory_space<vmem>>, %arg6: memref<80x128xi32, #tpu.memory_space<vmem>>, %arg7: memref<!tpu.dma_semaphore, #tpu.memory_space<semaphore_mem>>) attributes {dimension_semantics = [#tpu.dimension_semantics<core_parallel>, #tpu.dimension_semantics<subcore_parallel>], iteration_bounds = array<i64: 2, 16>, scalar_prefetch = 0 : i64, scratch_operands = 3 : i64, tpu.core_type = #tpu.core_type<sc_vector_subcore>, window_params = [{transform_indices = #map}, {transform_indices = #map1}, {transform_indices = #map}]} {
    %mul3A = arith.constant 2 : i32
    %mul3A_0 = arith.muli %arg1, %mul3A : i32
    %add3A = arith.addi %mul3A_0, %arg0 : i32
    %scan3A = arith.constant 0 : i32
    %scan3A_1 = arith.constant 0 : i32
    %scan3A_2 = arith.constant 16 : i32
    %scan3A_3 = arith.addi %scan3A_1, %scan3A_2 : i32
    %scan3A_4 = arith.constant 1 : i32
    scf.for %scan3A_6 = %scan3A_1 to %scan3A_3 step %scan3A_4  : i32 {
      %mul3A_7 = arith.constant 32 : i32
      %mul3A_8 = arith.muli %scan3A_6, %mul3A_7 : i32
      %add3A_9 = arith.addi %mul3A_8, %add3A : i32
      %lt3A = arith.constant 500 : i32
      %lt3A_10 = arith.cmpi slt, %add3A_9, %lt3A : i32
      %convert_element_type3A = arith.extui %lt3A_10 : i1 to i32
      %cond3A = arith.constant 0 : i32
      %cond3A_11 = arith.cmpi ne, %convert_element_type3A, %cond3A : i32
      scf.if %cond3A_11 {
        %mul3A_12 = arith.constant 80 : i32
        %mul3A_13 = arith.muli %add3A_9, %mul3A_12 : i32
        "tpu.region"() ({
          %run_scoped3A = tpu.sem_alloc : memref<!tpu.dma_semaphore, #tpu.memory_space<semaphore_mem>>
          %dma_start3A_18 = tpu.memref_slice %arg3[%mul3A_13] : memref<40000xi32, #tpu.memory_space<hbm>> -> memref<80xi32, #tpu.memory_space<hbm>>
          %dma_start3A_19 = tpu.memref_slice %arg3[%mul3A_13] : memref<40000xi32, #tpu.memory_space<hbm>> -> memref<80xi32, #tpu.memory_space<hbm>>
          tpu.enqueue_dma source(%dma_start3A_19 : memref<80xi32, #tpu.memory_space<hbm>>) target(%arg5 : memref<80xi32, #tpu.memory_space<vmem>>) target_semaphore(%run_scoped3A : memref<!tpu.dma_semaphore, #tpu.memory_space<semaphore_mem>>)
          %dma_wait3A_20 = tpu.memref_slice %arg3[%mul3A_13] : memref<40000xi32, #tpu.memory_space<hbm>> -> memref<80xi32, #tpu.memory_space<hbm>>
          %dma_wait3A_21 = tpu.memref_slice %arg3[%mul3A_13] : memref<40000xi32, #tpu.memory_space<hbm>> -> memref<80xi32, #tpu.memory_space<hbm>>
          tpu.wait_dma2 semaphore(%run_scoped3A : memref<!tpu.dma_semaphore, #tpu.memory_space<semaphore_mem>>) src(%dma_wait3A_21 : memref<80xi32, #tpu.memory_space<hbm>>) dst(%arg5 : memref<80xi32, #tpu.memory_space<vmem>>)
          tpu.yield
        }) : () -> ()
        %dma_start3A = arith.constant 0 : i32
        %dma_start3A_14 = arith.constant 0 : i32
        %dma_start3A_15 = tpu.memref_slice %arg2[%dma_start3A, %dma_start3A_14] : memref<100000x128xi32, #tpu.memory_space<hbm>> -> memref<100000x128xi32, #tpu.memory_space<hbm>>
        tpu.enqueue_indirect_dma source(%dma_start3A_15 : memref<100000x128xi32, #tpu.memory_space<hbm>>) target(%arg6 : memref<80x128xi32, #tpu.memory_space<vmem>>) offsets(%arg5 : memref<80xi32, #tpu.memory_space<vmem>>) semaphore(%arg7 : memref<!tpu.dma_semaphore, #tpu.memory_space<semaphore_mem>>)
        %dma_wait3A = arith.constant 0 : i32
        %dma_wait3A_16 = arith.constant 0 : i32
        %dma_wait3A_17 = tpu.memref_slice %arg2[%dma_wait3A, %dma_wait3A_16] : memref<100000x128xi32, #tpu.memory_space<hbm>> -> memref<100000x128xi32, #tpu.memory_space<hbm>>
        tpu.wait_indirect_dma semaphore(%arg7 : memref<!tpu.dma_semaphore, #tpu.memory_space<semaphore_mem>>) src(%dma_wait3A_17 : memref<100000x128xi32, #tpu.memory_space<hbm>>) dst(%arg6 : memref<80x128xi32, #tpu.memory_space<vmem>>)
        "tpu.region"() ({
          %run_scoped3A = tpu.sem_alloc : memref<!tpu.dma_semaphore, #tpu.memory_space<semaphore_mem>>
          %dma_start3A_18 = arith.constant 0 : i32
          %dma_start3A_19 = tpu.memref_slice %arg4[%mul3A_13, %dma_start3A_18] : memref<40000x128xi32, #tpu.memory_space<hbm>> -> memref<80x128xi32, #tpu.memory_space<hbm>>
          %dma_start3A_20 = arith.constant 0 : i32
          %dma_start3A_21 = tpu.memref_slice %arg4[%mul3A_13, %dma_start3A_20] : memref<40000x128xi32, #tpu.memory_space<hbm>> -> memref<80x128xi32, #tpu.memory_space<hbm>>
          tpu.enqueue_dma source(%arg6 : memref<80x128xi32, #tpu.memory_space<vmem>>) target(%dma_start3A_21 : memref<80x128xi32, #tpu.memory_space<hbm>>) target_semaphore(%run_scoped3A : memref<!tpu.dma_semaphore, #tpu.memory_space<semaphore_mem>>)
          %dma_wait3A_22 = arith.constant 0 : i32
          %dma_wait3A_23 = tpu.memref_slice %arg4[%mul3A_13, %dma_wait3A_22] : memref<40000x128xi32, #tpu.memory_space<hbm>> -> memref<80x128xi32, #tpu.memory_space<hbm>>
          %dma_wait3A_24 = arith.constant 0 : i32
          %dma_wait3A_25 = tpu.memref_slice %arg4[%mul3A_13, %dma_wait3A_24] : memref<40000x128xi32, #tpu.memory_space<hbm>> -> memref<80x128xi32, #tpu.memory_space<hbm>>
          tpu.wait_dma2 semaphore(%run_scoped3A : memref<!tpu.dma_semaphore, #tpu.memory_space<semaphore_mem>>) src(%arg6 : memref<80x128xi32, #tpu.memory_space<vmem>>) dst(%dma_wait3A_25 : memref<80x128xi32, #tpu.memory_space<hbm>>)
          tpu.yield
        }) : () -> ()
      } else {
      }
    }
    %scan3A_5 = arith.constant 16 : i32
    return
  }
}

#map = affine_map<(d0, d1) -> (0, 0)>
#map1 = affine_map<(d0, d1) -> (0)>
module attributes {stable_mosaic.version = 14 : i64} {
  func.func @k(%arg0: i32, %arg1: i32, %arg2: memref<100000x128xi32, #tpu.memory_space<hbm>>, %arg3: memref<40000xi32, #tpu.memory_space<hbm>>, %arg4: memref<40000x128xi32, #tpu.memory_space<hbm>>, %arg5: memref<80xi32, #tpu.memory_space<vmem>>, %arg6: memref<80x128xi32, #tpu.memory_space<vmem>>, %arg7: memref<!tpu.dma_semaphore, #tpu.memory_space<semaphore_mem>>) attributes {dimension_semantics = [#tpu.dimension_semantics<core_parallel>, #tpu.dimension_semantics<subcore_parallel>], iteration_bounds = array<i64: 2, 16>, scalar_prefetch = 0 : i64, scratch_operands = 3 : i64, tpu.core_type = #tpu.core_type<sc_vector_subcore>, window_params = [{transform_indices = #map}, {transform_indices = #map1}, {transform_indices = #map}]} {
    %mul3A = arith.constant 2 : i32
    %mul3A_0 = arith.muli %arg1, %mul3A : i32
    %add3A = arith.addi %mul3A_0, %arg0 : i32
    %scan3A = arith.constant 0 : i32
    %scan3A_1 = arith.constant 0 : i32
    %scan3A_2 = arith.constant 16 : i32
    %scan3A_3 = arith.addi %scan3A_1, %scan3A_2 : i32
    %scan3A_4 = arith.constant 1 : i32
    scf.for %scan3A_6 = %scan3A_1 to %scan3A_3 step %scan3A_4  : i32 {
      %mul3A_7 = arith.constant 32 : i32
      %mul3A_8 = arith.muli %scan3A_6, %mul3A_7 : i32
      %add3A_9 = arith.addi %mul3A_8, %add3A : i32
      %lt3A = arith.constant 500 : i32
      %lt3A_10 = arith.cmpi slt, %add3A_9, %lt3A : i32
      %convert_element_type3A = arith.extui %lt3A_10 : i1 to i32
      %cond3A = arith.constant 0 : i32
      %cond3A_11 = arith.cmpi ne, %convert_element_type3A, %cond3A : i32
      scf.if %cond3A_11 {
        %mul3A_12 = arith.constant 80 : i32
        %mul3A_13 = arith.muli %add3A_9, %mul3A_12 : i32
        "tpu.region"() ({
          %run_scoped3A = tpu.sem_alloc : memref<!tpu.dma_semaphore, #tpu.memory_space<semaphore_mem>>
          %dma_start3A_18 = tpu.memref_slice %arg3[%mul3A_13] : memref<40000xi32, #tpu.memory_space<hbm>> -> memref<80xi32, #tpu.memory_space<hbm>>
          %dma_start3A_19 = tpu.memref_slice %arg3[%mul3A_13] : memref<40000xi32, #tpu.memory_space<hbm>> -> memref<80xi32, #tpu.memory_space<hbm>>
          tpu.enqueue_dma source(%dma_start3A_19 : memref<80xi32, #tpu.memory_space<hbm>>) target(%arg5 : memref<80xi32, #tpu.memory_space<vmem>>) target_semaphore(%run_scoped3A : memref<!tpu.dma_semaphore, #tpu.memory_space<semaphore_mem>>)
          %dma_wait3A_20 = tpu.memref_slice %arg3[%mul3A_13] : memref<40000xi32, #tpu.memory_space<hbm>> -> memref<80xi32, #tpu.memory_space<hbm>>
          %dma_wait3A_21 = tpu.memref_slice %arg3[%mul3A_13] : memref<40000xi32, #tpu.memory_space<hbm>> -> memref<80xi32, #tpu.memory_space<hbm>>
          tpu.wait_dma2 semaphore(%run_scoped3A : memref<!tpu.dma_semaphore, #tpu.memory_space<semaphore_mem>>) src(%dma_wait3A_21 : memref<80xi32, #tpu.memory_space<hbm>>) dst(%arg5 : memref<80xi32, #tpu.memory_space<vmem>>)
          tpu.yield
        }) : () -> ()
        %dma_start3A = arith.constant 0 : i32
        %dma_start3A_14 = arith.constant 0 : i32
        %dma_start3A_15 = tpu.memref_slice %arg2[%dma_start3A, %dma_start3A_14] : memref<100000x128xi32, #tpu.memory_space<hbm>> -> memref<100000x128xi32, #tpu.memory_space<hbm>>
        tpu.enqueue_indirect_dma source(%dma_start3A_15 : memref<100000x128xi32, #tpu.memory_space<hbm>>) target(%arg6 : memref<80x128xi32, #tpu.memory_space<vmem>>) offsets(%arg5 : memref<80xi32, #tpu.memory_space<vmem>>) semaphore(%arg7 : memref<!tpu.dma_semaphore, #tpu.memory_space<semaphore_mem>>)
        %dma_wait3A = arith.constant 0 : i32
        %dma_wait3A_16 = arith.constant 0 : i32
        %dma_wait3A_17 = tpu.memref_slice %arg2[%dma_wait3A, %dma_wait3A_16] : memref<100000x128xi32, #tpu.memory_space<hbm>> -> memref<100000x128xi32, #tpu.memory_space<hbm>>
        tpu.wait_indirect_dma semaphore(%arg7 : memref<!tpu.dma_semaphore, #tpu.memory_space<semaphore_mem>>) src(%dma_wait3A_17 : memref<100000x128xi32, #tpu.memory_space<hbm>>) dst(%arg6 : memref<80x128xi32, #tpu.memory_space<vmem>>)
        "tpu.region"() ({
          %run_scoped3A = tpu.sem_alloc : memref<!tpu.dma_semaphore, #tpu.memory_space<semaphore_mem>>
          %dma_start3A_18 = arith.constant 0 : i32
          %dma_start3A_19 = tpu.memref_slice %arg4[%mul3A_13, %dma_start3A_18] : memref<40000x128xi32, #tpu.memory_space<hbm>> -> memref<80x128xi32, #tpu.memory_space<hbm>>
          %dma_start3A_20 = arith.constant 0 : i32
          %dma_start3A_21 = tpu.memref_slice %arg4[%mul3A_13, %dma_start3A_20] : memref<40000x128xi32, #tpu.memory_space<hbm>> -> memref<80x128xi32, #tpu.memory_space<hbm>>
          tpu.enqueue_dma source(%arg6 : memref<80x128xi32, #tpu.memory_space<vmem>>) target(%dma_start3A_21 : memref<80x128xi32, #tpu.memory_space<hbm>>) target_semaphore(%run_scoped3A : memref<!tpu.dma_semaphore, #tpu.memory_space<semaphore_mem>>)
          %dma_wait3A_22 = arith.constant 0 : i32
          %dma_wait3A_23 = tpu.memref_slice %arg4[%mul3A_13, %dma_wait3A_22] : memref<40000x128xi32, #tpu.memory_space<hbm>> -> memref<80x128xi32, #tpu.memory_space<hbm>>
          %dma_wait3A_24 = arith.constant 0 : i32
          %dma_wait3A_25 = tpu.memref_slice %arg4[%mul3A_13, %dma_wait3A_24] : memref<40000x128xi32, #tpu.memory_space<hbm>> -> memref<80x128xi32, #tpu.memory_space<hbm>>
          tpu.wait_dma2 semaphore(%run_scoped3A : memref<!tpu.dma_semaphore, #tpu.memory_space<semaphore_mem>>) src(%arg6 : memref<80x128xi32, #tpu.memory_space<vmem>>) dst(%dma_wait3A_25 : memref<80x128xi32, #tpu.memory_space<hbm>>)
          tpu.yield
        }) : () -> ()
      } else {
      }
    }
    %scan3A_5 = arith.constant 16 : i32
    return
  }
}

#map = affine_map<(d0, d1) -> (0, 0)>
#map1 = affine_map<(d0, d1) -> (0)>
module attributes {stable_mosaic.version = 14 : i64} {
  func.func @k(%arg0: i32, %arg1: i32, %arg2: memref<100000x128xi32, #tpu.memory_space<hbm>>, %arg3: memref<40000xi32, #tpu.memory_space<hbm>>, %arg4: memref<40000x128xi32, #tpu.memory_space<hbm>>, %arg5: memref<80xi32, #tpu.memory_space<vmem>>, %arg6: memref<80x128xi32, #tpu.memory_space<vmem>>, %arg7: memref<!tpu.dma_semaphore, #tpu.memory_space<semaphore_mem>>) attributes {dimension_semantics = [#tpu.dimension_semantics<core_parallel>, #tpu.dimension_semantics<subcore_parallel>], iteration_bounds = array<i64: 2, 16>, scalar_prefetch = 0 : i64, scratch_operands = 3 : i64, tpu.core_type = #tpu.core_type<sc_vector_subcore>, window_params = [{transform_indices = #map}, {transform_indices = #map1}, {transform_indices = #map}]} {
    %mul3A = arith.constant 2 : i32
    %mul3A_0 = arith.muli %arg1, %mul3A : i32
    %add3A = arith.addi %mul3A_0, %arg0 : i32
    %scan3A = arith.constant 0 : i32
    %scan3A_1 = arith.constant 0 : i32
    %scan3A_2 = arith.constant 16 : i32
    %scan3A_3 = arith.addi %scan3A_1, %scan3A_2 : i32
    %scan3A_4 = arith.constant 1 : i32
    scf.for %scan3A_6 = %scan3A_1 to %scan3A_3 step %scan3A_4  : i32 {
      %mul3A_7 = arith.constant 32 : i32
      %mul3A_8 = arith.muli %scan3A_6, %mul3A_7 : i32
      %add3A_9 = arith.addi %mul3A_8, %add3A : i32
      %lt3A = arith.constant 500 : i32
      %lt3A_10 = arith.cmpi slt, %add3A_9, %lt3A : i32
      %convert_element_type3A = arith.extui %lt3A_10 : i1 to i32
      %cond3A = arith.constant 0 : i32
      %cond3A_11 = arith.cmpi ne, %convert_element_type3A, %cond3A : i32
      scf.if %cond3A_11 {
        %mul3A_12 = arith.constant 80 : i32
        %mul3A_13 = arith.muli %add3A_9, %mul3A_12 : i32
        "tpu.region"() ({
          %run_scoped3A = tpu.sem_alloc : memref<!tpu.dma_semaphore, #tpu.memory_space<semaphore_mem>>
          %dma_start3A_18 = tpu.memref_slice %arg3[%mul3A_13] : memref<40000xi32, #tpu.memory_space<hbm>> -> memref<80xi32, #tpu.memory_space<hbm>>
          %dma_start3A_19 = tpu.memref_slice %arg3[%mul3A_13] : memref<40000xi32, #tpu.memory_space<hbm>> -> memref<80xi32, #tpu.memory_space<hbm>>
          tpu.enqueue_dma source(%dma_start3A_19 : memref<80xi32, #tpu.memory_space<hbm>>) target(%arg5 : memref<80xi32, #tpu.memory_space<vmem>>) target_semaphore(%run_scoped3A : memref<!tpu.dma_semaphore, #tpu.memory_space<semaphore_mem>>)
          %dma_wait3A_20 = tpu.memref_slice %arg3[%mul3A_13] : memref<40000xi32, #tpu.memory_space<hbm>> -> memref<80xi32, #tpu.memory_space<hbm>>
          %dma_wait3A_21 = tpu.memref_slice %arg3[%mul3A_13] : memref<40000xi32, #tpu.memory_space<hbm>> -> memref<80xi32, #tpu.memory_space<hbm>>
          tpu.wait_dma2 semaphore(%run_scoped3A : memref<!tpu.dma_semaphore, #tpu.memory_space<semaphore_mem>>) src(%dma_wait3A_21 : memref<80xi32, #tpu.memory_space<hbm>>) dst(%arg5 : memref<80xi32, #tpu.memory_space<vmem>>)
          tpu.yield
        }) : () -> ()
        %dma_start3A = arith.constant 0 : i32
        %dma_start3A_14 = arith.constant 0 : i32
        %dma_start3A_15 = tpu.memref_slice %arg2[%dma_start3A, %dma_start3A_14] : memref<100000x128xi32, #tpu.memory_space<hbm>> -> memref<100000x128xi32, #tpu.memory_space<hbm>>
        tpu.enqueue_indirect_dma source(%dma_start3A_15 : memref<100000x128xi32, #tpu.memory_space<hbm>>) target(%arg6 : memref<80x128xi32, #tpu.memory_space<vmem>>) offsets(%arg5 : memref<80xi32, #tpu.memory_space<vmem>>) semaphore(%arg7 : memref<!tpu.dma_semaphore, #tpu.memory_space<semaphore_mem>>)
        %dma_wait3A = arith.constant 0 : i32
        %dma_wait3A_16 = arith.constant 0 : i32
        %dma_wait3A_17 = tpu.memref_slice %arg2[%dma_wait3A, %dma_wait3A_16] : memref<100000x128xi32, #tpu.memory_space<hbm>> -> memref<100000x128xi32, #tpu.memory_space<hbm>>
        tpu.wait_indirect_dma semaphore(%arg7 : memref<!tpu.dma_semaphore, #tpu.memory_space<semaphore_mem>>) src(%dma_wait3A_17 : memref<100000x128xi32, #tpu.memory_space<hbm>>) dst(%arg6 : memref<80x128xi32, #tpu.memory_space<vmem>>)
        "tpu.region"() ({
          %run_scoped3A = tpu.sem_alloc : memref<!tpu.dma_semaphore, #tpu.memory_space<semaphore_mem>>
          %dma_start3A_18 = arith.constant 0 : i32
          %dma_start3A_19 = tpu.memref_slice %arg4[%mul3A_13, %dma_start3A_18] : memref<40000x128xi32, #tpu.memory_space<hbm>> -> memref<80x128xi32, #tpu.memory_space<hbm>>
          %dma_start3A_20 = arith.constant 0 : i32
          %dma_start3A_21 = tpu.memref_slice %arg4[%mul3A_13, %dma_start3A_20] : memref<40000x128xi32, #tpu.memory_space<hbm>> -> memref<80x128xi32, #tpu.memory_space<hbm>>
          tpu.enqueue_dma source(%arg6 : memref<80x128xi32, #tpu.memory_space<vmem>>) target(%dma_start3A_21 : memref<80x128xi32, #tpu.memory_space<hbm>>) target_semaphore(%run_scoped3A : memref<!tpu.dma_semaphore, #tpu.memory_space<semaphore_mem>>)
          %dma_wait3A_22 = arith.constant 0 : i32
          %dma_wait3A_23 = tpu.memref_slice %arg4[%mul3A_13, %dma_wait3A_22] : memref<40000x128xi32, #tpu.memory_space<hbm>> -> memref<80x128xi32, #tpu.memory_space<hbm>>
          %dma_wait3A_24 = arith.constant 0 : i32
          %dma_wait3A_25 = tpu.memref_slice %arg4[%mul3A_13, %dma_wait3A_24] : memref<40000x128xi32, #tpu.memory_space<hbm>> -> memref<80x128xi32, #tpu.memory_space<hbm>>
          tpu.wait_dma2 semaphore(%run_scoped3A : memref<!tpu.dma_semaphore, #tpu.memory_space<semaphore_mem>>) src(%arg6 : memref<80x128xi32, #tpu.memory_space<vmem>>) dst(%dma_wait3A_25 : memref<80x128xi32, #tpu.memory_space<hbm>>)
          tpu.yield
        }) : () -> ()
      } else {
      }
    }
    %scan3A_5 = arith.constant 16 : i32
    return
  }
}

module attributes {stable_mosaic.version = 14 : i64} {
  func.func @_norm_body(%arg0: i32, %arg1: memref<4000x256xf32, #tpu.memory_space<vmem>>, %arg2: memref<4000x128xi32, #tpu.memory_space<vmem>>) attributes {dimension_semantics = [#tpu.dimension_semantics<arbitrary>], iteration_bounds = array<i64: 25>, scalar_prefetch = 0 : i64, scratch_operands = 0 : i64, tpu.core_type = #tpu.core_type<tc>, window_params = [{transform_indices = @transform_0, window_bounds = array<i64: 4000, 256>}, {transform_indices = @transform_1, window_bounds = array<i64: 4000, 128>}]} {
    %get3A = arith.constant 0 : index
    %get3A_0 = arith.constant 0 : index
    %get3A_1 = vector.load %arg1[%get3A, %get3A_0] : memref<4000x256xf32, #tpu.memory_space<vmem>>, vector<4000x256xf32>
    %iota3A = tpu.iota {dimensions = array<i32: 0>} : vector<256x8xi32>
    %jit3A = arith.constant 32 : i32
    %div3A = vector.broadcast %jit3A : i32 to vector<256x8xi32>
    %div3A_2 = arith.divsi %iota3A, %div3A : vector<256x8xi32>
    %sign3A = arith.constant 0 : i32
    %sign3A_3 = vector.broadcast %sign3A : i32 to vector<256x8xi32>
    %sign3A_4 = arith.cmpi sgt, %iota3A, %sign3A_3 : vector<256x8xi32>
    %sign3A_5 = arith.extui %sign3A_4 : vector<256x8xi1> to vector<256x8xi32>
    %sign3A_6 = arith.constant 0 : i32
    %sign3A_7 = vector.broadcast %sign3A_6 : i32 to vector<256x8xi32>
    %sign3A_8 = arith.cmpi slt, %iota3A, %sign3A_7 : vector<256x8xi32>
    %sign3A_9 = arith.extui %sign3A_8 : vector<256x8xi1> to vector<256x8xi32>
    %sign3A_10 = arith.subi %sign3A_5, %sign3A_9 : vector<256x8xi32>
    %sign3A_11 = arith.constant 0 : i32
    %sign3A_12 = arith.cmpi sgt, %jit3A, %sign3A_11 : i32
    %sign3A_13 = arith.extui %sign3A_12 : i1 to i32
    %sign3A_14 = arith.constant 0 : i32
    %sign3A_15 = arith.cmpi slt, %jit3A, %sign3A_14 : i32
    %sign3A_16 = arith.extui %sign3A_15 : i1 to i32
    %sign3A_17 = arith.subi %sign3A_13, %sign3A_16 : i32
    %ne3A = vector.broadcast %sign3A_17 : i32 to vector<256x8xi32>
    %ne3A_18 = arith.cmpi ne, %sign3A_10, %ne3A : vector<256x8xi32>
    %rem3A = vector.broadcast %jit3A : i32 to vector<256x8xi32>
    %rem3A_19 = arith.remsi %iota3A, %rem3A : vector<256x8xi32>
    %ne3A_20 = arith.constant 0 : i32
    %ne3A_21 = vector.broadcast %ne3A_20 : i32 to vector<256x8xi32>
    %ne3A_22 = arith.cmpi ne, %rem3A_19, %ne3A_21 : vector<256x8xi32>
    %and3A = arith.andi %ne3A_18, %ne3A_22 : vector<256x8xi1>
    %sub3A = arith.constant 1 : i32
    %sub3A_23 = vector.broadcast %sub3A : i32 to vector<256x8xi32>
    %sub3A_24 = arith.subi %div3A_2, %sub3A_23 : vector<256x8xi32>
    %select_n3A = arith.select %and3A, %sub3A_24, %div3A_2 : vector<256x8xi1>, vector<256x8xi32>
    %iota3A_25 = tpu.iota {dimensions = array<i32: 1>} : vector<256x8xi32>
    %eq3A = arith.cmpi eq, %select_n3A, %iota3A_25 : vector<256x8xi32>
    %convert_element_type3A = arith.extui %eq3A : vector<256x8xi1> to vector<256x8xi32>
    %convert_element_type3A_26 = arith.sitofp %convert_element_type3A : vector<256x8xi32> to vector<256x8xf32>
    %iota3A_27 = tpu.iota {dimensions = array<i32: 0>} : vector<8x256xi32>
    %iota3A_28 = tpu.iota {dimensions = array<i32: 1>} : vector<8x256xi32>
    %jit3A_29 = arith.constant 32 : i32
    %div3A_30 = vector.broadcast %jit3A_29 : i32 to vector<8x256xi32>
    %div3A_31 = arith.divsi %iota3A_28, %div3A_30 : vector<8x256xi32>
    %sign3A_32 = arith.constant 0 : i32
    %sign3A_33 = vector.broadcast %sign3A_32 : i32 to vector<8x256xi32>
    %sign3A_34 = arith.cmpi sgt, %iota3A_28, %sign3A_33 : vector<8x256xi32>
    %sign3A_35 = arith.extui %sign3A_34 : vector<8x256xi1> to vector<8x256xi32>
    %sign3A_36 = arith.constant 0 : i32
    %sign3A_37 = vector.broadcast %sign3A_36 : i32 to vector<8x256xi32>
    %sign3A_38 = arith.cmpi slt, %iota3A_28, %sign3A_37 : vector<8x256xi32>
    %sign3A_39 = arith.extui %sign3A_38 : vector<8x256xi1> to vector<8x256xi32>
    %sign3A_40 = arith.subi %sign3A_35, %sign3A_39 : vector<8x256xi32>
    %sign3A_41 = arith.constant 0 : i32
    %sign3A_42 = arith.cmpi sgt, %jit3A_29, %sign3A_41 : i32
    %sign3A_43 = arith.extui %sign3A_42 : i1 to i32
    %sign3A_44 = arith.constant 0 : i32
    %sign3A_45 = arith.cmpi slt, %jit3A_29, %sign3A_44 : i32
    %sign3A_46 = arith.extui %sign3A_45 : i1 to i32
    %sign3A_47 = arith.subi %sign3A_43, %sign3A_46 : i32
    %ne3A_48 = vector.broadcast %sign3A_47 : i32 to vector<8x256xi32>
    %ne3A_49 = arith.cmpi ne, %sign3A_40, %ne3A_48 : vector<8x256xi32>
    %rem3A_50 = vector.broadcast %jit3A_29 : i32 to vector<8x256xi32>
    %rem3A_51 = arith.remsi %iota3A_28, %rem3A_50 : vector<8x256xi32>
    %ne3A_52 = arith.constant 0 : i32
    %ne3A_53 = vector.broadcast %ne3A_52 : i32 to vector<8x256xi32>
    %ne3A_54 = arith.cmpi ne, %rem3A_51, %ne3A_53 : vector<8x256xi32>
    %and3A_55 = arith.andi %ne3A_49, %ne3A_54 : vector<8x256xi1>
    %sub3A_56 = arith.constant 1 : i32
    %sub3A_57 = vector.broadcast %sub3A_56 : i32 to vector<8x256xi32>
    %sub3A_58 = arith.subi %div3A_31, %sub3A_57 : vector<8x256xi32>
    %select_n3A_59 = arith.select %and3A_55, %sub3A_58, %div3A_31 : vector<8x256xi1>, vector<8x256xi32>
    %eq3A_60 = arith.cmpi eq, %iota3A_27, %select_n3A_59 : vector<8x256xi32>
    %convert_element_type3A_61 = arith.extui %eq3A_60 : vector<8x256xi1> to vector<8x256xi32>
    %convert_element_type3A_62 = arith.sitofp %convert_element_type3A_61 : vector<8x256xi32> to vector<8x256xf32>
    %mul3A = arith.mulf %get3A_1, %get3A_1 : vector<4000x256xf32>
    %dot_general3A = arith.constant dense<0.000000e+00> : vector<4000x8xf32>
    %dot_general3A_63 = tpu.matmul %mul3A, %convert_element_type3A_26, %dot_general3A {dimension_numbers = #tpu.dot_dimension_numbers<[1], [0], [0], [1], [0, 0, 1, 1], [], []>, transpose_lhs_hint = false} : vector<4000x256xf32>, vector<256x8xf32>, vector<4000x8xf32> -> vector<4000x8xf32>
    %sqrt3A = math.sqrt %dot_general3A_63 : vector<4000x8xf32>
    %max3A = arith.constant 9.99999996E-13 : f32
    %max3A_64 = vector.broadcast %max3A : f32 to vector<4000x8xf32>
    %max3A_65 = arith.maximumf %sqrt3A, %max3A_64 : vector<4000x8xf32>
    %div3A_66 = arith.constant 1.000000e+00 : f32
    %div3A_67 = vector.broadcast %div3A_66 : f32 to vector<4000x8xf32>
    %div3A_68 = arith.divf %div3A_67, %max3A_65 : vector<4000x8xf32>
    %dot_general3A_69 = arith.constant dense<0.000000e+00> : vector<4000x256xf32>
    %dot_general3A_70 = tpu.matmul %div3A_68, %convert_element_type3A_62, %dot_general3A_69 {dimension_numbers = #tpu.dot_dimension_numbers<[1], [0], [0], [1], [0, 0, 1, 1], [], []>, transpose_lhs_hint = false} : vector<4000x8xf32>, vector<8x256xf32>, vector<4000x256xf32> -> vector<4000x256xf32>
    %mul3A_71 = arith.mulf %get3A_1, %dot_general3A_70 : vector<4000x256xf32>
    %bitcast_convert_type3A = tpu.bitcast %mul3A_71 : vector<4000x256xf32> -> vector<4000x256xi32>
    %add3A = arith.constant 32767 : i32
    %add3A_72 = vector.broadcast %add3A : i32 to vector<4000x256xi32>
    %add3A_73 = arith.addi %bitcast_convert_type3A, %add3A_72 : vector<4000x256xi32>
    %shift_right_logical3A = arith.constant 16 : i32
    %shift_right_logical3A_74 = vector.broadcast %shift_right_logical3A : i32 to vector<4000x256xi32>
    %shift_right_logical3A_75 = arith.shrui %bitcast_convert_type3A, %shift_right_logical3A_74 : vector<4000x256xi32>
    %and3A_76 = arith.constant 1 : i32
    %and3A_77 = vector.broadcast %and3A_76 : i32 to vector<4000x256xi32>
    %and3A_78 = arith.andi %shift_right_logical3A_75, %and3A_77 : vector<4000x256xi32>
    %add3A_79 = arith.addi %add3A_73, %and3A_78 : vector<4000x256xi32>
    %shift_right_logical3A_80 = arith.constant 16 : i32
    %shift_right_logical3A_81 = vector.broadcast %shift_right_logical3A_80 : i32 to vector<4000x256xi32>
    %shift_right_logical3A_82 = arith.shrui %add3A_79, %shift_right_logical3A_81 : vector<4000x256xi32>
    %slice3A = vector.extract_strided_slice %shift_right_logical3A_82 {offsets = [0, 0], sizes = [4000, 128], strides = [1, 1]} : vector<4000x256xi32> to vector<4000x128xi32>
    %slice3A_83 = vector.extract_strided_slice %shift_right_logical3A_82 {offsets = [0, 128], sizes = [4000, 128], strides = [1, 1]} : vector<4000x256xi32> to vector<4000x128xi32>
    %shift_left3A = arith.constant 16 : i32
    %shift_left3A_84 = vector.broadcast %shift_left3A : i32 to vector<4000x128xi32>
    %shift_left3A_85 = arith.shli %slice3A_83, %shift_left3A_84 : vector<4000x128xi32>
    %or3A = arith.ori %slice3A, %shift_left3A_85 : vector<4000x128xi32>
    %bitcast_convert_type3A_86 = tpu.bitcast %or3A : vector<4000x128xi32> -> vector<4000x128xi32>
    %swap3A = arith.constant 0 : index
    %swap3A_87 = arith.constant 0 : index
    %swap3A_88 = vector.load %arg2[%swap3A, %swap3A_87] : memref<4000x128xi32, #tpu.memory_space<vmem>>, vector<4000x128xi32>
    tpu.vector_store %arg2[%swap3A, %swap3A_87], %bitcast_convert_type3A_86 {strides = array<i32>} : memref<4000x128xi32, #tpu.memory_space<vmem>>, vector<4000x128xi32>,
    return
  }
  func.func @transform_0(%arg0: i32) -> (i32, i32) {
    %c0_i32 = arith.constant 0 : i32
    %c0_i32_0 = arith.constant 0 : i32
    return %arg0, %c0_i32 : i32, i32
  }
  func.func @transform_1(%arg0: i32) -> (i32, i32) {
    %c0_i32 = arith.constant 0 : i32
    %c0_i32_0 = arith.constant 0 : i32
    return %arg0, %c0_i32 : i32, i32
  }
}

module attributes {stable_mosaic.version = 14 : i64} {
  func.func @_route_piece_body(%arg0: i32, %arg1: memref<1xi32, #tpu.memory_space<smem>>, %arg2: memref<1000x128xi32, #tpu.memory_space<vmem>>, %arg3: memref<1000x256xi32, #tpu.memory_space<vmem>>, %arg4: memref<100000x256xf32, #tpu.memory_space<any>>, %arg5: memref<1000x256xf32, #tpu.memory_space<vmem>>) attributes {dimension_semantics = [#tpu.dimension_semantics<arbitrary>], iteration_bounds = array<i64: 20>, scalar_prefetch = 0 : i64, scratch_operands = 0 : i64, tpu.core_type = #tpu.core_type<tc>, window_params = [{transform_indices = @transform_0, window_bounds = array<i64: 1>}, {transform_indices = @transform_1, window_bounds = array<i64: 1000, 128>}, {transform_indices = @transform_2, window_bounds = array<i64: 1000, 256>}, {}, {transform_indices = @transform_4, window_bounds = array<i64: 1000, 256>}]} {
    %iota3A = tpu.iota {dimensions = array<i32: 0>} : vector<256x8xi32>
    %jit3A = arith.constant 32 : i32
    %div3A = vector.broadcast %jit3A : i32 to vector<256x8xi32>
    %div3A_0 = arith.divsi %iota3A, %div3A : vector<256x8xi32>
    %sign3A = arith.constant 0 : i32
    %sign3A_1 = vector.broadcast %sign3A : i32 to vector<256x8xi32>
    %sign3A_2 = arith.cmpi sgt, %iota3A, %sign3A_1 : vector<256x8xi32>
    %sign3A_3 = arith.extui %sign3A_2 : vector<256x8xi1> to vector<256x8xi32>
    %sign3A_4 = arith.constant 0 : i32
    %sign3A_5 = vector.broadcast %sign3A_4 : i32 to vector<256x8xi32>
    %sign3A_6 = arith.cmpi slt, %iota3A, %sign3A_5 : vector<256x8xi32>
    %sign3A_7 = arith.extui %sign3A_6 : vector<256x8xi1> to vector<256x8xi32>
    %sign3A_8 = arith.subi %sign3A_3, %sign3A_7 : vector<256x8xi32>
    %sign3A_9 = arith.constant 0 : i32
    %sign3A_10 = arith.cmpi sgt, %jit3A, %sign3A_9 : i32
    %sign3A_11 = arith.extui %sign3A_10 : i1 to i32
    %sign3A_12 = arith.constant 0 : i32
    %sign3A_13 = arith.cmpi slt, %jit3A, %sign3A_12 : i32
    %sign3A_14 = arith.extui %sign3A_13 : i1 to i32
    %sign3A_15 = arith.subi %sign3A_11, %sign3A_14 : i32
    %ne3A = vector.broadcast %sign3A_15 : i32 to vector<256x8xi32>
    %ne3A_16 = arith.cmpi ne, %sign3A_8, %ne3A : vector<256x8xi32>
    %rem3A = vector.broadcast %jit3A : i32 to vector<256x8xi32>
    %rem3A_17 = arith.remsi %iota3A, %rem3A : vector<256x8xi32>
    %ne3A_18 = arith.constant 0 : i32
    %ne3A_19 = vector.broadcast %ne3A_18 : i32 to vector<256x8xi32>
    %ne3A_20 = arith.cmpi ne, %rem3A_17, %ne3A_19 : vector<256x8xi32>
    %and3A = arith.andi %ne3A_16, %ne3A_20 : vector<256x8xi1>
    %sub3A = arith.constant 1 : i32
    %sub3A_21 = vector.broadcast %sub3A : i32 to vector<256x8xi32>
    %sub3A_22 = arith.subi %div3A_0, %sub3A_21 : vector<256x8xi32>
    %select_n3A = arith.select %and3A, %sub3A_22, %div3A_0 : vector<256x8xi1>, vector<256x8xi32>
    %iota3A_23 = tpu.iota {dimensions = array<i32: 1>} : vector<256x8xi32>
    %eq3A = arith.cmpi eq, %select_n3A, %iota3A_23 : vector<256x8xi32>
    %convert_element_type3A = arith.extui %eq3A : vector<256x8xi1> to vector<256x8xi32>
    %convert_element_type3A_24 = arith.sitofp %convert_element_type3A : vector<256x8xi32> to vector<256x8xf32>
    %convert_element_type3A_25 = arith.truncf %convert_element_type3A_24 : vector<256x8xf32> to vector<256x8xbf16>
    %iota3A_26 = tpu.iota {dimensions = array<i32: 0>} : vector<8x256xi32>
    %iota3A_27 = tpu.iota {dimensions = array<i32: 1>} : vector<8x256xi32>
    %jit3A_28 = arith.constant 32 : i32
    %div3A_29 = vector.broadcast %jit3A_28 : i32 to vector<8x256xi32>
    %div3A_30 = arith.divsi %iota3A_27, %div3A_29 : vector<8x256xi32>
    %sign3A_31 = arith.constant 0 : i32
    %sign3A_32 = vector.broadcast %sign3A_31 : i32 to vector<8x256xi32>
    %sign3A_33 = arith.cmpi sgt, %iota3A_27, %sign3A_32 : vector<8x256xi32>
    %sign3A_34 = arith.extui %sign3A_33 : vector<8x256xi1> to vector<8x256xi32>
    %sign3A_35 = arith.constant 0 : i32
    %sign3A_36 = vector.broadcast %sign3A_35 : i32 to vector<8x256xi32>
    %sign3A_37 = arith.cmpi slt, %iota3A_27, %sign3A_36 : vector<8x256xi32>
    %sign3A_38 = arith.extui %sign3A_37 : vector<8x256xi1> to vector<8x256xi32>
    %sign3A_39 = arith.subi %sign3A_34, %sign3A_38 : vector<8x256xi32>
    %sign3A_40 = arith.constant 0 : i32
    %sign3A_41 = arith.cmpi sgt, %jit3A_28, %sign3A_40 : i32
    %sign3A_42 = arith.extui %sign3A_41 : i1 to i32
    %sign3A_43 = arith.constant 0 : i32
    %sign3A_44 = arith.cmpi slt, %jit3A_28, %sign3A_43 : i32
    %sign3A_45 = arith.extui %sign3A_44 : i1 to i32
    %sign3A_46 = arith.subi %sign3A_42, %sign3A_45 : i32
    %ne3A_47 = vector.broadcast %sign3A_46 : i32 to vector<8x256xi32>
    %ne3A_48 = arith.cmpi ne, %sign3A_39, %ne3A_47 : vector<8x256xi32>
    %rem3A_49 = vector.broadcast %jit3A_28 : i32 to vector<8x256xi32>
    %rem3A_50 = arith.remsi %iota3A_27, %rem3A_49 : vector<8x256xi32>
    %ne3A_51 = arith.constant 0 : i32
    %ne3A_52 = vector.broadcast %ne3A_51 : i32 to vector<8x256xi32>
    %ne3A_53 = arith.cmpi ne, %rem3A_50, %ne3A_52 : vector<8x256xi32>
    %and3A_54 = arith.andi %ne3A_48, %ne3A_53 : vector<8x256xi1>
    %sub3A_55 = arith.constant 1 : i32
    %sub3A_56 = vector.broadcast %sub3A_55 : i32 to vector<8x256xi32>
    %sub3A_57 = arith.subi %div3A_30, %sub3A_56 : vector<8x256xi32>
    %select_n3A_58 = arith.select %and3A_54, %sub3A_57, %div3A_30 : vector<8x256xi1>, vector<8x256xi32>
    %eq3A_59 = arith.cmpi eq, %iota3A_26, %select_n3A_58 : vector<8x256xi32>
    %convert_element_type3A_60 = arith.extui %eq3A_59 : vector<8x256xi1> to vector<8x256xi32>
    %convert_element_type3A_61 = arith.sitofp %convert_element_type3A_60 : vector<8x256xi32> to vector<8x256xf32>
    %convert_element_type3A_62 = arith.truncf %convert_element_type3A_61 : vector<8x256xf32> to vector<8x256xbf16>
    %get3A = arith.constant 0 : index
    %get3A_63 = arith.constant 0 : index
    %get3A_64 = vector.load %arg2[%get3A, %get3A_63] : memref<1000x128xi32, #tpu.memory_space<vmem>>, vector<1000x128xi32>
    %bitcast_convert_type3A = tpu.bitcast %get3A_64 : vector<1000x128xi32> -> vector<1000x128xi32>
    %shift_left3A = arith.constant 16 : i32
    %shift_left3A_65 = vector.broadcast %shift_left3A : i32 to vector<1000x128xi32>
    %shift_left3A_66 = arith.shli %bitcast_convert_type3A, %shift_left3A_65 : vector<1000x128xi32>
    %bitcast_convert_type3A_67 = tpu.bitcast %shift_left3A_66 : vector<1000x128xi32> -> vector<1000x128xf32>
    %and3A_68 = arith.constant -65536 : i32
    %and3A_69 = vector.broadcast %and3A_68 : i32 to vector<1000x128xi32>
    %and3A_70 = arith.andi %bitcast_convert_type3A, %and3A_69 : vector<1000x128xi32>
    %bitcast_convert_type3A_71 = tpu.bitcast %and3A_70 : vector<1000x128xi32> -> vector<1000x128xf32>
    %concatenate3A = tpu.concatenate %bitcast_convert_type3A_67, %bitcast_convert_type3A_71 in 1 : vector<1000x128xf32>, vector<1000x128xf32> -> vector<1000x256xf32>
    %convert_element_type3A_72 = arith.truncf %concatenate3A : vector<1000x256xf32> to vector<1000x256xbf16>
    %get3A_73 = arith.constant 0 : index
    %get3A_74 = arith.constant 0 : index
    %get3A_75 = vector.load %arg3[%get3A_73, %get3A_74] : memref<1000x256xi32, #tpu.memory_space<vmem>>, vector<1000x128xi32>
    %bitcast_convert_type3A_76 = tpu.bitcast %get3A_75 : vector<1000x128xi32> -> vector<1000x128xi32>
    %shift_left3A_77 = arith.constant 16 : i32
    %shift_left3A_78 = vector.broadcast %shift_left3A_77 : i32 to vector<1000x128xi32>
    %shift_left3A_79 = arith.shli %bitcast_convert_type3A_76, %shift_left3A_78 : vector<1000x128xi32>
    %bitcast_convert_type3A_80 = tpu.bitcast %shift_left3A_79 : vector<1000x128xi32> -> vector<1000x128xf32>
    %and3A_81 = arith.constant -65536 : i32
    %and3A_82 = vector.broadcast %and3A_81 : i32 to vector<1000x128xi32>
    %and3A_83 = arith.andi %bitcast_convert_type3A_76, %and3A_82 : vector<1000x128xi32>
    %bitcast_convert_type3A_84 = tpu.bitcast %and3A_83 : vector<1000x128xi32> -> vector<1000x128xf32>
    %concatenate3A_85 = tpu.concatenate %bitcast_convert_type3A_80, %bitcast_convert_type3A_84 in 1 : vector<1000x128xf32>, vector<1000x128xf32> -> vector<1000x256xf32>
    %convert_element_type3A_86 = arith.truncf %concatenate3A_85 : vector<1000x256xf32> to vector<1000x256xbf16>
    %get3A_87 = arith.constant 0 : index
    %get3A_88 = arith.constant 128 : index
    %get3A_89 = vector.load %arg3[%get3A_87, %get3A_88] : memref<1000x256xi32, #tpu.memory_space<vmem>>, vector<1000x128xi32>
    %bitcast_convert_type3A_90 = tpu.bitcast %get3A_89 : vector<1000x128xi32> -> vector<1000x128xi32>
    %shift_left3A_91 = arith.constant 16 : i32
    %shift_left3A_92 = vector.broadcast %shift_left3A_91 : i32 to vector<1000x128xi32>
    %shift_left3A_93 = arith.shli %bitcast_convert_type3A_90, %shift_left3A_92 : vector<1000x128xi32>
    %bitcast_convert_type3A_94 = tpu.bitcast %shift_left3A_93 : vector<1000x128xi32> -> vector<1000x128xf32>
    %and3A_95 = arith.constant -65536 : i32
    %and3A_96 = vector.broadcast %and3A_95 : i32 to vector<1000x128xi32>
    %and3A_97 = arith.andi %bitcast_convert_type3A_90, %and3A_96 : vector<1000x128xi32>
    %bitcast_convert_type3A_98 = tpu.bitcast %and3A_97 : vector<1000x128xi32> -> vector<1000x128xf32>
    %concatenate3A_99 = tpu.concatenate %bitcast_convert_type3A_94, %bitcast_convert_type3A_98 in 1 : vector<1000x128xf32>, vector<1000x128xf32> -> vector<1000x256xf32>
    %convert_element_type3A_100 = arith.truncf %concatenate3A_99 : vector<1000x256xf32> to vector<1000x256xbf16>
    %get3A_101 = arith.constant 0 : index
    %get3A_102 = memref.load %arg1[%get3A_101] : memref<1xi32, #tpu.memory_space<smem>>
    %add3A = arith.addf %convert_element_type3A_86, %convert_element_type3A_100 : vector<1000x256xbf16>
    %mul3A = arith.constant 1.250000e-01 : bf16
    %mul3A_103 = vector.broadcast %mul3A : bf16 to vector<1000x256xbf16>
    %mul3A_104 = arith.mulf %add3A, %mul3A_103 : vector<1000x256xbf16>
    %add3A_105 = arith.addf %mul3A_104, %convert_element_type3A_72 : vector<1000x256xbf16>
    %gt3A = arith.constant 1 : i32
    %gt3A_106 = arith.cmpi sgt, %get3A_102, %gt3A : i32
    %mul3A_107 = arith.mulf %add3A_105, %add3A_105 : vector<1000x256xbf16>
    %dot_general3A = arith.constant dense<0.000000e+00> : vector<1000x8xf32>
    %dot_general3A_108 = tpu.matmul %mul3A_107, %convert_element_type3A_25, %dot_general3A {dimension_numbers = #tpu.dot_dimension_numbers<[1], [0], [0], [1], [0, 0, 1, 1], [], []>, transpose_lhs_hint = false} : vector<1000x256xbf16>, vector<256x8xbf16>, vector<1000x8xf32> -> vector<1000x8xf32>
    %sqrt3A = math.sqrt %dot_general3A_108 : vector<1000x8xf32>
    %max3A = arith.constant 9.99999996E-13 : f32
    %max3A_109 = vector.broadcast %max3A : f32 to vector<1000x8xf32>
    %max3A_110 = arith.maximumf %sqrt3A, %max3A_109 : vector<1000x8xf32>
    %div3A_111 = arith.constant 1.000000e+00 : f32
    %div3A_112 = vector.broadcast %div3A_111 : f32 to vector<1000x8xf32>
    %div3A_113 = arith.divf %div3A_112, %max3A_110 : vector<1000x8xf32>
    %convert_element_type3A_114 = arith.truncf %div3A_113 : vector<1000x8xf32> to vector<1000x8xbf16>
    %dot_general3A_115 = arith.constant dense<0.000000e+00> : vector<1000x256xf32>
    %dot_general3A_116 = tpu.matmul %convert_element_type3A_114, %convert_element_type3A_62, %dot_general3A_115 {dimension_numbers = #tpu.dot_dimension_numbers<[1], [0], [0], [1], [0, 0, 1, 1], [], []>, transpose_lhs_hint = false} : vector<1000x8xbf16>, vector<8x256xbf16>, vector<1000x256xf32> -> vector<1000x256xf32>
    %convert_element_type3A_117 = arith.truncf %dot_general3A_116 : vector<1000x256xf32> to vector<1000x256xbf16>
    %mul3A_118 = arith.mulf %add3A_105, %convert_element_type3A_117 : vector<1000x256xbf16>
    %select_n3A_119 = arith.select %gt3A_106, %mul3A_118, %add3A_105 : vector<1000x256xbf16>
    %ge3A = arith.constant 1 : i32
    %ge3A_120 = arith.cmpi sge, %get3A_102, %ge3A : i32
    %broadcast_in_dim3A = arith.constant 0.000000e+00 : bf16
    %broadcast_in_dim3A_121 = vector.broadcast %broadcast_in_dim3A : bf16 to vector<1000x256xbf16>
    %select_n3A_122 = arith.select %ge3A_120, %select_n3A_119, %broadcast_in_dim3A_121 : vector<1000x256xbf16>
    %sub3A_123 = arith.constant 1 : i32
    %sub3A_124 = arith.subi %get3A_102, %sub3A_123 : i32
    %while3A = arith.constant 1 : i32
    %while3A_125 = arith.subi %sub3A_124, %while3A : i32
    %while3A_126 = arith.addi %while3A, %while3A_125 : i32
    %while3A_127 = arith.constant 1 : i32
    %while3A_128 = arith.divsi %while3A_125, %while3A_127 : i32
    %while3A_129 = arith.muli %while3A_128, %while3A_127 : i32
    %while3A_130 = arith.addi %while3A, %while3A_129 : i32
    %while3A_131 = arith.constant 1 : i32
    %while3A_132 = scf.for %while3A_169 = %while3A to %while3A_130 step %while3A_131 iter_args(%while3A_170 = %select_n3A_122) -> (vector<1000x256xbf16>)  : i32 {
      %mul3A_171 = arith.mulf %convert_element_type3A_86, %while3A_170 : vector<1000x256xbf16>
      %dot_general3A_172 = arith.constant dense<0.000000e+00> : vector<1000x8xf32>
      %dot_general3A_173 = tpu.matmul %mul3A_171, %convert_element_type3A_25, %dot_general3A_172 {dimension_numbers = #tpu.dot_dimension_numbers<[1], [0], [0], [1], [0, 0, 1, 1], [], []>, transpose_lhs_hint = false} : vector<1000x256xbf16>, vector<256x8xbf16>, vector<1000x8xf32> -> vector<1000x8xf32>
      %mul3A_174 = arith.mulf %convert_element_type3A_100, %while3A_170 : vector<1000x256xbf16>
      %dot_general3A_175 = arith.constant dense<0.000000e+00> : vector<1000x8xf32>
      %dot_general3A_176 = tpu.matmul %mul3A_174, %convert_element_type3A_25, %dot_general3A_175 {dimension_numbers = #tpu.dot_dimension_numbers<[1], [0], [0], [1], [0, 0, 1, 1], [], []>, transpose_lhs_hint = false} : vector<1000x256xbf16>, vector<256x8xbf16>, vector<1000x8xf32> -> vector<1000x8xf32>
      %exp3A_177 = math.exp %dot_general3A_173 : vector<1000x8xf32>
      %exp3A_178 = math.exp %dot_general3A_176 : vector<1000x8xf32>
      %reduce_sum3A_179 = arith.constant dense<0.000000e+00> : vector<1000xf32>
      %reduce_sum3A_180 = vector.multi_reduction <add>, %exp3A_177, %reduce_sum3A_179 [1] : vector<1000x8xf32> to vector<1000xf32>
      %broadcast_in_dim3A_181 = vector.shape_cast %reduce_sum3A_180 : vector<1000xf32> to vector<1000x1xf32>
      %div3A_182 = vector.broadcast %broadcast_in_dim3A_181 : vector<1000x1xf32> to vector<1000x8xf32>
      %div3A_183 = arith.divf %exp3A_177, %div3A_182 : vector<1000x8xf32>
      %reduce_sum3A_184 = arith.constant dense<0.000000e+00> : vector<1000xf32>
      %reduce_sum3A_185 = vector.multi_reduction <add>, %exp3A_178, %reduce_sum3A_184 [1] : vector<1000x8xf32> to vector<1000xf32>
      %broadcast_in_dim3A_186 = vector.shape_cast %reduce_sum3A_185 : vector<1000xf32> to vector<1000x1xf32>
      %div3A_187 = vector.broadcast %broadcast_in_dim3A_186 : vector<1000x1xf32> to vector<1000x8xf32>
      %div3A_188 = arith.divf %exp3A_178, %div3A_187 : vector<1000x8xf32>
      %convert_element_type3A_189 = arith.truncf %div3A_183 : vector<1000x8xf32> to vector<1000x8xbf16>
      %dot_general3A_190 = arith.constant dense<0.000000e+00> : vector<1000x256xf32>
      %dot_general3A_191 = tpu.matmul %convert_element_type3A_189, %convert_element_type3A_62, %dot_general3A_190 {dimension_numbers = #tpu.dot_dimension_numbers<[1], [0], [0], [1], [0, 0, 1, 1], [], []>, transpose_lhs_hint = false} : vector<1000x8xbf16>, vector<8x256xbf16>, vector<1000x256xf32> -> vector<1000x256xf32>
      %convert_element_type3A_192 = arith.truncf %dot_general3A_191 : vector<1000x256xf32> to vector<1000x256xbf16>
      %mul3A_193 = arith.mulf %convert_element_type3A_86, %convert_element_type3A_192 : vector<1000x256xbf16>
      %convert_element_type3A_194 = arith.truncf %div3A_188 : vector<1000x8xf32> to vector<1000x8xbf16>
      %dot_general3A_195 = arith.constant dense<0.000000e+00> : vector<1000x256xf32>
      %dot_general3A_196 = tpu.matmul %convert_element_type3A_194, %convert_element_type3A_62, %dot_general3A_195 {dimension_numbers = #tpu.dot_dimension_numbers<[1], [0], [0], [1], [0, 0, 1, 1], [], []>, transpose_lhs_hint = false} : vector<1000x8xbf16>, vector<8x256xbf16>, vector<1000x256xf32> -> vector<1000x256xf32>
      %convert_element_type3A_197 = arith.truncf %dot_general3A_196 : vector<1000x256xf32> to vector<1000x256xbf16>
      %mul3A_198 = arith.mulf %convert_element_type3A_100, %convert_element_type3A_197 : vector<1000x256xbf16>
      %add3A_199 = arith.addf %mul3A_193, %mul3A_198 : vector<1000x256xbf16>
      %add3A_200 = arith.addf %add3A_199, %convert_element_type3A_72 : vector<1000x256xbf16>
      %mul3A_201 = arith.mulf %add3A_200, %add3A_200 : vector<1000x256xbf16>
      %dot_general3A_202 = arith.constant dense<0.000000e+00> : vector<1000x8xf32>
      %dot_general3A_203 = tpu.matmul %mul3A_201, %convert_element_type3A_25, %dot_general3A_202 {dimension_numbers = #tpu.dot_dimension_numbers<[1], [0], [0], [1], [0, 0, 1, 1], [], []>, transpose_lhs_hint = false} : vector<1000x256xbf16>, vector<256x8xbf16>, vector<1000x8xf32> -> vector<1000x8xf32>
      %sqrt3A_204 = math.sqrt %dot_general3A_203 : vector<1000x8xf32>
      %max3A_205 = arith.constant 9.99999996E-13 : f32
      %max3A_206 = vector.broadcast %max3A_205 : f32 to vector<1000x8xf32>
      %max3A_207 = arith.maximumf %sqrt3A_204, %max3A_206 : vector<1000x8xf32>
      %div3A_208 = arith.constant 1.000000e+00 : f32
      %div3A_209 = vector.broadcast %div3A_208 : f32 to vector<1000x8xf32>
      %div3A_210 = arith.divf %div3A_209, %max3A_207 : vector<1000x8xf32>
      %convert_element_type3A_211 = arith.truncf %div3A_210 : vector<1000x8xf32> to vector<1000x8xbf16>
      %dot_general3A_212 = arith.constant dense<0.000000e+00> : vector<1000x256xf32>
      %dot_general3A_213 = tpu.matmul %convert_element_type3A_211, %convert_element_type3A_62, %dot_general3A_212 {dimension_numbers = #tpu.dot_dimension_numbers<[1], [0], [0], [1], [0, 0, 1, 1], [], []>, transpose_lhs_hint = false} : vector<1000x8xbf16>, vector<8x256xbf16>, vector<1000x256xf32> -> vector<1000x256xf32>
      %convert_element_type3A_214 = arith.truncf %dot_general3A_213 : vector<1000x256xf32> to vector<1000x256xbf16>
      %mul3A_215 = arith.mulf %add3A_200, %convert_element_type3A_214 : vector<1000x256xbf16>
      scf.yield %mul3A_215 : vector<1000x256xbf16>
    }
    %while3A_133 = arith.constant 1 : i32
    %while3A_134 = scf.for %while3A_169 = %while3A_130 to %while3A_126 step %while3A_133 iter_args(%while3A_170 = %while3A_132) -> (vector<1000x256xbf16>)  : i32 {
      %mul3A_171 = arith.mulf %convert_element_type3A_86, %while3A_170 : vector<1000x256xbf16>
      %dot_general3A_172 = arith.constant dense<0.000000e+00> : vector<1000x8xf32>
      %dot_general3A_173 = tpu.matmul %mul3A_171, %convert_element_type3A_25, %dot_general3A_172 {dimension_numbers = #tpu.dot_dimension_numbers<[1], [0], [0], [1], [0, 0, 1, 1], [], []>, transpose_lhs_hint = false} : vector<1000x256xbf16>, vector<256x8xbf16>, vector<1000x8xf32> -> vector<1000x8xf32>
      %mul3A_174 = arith.mulf %convert_element_type3A_100, %while3A_170 : vector<1000x256xbf16>
      %dot_general3A_175 = arith.constant dense<0.000000e+00> : vector<1000x8xf32>
      %dot_general3A_176 = tpu.matmul %mul3A_174, %convert_element_type3A_25, %dot_general3A_175 {dimension_numbers = #tpu.dot_dimension_numbers<[1], [0], [0], [1], [0, 0, 1, 1], [], []>, transpose_lhs_hint = false} : vector<1000x256xbf16>, vector<256x8xbf16>, vector<1000x8xf32> -> vector<1000x8xf32>
      %exp3A_177 = math.exp %dot_general3A_173 : vector<1000x8xf32>
      %exp3A_178 = math.exp %dot_general3A_176 : vector<1000x8xf32>
      %reduce_sum3A_179 = arith.constant dense<0.000000e+00> : vector<1000xf32>
      %reduce_sum3A_180 = vector.multi_reduction <add>, %exp3A_177, %reduce_sum3A_179 [1] : vector<1000x8xf32> to vector<1000xf32>
      %broadcast_in_dim3A_181 = vector.shape_cast %reduce_sum3A_180 : vector<1000xf32> to vector<1000x1xf32>
      %div3A_182 = vector.broadcast %broadcast_in_dim3A_181 : vector<1000x1xf32> to vector<1000x8xf32>
      %div3A_183 = arith.divf %exp3A_177, %div3A_182 : vector<1000x8xf32>
      %reduce_sum3A_184 = arith.constant dense<0.000000e+00> : vector<1000xf32>
      %reduce_sum3A_185 = vector.multi_reduction <add>, %exp3A_178, %reduce_sum3A_184 [1] : vector<1000x8xf32> to vector<1000xf32>
      %broadcast_in_dim3A_186 = vector.shape_cast %reduce_sum3A_185 : vector<1000xf32> to vector<1000x1xf32>
      %div3A_187 = vector.broadcast %broadcast_in_dim3A_186 : vector<1000x1xf32> to vector<1000x8xf32>
      %div3A_188 = arith.divf %exp3A_178, %div3A_187 : vector<1000x8xf32>
      %convert_element_type3A_189 = arith.truncf %div3A_183 : vector<1000x8xf32> to vector<1000x8xbf16>
      %dot_general3A_190 = arith.constant dense<0.000000e+00> : vector<1000x256xf32>
      %dot_general3A_191 = tpu.matmul %convert_element_type3A_189, %convert_element_type3A_62, %dot_general3A_190 {dimension_numbers = #tpu.dot_dimension_numbers<[1], [0], [0], [1], [0, 0, 1, 1], [], []>, transpose_lhs_hint = false} : vector<1000x8xbf16>, vector<8x256xbf16>, vector<1000x256xf32> -> vector<1000x256xf32>
      %convert_element_type3A_192 = arith.truncf %dot_general3A_191 : vector<1000x256xf32> to vector<1000x256xbf16>
      %mul3A_193 = arith.mulf %convert_element_type3A_86, %convert_element_type3A_192 : vector<1000x256xbf16>
      %convert_element_type3A_194 = arith.truncf %div3A_188 : vector<1000x8xf32> to vector<1000x8xbf16>
      %dot_general3A_195 = arith.constant dense<0.000000e+00> : vector<1000x256xf32>
      %dot_general3A_196 = tpu.matmul %convert_element_type3A_194, %convert_element_type3A_62, %dot_general3A_195 {dimension_numbers = #tpu.dot_dimension_numbers<[1], [0], [0], [1], [0, 0, 1, 1], [], []>, transpose_lhs_hint = false} : vector<1000x8xbf16>, vector<8x256xbf16>, vector<1000x256xf32> -> vector<1000x256xf32>
      %convert_element_type3A_197 = arith.truncf %dot_general3A_196 : vector<1000x256xf32> to vector<1000x256xbf16>
      %mul3A_198 = arith.mulf %convert_element_type3A_100, %convert_element_type3A_197 : vector<1000x256xbf16>
      %add3A_199 = arith.addf %mul3A_193, %mul3A_198 : vector<1000x256xbf16>
      %add3A_200 = arith.addf %add3A_199, %convert_element_type3A_72 : vector<1000x256xbf16>
      %mul3A_201 = arith.mulf %add3A_200, %add3A_200 : vector<1000x256xbf16>
      %dot_general3A_202 = arith.constant dense<0.000000e+00> : vector<1000x8xf32>
      %dot_general3A_203 = tpu.matmul %mul3A_201, %convert_element_type3A_25, %dot_general3A_202 {dimension_numbers = #tpu.dot_dimension_numbers<[1], [0], [0], [1], [0, 0, 1, 1], [], []>, transpose_lhs_hint = false} : vector<1000x256xbf16>, vector<256x8xbf16>, vector<1000x8xf32> -> vector<1000x8xf32>
      %sqrt3A_204 = math.sqrt %dot_general3A_203 : vector<1000x8xf32>
      %max3A_205 = arith.constant 9.99999996E-13 : f32
      %max3A_206 = vector.broadcast %max3A_205 : f32 to vector<1000x8xf32>
      %max3A_207 = arith.maximumf %sqrt3A_204, %max3A_206 : vector<1000x8xf32>
      %div3A_208 = arith.constant 1.000000e+00 : f32
      %div3A_209 = vector.broadcast %div3A_208 : f32 to vector<1000x8xf32>
      %div3A_210 = arith.divf %div3A_209, %max3A_207 : vector<1000x8xf32>
      %convert_element_type3A_211 = arith.truncf %div3A_210 : vector<1000x8xf32> to vector<1000x8xbf16>
      %dot_general3A_212 = arith.constant dense<0.000000e+00> : vector<1000x256xf32>
      %dot_general3A_213 = tpu.matmul %convert_element_type3A_211, %convert_element_type3A_62, %dot_general3A_212 {dimension_numbers = #tpu.dot_dimension_numbers<[1], [0], [0], [1], [0, 0, 1, 1], [], []>, transpose_lhs_hint = false} : vector<1000x8xbf16>, vector<8x256xbf16>, vector<1000x256xf32> -> vector<1000x256xf32>
      %convert_element_type3A_214 = arith.truncf %dot_general3A_213 : vector<1000x256xf32> to vector<1000x256xbf16>
      %mul3A_215 = arith.mulf %add3A_200, %convert_element_type3A_214 : vector<1000x256xbf16>
      scf.yield %mul3A_215 : vector<1000x256xbf16>
    }
    %mul3A_135 = arith.mulf %convert_element_type3A_86, %while3A_134 : vector<1000x256xbf16>
    %dot_general3A_136 = arith.constant dense<0.000000e+00> : vector<1000x8xf32>
    %dot_general3A_137 = tpu.matmul %mul3A_135, %convert_element_type3A_25, %dot_general3A_136 {dimension_numbers = #tpu.dot_dimension_numbers<[1], [0], [0], [1], [0, 0, 1, 1], [], []>, transpose_lhs_hint = false} : vector<1000x256xbf16>, vector<256x8xbf16>, vector<1000x8xf32> -> vector<1000x8xf32>
    %mul3A_138 = arith.mulf %convert_element_type3A_100, %while3A_134 : vector<1000x256xbf16>
    %dot_general3A_139 = arith.constant dense<0.000000e+00> : vector<1000x8xf32>
    %dot_general3A_140 = tpu.matmul %mul3A_138, %convert_element_type3A_25, %dot_general3A_139 {dimension_numbers = #tpu.dot_dimension_numbers<[1], [0], [0], [1], [0, 0, 1, 1], [], []>, transpose_lhs_hint = false} : vector<1000x256xbf16>, vector<256x8xbf16>, vector<1000x8xf32> -> vector<1000x8xf32>
    %exp3A = math.exp %dot_general3A_137 : vector<1000x8xf32>
    %exp3A_141 = math.exp %dot_general3A_140 : vector<1000x8xf32>
    %reduce_sum3A = arith.constant dense<0.000000e+00> : vector<1000xf32>
    %reduce_sum3A_142 = vector.multi_reduction <add>, %exp3A, %reduce_sum3A [1] : vector<1000x8xf32> to vector<1000xf32>
    %broadcast_in_dim3A_143 = vector.shape_cast %reduce_sum3A_142 : vector<1000xf32> to vector<1000x1xf32>
    %div3A_144 = vector.broadcast %broadcast_in_dim3A_143 : vector<1000x1xf32> to vector<1000x8xf32>
    %div3A_145 = arith.divf %exp3A, %div3A_144 : vector<1000x8xf32>
    %reduce_sum3A_146 = arith.constant dense<0.000000e+00> : vector<1000xf32>
    %reduce_sum3A_147 = vector.multi_reduction <add>, %exp3A_141, %reduce_sum3A_146 [1] : vector<1000x8xf32> to vector<1000xf32>
    %broadcast_in_dim3A_148 = vector.shape_cast %reduce_sum3A_147 : vector<1000xf32> to vector<1000x1xf32>
    %div3A_149 = vector.broadcast %broadcast_in_dim3A_148 : vector<1000x1xf32> to vector<1000x8xf32>
    %div3A_150 = arith.divf %exp3A_141, %div3A_149 : vector<1000x8xf32>
    %convert_element_type3A_151 = arith.truncf %div3A_145 : vector<1000x8xf32> to vector<1000x8xbf16>
    %dot_general3A_152 = arith.constant dense<0.000000e+00> : vector<1000x256xf32>
    %dot_general3A_153 = tpu.matmul %convert_element_type3A_151, %convert_element_type3A_62, %dot_general3A_152 {dimension_numbers = #tpu.dot_dimension_numbers<[1], [0], [0], [1], [0, 0, 1, 1], [], []>, transpose_lhs_hint = false} : vector<1000x8xbf16>, vector<8x256xbf16>, vector<1000x256xf32> -> vector<1000x256xf32>
    %convert_element_type3A_154 = arith.truncf %dot_general3A_153 : vector<1000x256xf32> to vector<1000x256xbf16>
    %mul3A_155 = arith.mulf %convert_element_type3A_86, %convert_element_type3A_154 : vector<1000x256xbf16>
    %convert_element_type3A_156 = arith.truncf %div3A_150 : vector<1000x8xf32> to vector<1000x8xbf16>
    %dot_general3A_157 = arith.constant dense<0.000000e+00> : vector<1000x256xf32>
    %dot_general3A_158 = tpu.matmul %convert_element_type3A_156, %convert_element_type3A_62, %dot_general3A_157 {dimension_numbers = #tpu.dot_dimension_numbers<[1], [0], [0], [1], [0, 0, 1, 1], [], []>, transpose_lhs_hint = false} : vector<1000x8xbf16>, vector<8x256xbf16>, vector<1000x256xf32> -> vector<1000x256xf32>
    %convert_element_type3A_159 = arith.truncf %dot_general3A_158 : vector<1000x256xf32> to vector<1000x256xbf16>
    %mul3A_160 = arith.mulf %convert_element_type3A_100, %convert_element_type3A_159 : vector<1000x256xbf16>
    %add3A_161 = arith.addf %mul3A_155, %mul3A_160 : vector<1000x256xbf16>
    %add3A_162 = arith.addf %add3A_161, %convert_element_type3A_72 : vector<1000x256xbf16>
    %ge3A_163 = arith.constant 2 : i32
    %ge3A_164 = arith.cmpi sge, %get3A_102, %ge3A_163 : i32
    %select_n3A_165 = arith.select %ge3A_164, %add3A_162, %while3A_134 : vector<1000x256xbf16>
    %convert_element_type3A_166 = arith.extf %select_n3A_165 : vector<1000x256xbf16> to vector<1000x256xf32>
    %swap3A = arith.constant 0 : index
    %swap3A_167 = arith.constant 0 : index
    %swap3A_168 = vector.load %arg5[%swap3A, %swap3A_167] : memref<1000x256xf32, #tpu.memory_space<vmem>>, vector<1000x256xf32>
    tpu.vector_store %arg5[%swap3A, %swap3A_167], %convert_element_type3A_166 {strides = array<i32>} : memref<1000x256xf32, #tpu.memory_space<vmem>>, vector<1000x256xf32>,
    return
  }
  func.func @transform_0(%arg0: i32) -> i32 {
    %c0_i32 = arith.constant 0 : i32
    %c0_i32_0 = arith.constant 0 : i32
    return %c0_i32 : i32
  }
  func.func @transform_1(%arg0: i32) -> (i32, i32) {
    %add3A = arith.constant 0 : i32
    %add3A_0 = arith.addi %arg0, %add3A : i32
    %c0_i32 = arith.constant 0 : i32
    %c0_i32_1 = arith.constant 0 : i32
    return %add3A_0, %c0_i32 : i32, i32
  }
  func.func @transform_2(%arg0: i32) -> (i32, i32) {
    %c0_i32 = arith.constant 0 : i32
    %c0_i32_0 = arith.constant 0 : i32
    return %arg0, %c0_i32 : i32, i32
  }
  func.func @transform_4(%arg0: i32) -> (i32, i32) {
    %add3A = arith.constant 0 : i32
    %add3A_0 = arith.addi %arg0, %add3A : i32
    %c0_i32 = arith.constant 0 : i32
    %c0_i32_1 = arith.constant 0 : i32
    return %add3A_0, %c0_i32 : i32, i32
  }
}

module attributes {stable_mosaic.version = 14 : i64} {
  func.func @_route_piece_body(%arg0: i32, %arg1: memref<1xi32, #tpu.memory_space<smem>>, %arg2: memref<1000x128xi32, #tpu.memory_space<vmem>>, %arg3: memref<1000x256xi32, #tpu.memory_space<vmem>>, %arg4: memref<100000x256xf32, #tpu.memory_space<any>>, %arg5: memref<1000x256xf32, #tpu.memory_space<vmem>>) attributes {dimension_semantics = [#tpu.dimension_semantics<arbitrary>], iteration_bounds = array<i64: 20>, scalar_prefetch = 0 : i64, scratch_operands = 0 : i64, tpu.core_type = #tpu.core_type<tc>, window_params = [{transform_indices = @transform_0, window_bounds = array<i64: 1>}, {transform_indices = @transform_1, window_bounds = array<i64: 1000, 128>}, {transform_indices = @transform_2, window_bounds = array<i64: 1000, 256>}, {}, {transform_indices = @transform_4, window_bounds = array<i64: 1000, 256>}]} {
    %iota3A = tpu.iota {dimensions = array<i32: 0>} : vector<256x8xi32>
    %jit3A = arith.constant 32 : i32
    %div3A = vector.broadcast %jit3A : i32 to vector<256x8xi32>
    %div3A_0 = arith.divsi %iota3A, %div3A : vector<256x8xi32>
    %sign3A = arith.constant 0 : i32
    %sign3A_1 = vector.broadcast %sign3A : i32 to vector<256x8xi32>
    %sign3A_2 = arith.cmpi sgt, %iota3A, %sign3A_1 : vector<256x8xi32>
    %sign3A_3 = arith.extui %sign3A_2 : vector<256x8xi1> to vector<256x8xi32>
    %sign3A_4 = arith.constant 0 : i32
    %sign3A_5 = vector.broadcast %sign3A_4 : i32 to vector<256x8xi32>
    %sign3A_6 = arith.cmpi slt, %iota3A, %sign3A_5 : vector<256x8xi32>
    %sign3A_7 = arith.extui %sign3A_6 : vector<256x8xi1> to vector<256x8xi32>
    %sign3A_8 = arith.subi %sign3A_3, %sign3A_7 : vector<256x8xi32>
    %sign3A_9 = arith.constant 0 : i32
    %sign3A_10 = arith.cmpi sgt, %jit3A, %sign3A_9 : i32
    %sign3A_11 = arith.extui %sign3A_10 : i1 to i32
    %sign3A_12 = arith.constant 0 : i32
    %sign3A_13 = arith.cmpi slt, %jit3A, %sign3A_12 : i32
    %sign3A_14 = arith.extui %sign3A_13 : i1 to i32
    %sign3A_15 = arith.subi %sign3A_11, %sign3A_14 : i32
    %ne3A = vector.broadcast %sign3A_15 : i32 to vector<256x8xi32>
    %ne3A_16 = arith.cmpi ne, %sign3A_8, %ne3A : vector<256x8xi32>
    %rem3A = vector.broadcast %jit3A : i32 to vector<256x8xi32>
    %rem3A_17 = arith.remsi %iota3A, %rem3A : vector<256x8xi32>
    %ne3A_18 = arith.constant 0 : i32
    %ne3A_19 = vector.broadcast %ne3A_18 : i32 to vector<256x8xi32>
    %ne3A_20 = arith.cmpi ne, %rem3A_17, %ne3A_19 : vector<256x8xi32>
    %and3A = arith.andi %ne3A_16, %ne3A_20 : vector<256x8xi1>
    %sub3A = arith.constant 1 : i32
    %sub3A_21 = vector.broadcast %sub3A : i32 to vector<256x8xi32>
    %sub3A_22 = arith.subi %div3A_0, %sub3A_21 : vector<256x8xi32>
    %select_n3A = arith.select %and3A, %sub3A_22, %div3A_0 : vector<256x8xi1>, vector<256x8xi32>
    %iota3A_23 = tpu.iota {dimensions = array<i32: 1>} : vector<256x8xi32>
    %eq3A = arith.cmpi eq, %select_n3A, %iota3A_23 : vector<256x8xi32>
    %convert_element_type3A = arith.extui %eq3A : vector<256x8xi1> to vector<256x8xi32>
    %convert_element_type3A_24 = arith.sitofp %convert_element_type3A : vector<256x8xi32> to vector<256x8xf32>
    %convert_element_type3A_25 = arith.truncf %convert_element_type3A_24 : vector<256x8xf32> to vector<256x8xbf16>
    %iota3A_26 = tpu.iota {dimensions = array<i32: 0>} : vector<8x256xi32>
    %iota3A_27 = tpu.iota {dimensions = array<i32: 1>} : vector<8x256xi32>
    %jit3A_28 = arith.constant 32 : i32
    %div3A_29 = vector.broadcast %jit3A_28 : i32 to vector<8x256xi32>
    %div3A_30 = arith.divsi %iota3A_27, %div3A_29 : vector<8x256xi32>
    %sign3A_31 = arith.constant 0 : i32
    %sign3A_32 = vector.broadcast %sign3A_31 : i32 to vector<8x256xi32>
    %sign3A_33 = arith.cmpi sgt, %iota3A_27, %sign3A_32 : vector<8x256xi32>
    %sign3A_34 = arith.extui %sign3A_33 : vector<8x256xi1> to vector<8x256xi32>
    %sign3A_35 = arith.constant 0 : i32
    %sign3A_36 = vector.broadcast %sign3A_35 : i32 to vector<8x256xi32>
    %sign3A_37 = arith.cmpi slt, %iota3A_27, %sign3A_36 : vector<8x256xi32>
    %sign3A_38 = arith.extui %sign3A_37 : vector<8x256xi1> to vector<8x256xi32>
    %sign3A_39 = arith.subi %sign3A_34, %sign3A_38 : vector<8x256xi32>
    %sign3A_40 = arith.constant 0 : i32
    %sign3A_41 = arith.cmpi sgt, %jit3A_28, %sign3A_40 : i32
    %sign3A_42 = arith.extui %sign3A_41 : i1 to i32
    %sign3A_43 = arith.constant 0 : i32
    %sign3A_44 = arith.cmpi slt, %jit3A_28, %sign3A_43 : i32
    %sign3A_45 = arith.extui %sign3A_44 : i1 to i32
    %sign3A_46 = arith.subi %sign3A_42, %sign3A_45 : i32
    %ne3A_47 = vector.broadcast %sign3A_46 : i32 to vector<8x256xi32>
    %ne3A_48 = arith.cmpi ne, %sign3A_39, %ne3A_47 : vector<8x256xi32>
    %rem3A_49 = vector.broadcast %jit3A_28 : i32 to vector<8x256xi32>
    %rem3A_50 = arith.remsi %iota3A_27, %rem3A_49 : vector<8x256xi32>
    %ne3A_51 = arith.constant 0 : i32
    %ne3A_52 = vector.broadcast %ne3A_51 : i32 to vector<8x256xi32>
    %ne3A_53 = arith.cmpi ne, %rem3A_50, %ne3A_52 : vector<8x256xi32>
    %and3A_54 = arith.andi %ne3A_48, %ne3A_53 : vector<8x256xi1>
    %sub3A_55 = arith.constant 1 : i32
    %sub3A_56 = vector.broadcast %sub3A_55 : i32 to vector<8x256xi32>
    %sub3A_57 = arith.subi %div3A_30, %sub3A_56 : vector<8x256xi32>
    %select_n3A_58 = arith.select %and3A_54, %sub3A_57, %div3A_30 : vector<8x256xi1>, vector<8x256xi32>
    %eq3A_59 = arith.cmpi eq, %iota3A_26, %select_n3A_58 : vector<8x256xi32>
    %convert_element_type3A_60 = arith.extui %eq3A_59 : vector<8x256xi1> to vector<8x256xi32>
    %convert_element_type3A_61 = arith.sitofp %convert_element_type3A_60 : vector<8x256xi32> to vector<8x256xf32>
    %convert_element_type3A_62 = arith.truncf %convert_element_type3A_61 : vector<8x256xf32> to vector<8x256xbf16>
    %get3A = arith.constant 0 : index
    %get3A_63 = arith.constant 0 : index
    %get3A_64 = vector.load %arg2[%get3A, %get3A_63] : memref<1000x128xi32, #tpu.memory_space<vmem>>, vector<1000x128xi32>
    %bitcast_convert_type3A = tpu.bitcast %get3A_64 : vector<1000x128xi32> -> vector<1000x128xi32>
    %shift_left3A = arith.constant 16 : i32
    %shift_left3A_65 = vector.broadcast %shift_left3A : i32 to vector<1000x128xi32>
    %shift_left3A_66 = arith.shli %bitcast_convert_type3A, %shift_left3A_65 : vector<1000x128xi32>
    %bitcast_convert_type3A_67 = tpu.bitcast %shift_left3A_66 : vector<1000x128xi32> -> vector<1000x128xf32>
    %and3A_68 = arith.constant -65536 : i32
    %and3A_69 = vector.broadcast %and3A_68 : i32 to vector<1000x128xi32>
    %and3A_70 = arith.andi %bitcast_convert_type3A, %and3A_69 : vector<1000x128xi32>
    %bitcast_convert_type3A_71 = tpu.bitcast %and3A_70 : vector<1000x128xi32> -> vector<1000x128xf32>
    %concatenate3A = tpu.concatenate %bitcast_convert_type3A_67, %bitcast_convert_type3A_71 in 1 : vector<1000x128xf32>, vector<1000x128xf32> -> vector<1000x256xf32>
    %convert_element_type3A_72 = arith.truncf %concatenate3A : vector<1000x256xf32> to vector<1000x256xbf16>
    %get3A_73 = arith.constant 0 : index
    %get3A_74 = arith.constant 0 : index
    %get3A_75 = vector.load %arg3[%get3A_73, %get3A_74] : memref<1000x256xi32, #tpu.memory_space<vmem>>, vector<1000x128xi32>
    %bitcast_convert_type3A_76 = tpu.bitcast %get3A_75 : vector<1000x128xi32> -> vector<1000x128xi32>
    %shift_left3A_77 = arith.constant 16 : i32
    %shift_left3A_78 = vector.broadcast %shift_left3A_77 : i32 to vector<1000x128xi32>
    %shift_left3A_79 = arith.shli %bitcast_convert_type3A_76, %shift_left3A_78 : vector<1000x128xi32>
    %bitcast_convert_type3A_80 = tpu.bitcast %shift_left3A_79 : vector<1000x128xi32> -> vector<1000x128xf32>
    %and3A_81 = arith.constant -65536 : i32
    %and3A_82 = vector.broadcast %and3A_81 : i32 to vector<1000x128xi32>
    %and3A_83 = arith.andi %bitcast_convert_type3A_76, %and3A_82 : vector<1000x128xi32>
    %bitcast_convert_type3A_84 = tpu.bitcast %and3A_83 : vector<1000x128xi32> -> vector<1000x128xf32>
    %concatenate3A_85 = tpu.concatenate %bitcast_convert_type3A_80, %bitcast_convert_type3A_84 in 1 : vector<1000x128xf32>, vector<1000x128xf32> -> vector<1000x256xf32>
    %convert_element_type3A_86 = arith.truncf %concatenate3A_85 : vector<1000x256xf32> to vector<1000x256xbf16>
    %get3A_87 = arith.constant 0 : index
    %get3A_88 = arith.constant 128 : index
    %get3A_89 = vector.load %arg3[%get3A_87, %get3A_88] : memref<1000x256xi32, #tpu.memory_space<vmem>>, vector<1000x128xi32>
    %bitcast_convert_type3A_90 = tpu.bitcast %get3A_89 : vector<1000x128xi32> -> vector<1000x128xi32>
    %shift_left3A_91 = arith.constant 16 : i32
    %shift_left3A_92 = vector.broadcast %shift_left3A_91 : i32 to vector<1000x128xi32>
    %shift_left3A_93 = arith.shli %bitcast_convert_type3A_90, %shift_left3A_92 : vector<1000x128xi32>
    %bitcast_convert_type3A_94 = tpu.bitcast %shift_left3A_93 : vector<1000x128xi32> -> vector<1000x128xf32>
    %and3A_95 = arith.constant -65536 : i32
    %and3A_96 = vector.broadcast %and3A_95 : i32 to vector<1000x128xi32>
    %and3A_97 = arith.andi %bitcast_convert_type3A_90, %and3A_96 : vector<1000x128xi32>
    %bitcast_convert_type3A_98 = tpu.bitcast %and3A_97 : vector<1000x128xi32> -> vector<1000x128xf32>
    %concatenate3A_99 = tpu.concatenate %bitcast_convert_type3A_94, %bitcast_convert_type3A_98 in 1 : vector<1000x128xf32>, vector<1000x128xf32> -> vector<1000x256xf32>
    %convert_element_type3A_100 = arith.truncf %concatenate3A_99 : vector<1000x256xf32> to vector<1000x256xbf16>
    %get3A_101 = arith.constant 0 : index
    %get3A_102 = memref.load %arg1[%get3A_101] : memref<1xi32, #tpu.memory_space<smem>>
    %add3A = arith.addf %convert_element_type3A_86, %convert_element_type3A_100 : vector<1000x256xbf16>
    %mul3A = arith.constant 1.250000e-01 : bf16
    %mul3A_103 = vector.broadcast %mul3A : bf16 to vector<1000x256xbf16>
    %mul3A_104 = arith.mulf %add3A, %mul3A_103 : vector<1000x256xbf16>
    %add3A_105 = arith.addf %mul3A_104, %convert_element_type3A_72 : vector<1000x256xbf16>
    %gt3A = arith.constant 1 : i32
    %gt3A_106 = arith.cmpi sgt, %get3A_102, %gt3A : i32
    %mul3A_107 = arith.mulf %add3A_105, %add3A_105 : vector<1000x256xbf16>
    %dot_general3A = arith.constant dense<0.000000e+00> : vector<1000x8xf32>
    %dot_general3A_108 = tpu.matmul %mul3A_107, %convert_element_type3A_25, %dot_general3A {dimension_numbers = #tpu.dot_dimension_numbers<[1], [0], [0], [1], [0, 0, 1, 1], [], []>, transpose_lhs_hint = false} : vector<1000x256xbf16>, vector<256x8xbf16>, vector<1000x8xf32> -> vector<1000x8xf32>
    %sqrt3A = math.sqrt %dot_general3A_108 : vector<1000x8xf32>
    %max3A = arith.constant 9.99999996E-13 : f32
    %max3A_109 = vector.broadcast %max3A : f32 to vector<1000x8xf32>
    %max3A_110 = arith.maximumf %sqrt3A, %max3A_109 : vector<1000x8xf32>
    %div3A_111 = arith.constant 1.000000e+00 : f32
    %div3A_112 = vector.broadcast %div3A_111 : f32 to vector<1000x8xf32>
    %div3A_113 = arith.divf %div3A_112, %max3A_110 : vector<1000x8xf32>
    %convert_element_type3A_114 = arith.truncf %div3A_113 : vector<1000x8xf32> to vector<1000x8xbf16>
    %dot_general3A_115 = arith.constant dense<0.000000e+00> : vector<1000x256xf32>
    %dot_general3A_116 = tpu.matmul %convert_element_type3A_114, %convert_element_type3A_62, %dot_general3A_115 {dimension_numbers = #tpu.dot_dimension_numbers<[1], [0], [0], [1], [0, 0, 1, 1], [], []>, transpose_lhs_hint = false} : vector<1000x8xbf16>, vector<8x256xbf16>, vector<1000x256xf32> -> vector<1000x256xf32>
    %convert_element_type3A_117 = arith.truncf %dot_general3A_116 : vector<1000x256xf32> to vector<1000x256xbf16>
    %mul3A_118 = arith.mulf %add3A_105, %convert_element_type3A_117 : vector<1000x256xbf16>
    %select_n3A_119 = arith.select %gt3A_106, %mul3A_118, %add3A_105 : vector<1000x256xbf16>
    %ge3A = arith.constant 1 : i32
    %ge3A_120 = arith.cmpi sge, %get3A_102, %ge3A : i32
    %broadcast_in_dim3A = arith.constant 0.000000e+00 : bf16
    %broadcast_in_dim3A_121 = vector.broadcast %broadcast_in_dim3A : bf16 to vector<1000x256xbf16>
    %select_n3A_122 = arith.select %ge3A_120, %select_n3A_119, %broadcast_in_dim3A_121 : vector<1000x256xbf16>
    %sub3A_123 = arith.constant 1 : i32
    %sub3A_124 = arith.subi %get3A_102, %sub3A_123 : i32
    %while3A = arith.constant 1 : i32
    %while3A_125 = arith.subi %sub3A_124, %while3A : i32
    %while3A_126 = arith.addi %while3A, %while3A_125 : i32
    %while3A_127 = arith.constant 1 : i32
    %while3A_128 = arith.divsi %while3A_125, %while3A_127 : i32
    %while3A_129 = arith.muli %while3A_128, %while3A_127 : i32
    %while3A_130 = arith.addi %while3A, %while3A_129 : i32
    %while3A_131 = arith.constant 1 : i32
    %while3A_132 = scf.for %while3A_169 = %while3A to %while3A_130 step %while3A_131 iter_args(%while3A_170 = %select_n3A_122) -> (vector<1000x256xbf16>)  : i32 {
      %mul3A_171 = arith.mulf %convert_element_type3A_86, %while3A_170 : vector<1000x256xbf16>
      %dot_general3A_172 = arith.constant dense<0.000000e+00> : vector<1000x8xf32>
      %dot_general3A_173 = tpu.matmul %mul3A_171, %convert_element_type3A_25, %dot_general3A_172 {dimension_numbers = #tpu.dot_dimension_numbers<[1], [0], [0], [1], [0, 0, 1, 1], [], []>, transpose_lhs_hint = false} : vector<1000x256xbf16>, vector<256x8xbf16>, vector<1000x8xf32> -> vector<1000x8xf32>
      %mul3A_174 = arith.mulf %convert_element_type3A_100, %while3A_170 : vector<1000x256xbf16>
      %dot_general3A_175 = arith.constant dense<0.000000e+00> : vector<1000x8xf32>
      %dot_general3A_176 = tpu.matmul %mul3A_174, %convert_element_type3A_25, %dot_general3A_175 {dimension_numbers = #tpu.dot_dimension_numbers<[1], [0], [0], [1], [0, 0, 1, 1], [], []>, transpose_lhs_hint = false} : vector<1000x256xbf16>, vector<256x8xbf16>, vector<1000x8xf32> -> vector<1000x8xf32>
      %exp3A_177 = math.exp %dot_general3A_173 : vector<1000x8xf32>
      %exp3A_178 = math.exp %dot_general3A_176 : vector<1000x8xf32>
      %reduce_sum3A_179 = arith.constant dense<0.000000e+00> : vector<1000xf32>
      %reduce_sum3A_180 = vector.multi_reduction <add>, %exp3A_177, %reduce_sum3A_179 [1] : vector<1000x8xf32> to vector<1000xf32>
      %broadcast_in_dim3A_181 = vector.shape_cast %reduce_sum3A_180 : vector<1000xf32> to vector<1000x1xf32>
      %div3A_182 = vector.broadcast %broadcast_in_dim3A_181 : vector<1000x1xf32> to vector<1000x8xf32>
      %div3A_183 = arith.divf %exp3A_177, %div3A_182 : vector<1000x8xf32>
      %reduce_sum3A_184 = arith.constant dense<0.000000e+00> : vector<1000xf32>
      %reduce_sum3A_185 = vector.multi_reduction <add>, %exp3A_178, %reduce_sum3A_184 [1] : vector<1000x8xf32> to vector<1000xf32>
      %broadcast_in_dim3A_186 = vector.shape_cast %reduce_sum3A_185 : vector<1000xf32> to vector<1000x1xf32>
      %div3A_187 = vector.broadcast %broadcast_in_dim3A_186 : vector<1000x1xf32> to vector<1000x8xf32>
      %div3A_188 = arith.divf %exp3A_178, %div3A_187 : vector<1000x8xf32>
      %convert_element_type3A_189 = arith.truncf %div3A_183 : vector<1000x8xf32> to vector<1000x8xbf16>
      %dot_general3A_190 = arith.constant dense<0.000000e+00> : vector<1000x256xf32>
      %dot_general3A_191 = tpu.matmul %convert_element_type3A_189, %convert_element_type3A_62, %dot_general3A_190 {dimension_numbers = #tpu.dot_dimension_numbers<[1], [0], [0], [1], [0, 0, 1, 1], [], []>, transpose_lhs_hint = false} : vector<1000x8xbf16>, vector<8x256xbf16>, vector<1000x256xf32> -> vector<1000x256xf32>
      %convert_element_type3A_192 = arith.truncf %dot_general3A_191 : vector<1000x256xf32> to vector<1000x256xbf16>
      %mul3A_193 = arith.mulf %convert_element_type3A_86, %convert_element_type3A_192 : vector<1000x256xbf16>
      %convert_element_type3A_194 = arith.truncf %div3A_188 : vector<1000x8xf32> to vector<1000x8xbf16>
      %dot_general3A_195 = arith.constant dense<0.000000e+00> : vector<1000x256xf32>
      %dot_general3A_196 = tpu.matmul %convert_element_type3A_194, %convert_element_type3A_62, %dot_general3A_195 {dimension_numbers = #tpu.dot_dimension_numbers<[1], [0], [0], [1], [0, 0, 1, 1], [], []>, transpose_lhs_hint = false} : vector<1000x8xbf16>, vector<8x256xbf16>, vector<1000x256xf32> -> vector<1000x256xf32>
      %convert_element_type3A_197 = arith.truncf %dot_general3A_196 : vector<1000x256xf32> to vector<1000x256xbf16>
      %mul3A_198 = arith.mulf %convert_element_type3A_100, %convert_element_type3A_197 : vector<1000x256xbf16>
      %add3A_199 = arith.addf %mul3A_193, %mul3A_198 : vector<1000x256xbf16>
      %add3A_200 = arith.addf %add3A_199, %convert_element_type3A_72 : vector<1000x256xbf16>
      %mul3A_201 = arith.mulf %add3A_200, %add3A_200 : vector<1000x256xbf16>
      %dot_general3A_202 = arith.constant dense<0.000000e+00> : vector<1000x8xf32>
      %dot_general3A_203 = tpu.matmul %mul3A_201, %convert_element_type3A_25, %dot_general3A_202 {dimension_numbers = #tpu.dot_dimension_numbers<[1], [0], [0], [1], [0, 0, 1, 1], [], []>, transpose_lhs_hint = false} : vector<1000x256xbf16>, vector<256x8xbf16>, vector<1000x8xf32> -> vector<1000x8xf32>
      %sqrt3A_204 = math.sqrt %dot_general3A_203 : vector<1000x8xf32>
      %max3A_205 = arith.constant 9.99999996E-13 : f32
      %max3A_206 = vector.broadcast %max3A_205 : f32 to vector<1000x8xf32>
      %max3A_207 = arith.maximumf %sqrt3A_204, %max3A_206 : vector<1000x8xf32>
      %div3A_208 = arith.constant 1.000000e+00 : f32
      %div3A_209 = vector.broadcast %div3A_208 : f32 to vector<1000x8xf32>
      %div3A_210 = arith.divf %div3A_209, %max3A_207 : vector<1000x8xf32>
      %convert_element_type3A_211 = arith.truncf %div3A_210 : vector<1000x8xf32> to vector<1000x8xbf16>
      %dot_general3A_212 = arith.constant dense<0.000000e+00> : vector<1000x256xf32>
      %dot_general3A_213 = tpu.matmul %convert_element_type3A_211, %convert_element_type3A_62, %dot_general3A_212 {dimension_numbers = #tpu.dot_dimension_numbers<[1], [0], [0], [1], [0, 0, 1, 1], [], []>, transpose_lhs_hint = false} : vector<1000x8xbf16>, vector<8x256xbf16>, vector<1000x256xf32> -> vector<1000x256xf32>
      %convert_element_type3A_214 = arith.truncf %dot_general3A_213 : vector<1000x256xf32> to vector<1000x256xbf16>
      %mul3A_215 = arith.mulf %add3A_200, %convert_element_type3A_214 : vector<1000x256xbf16>
      scf.yield %mul3A_215 : vector<1000x256xbf16>
    }
    %while3A_133 = arith.constant 1 : i32
    %while3A_134 = scf.for %while3A_169 = %while3A_130 to %while3A_126 step %while3A_133 iter_args(%while3A_170 = %while3A_132) -> (vector<1000x256xbf16>)  : i32 {
      %mul3A_171 = arith.mulf %convert_element_type3A_86, %while3A_170 : vector<1000x256xbf16>
      %dot_general3A_172 = arith.constant dense<0.000000e+00> : vector<1000x8xf32>
      %dot_general3A_173 = tpu.matmul %mul3A_171, %convert_element_type3A_25, %dot_general3A_172 {dimension_numbers = #tpu.dot_dimension_numbers<[1], [0], [0], [1], [0, 0, 1, 1], [], []>, transpose_lhs_hint = false} : vector<1000x256xbf16>, vector<256x8xbf16>, vector<1000x8xf32> -> vector<1000x8xf32>
      %mul3A_174 = arith.mulf %convert_element_type3A_100, %while3A_170 : vector<1000x256xbf16>
      %dot_general3A_175 = arith.constant dense<0.000000e+00> : vector<1000x8xf32>
      %dot_general3A_176 = tpu.matmul %mul3A_174, %convert_element_type3A_25, %dot_general3A_175 {dimension_numbers = #tpu.dot_dimension_numbers<[1], [0], [0], [1], [0, 0, 1, 1], [], []>, transpose_lhs_hint = false} : vector<1000x256xbf16>, vector<256x8xbf16>, vector<1000x8xf32> -> vector<1000x8xf32>
      %exp3A_177 = math.exp %dot_general3A_173 : vector<1000x8xf32>
      %exp3A_178 = math.exp %dot_general3A_176 : vector<1000x8xf32>
      %reduce_sum3A_179 = arith.constant dense<0.000000e+00> : vector<1000xf32>
      %reduce_sum3A_180 = vector.multi_reduction <add>, %exp3A_177, %reduce_sum3A_179 [1] : vector<1000x8xf32> to vector<1000xf32>
      %broadcast_in_dim3A_181 = vector.shape_cast %reduce_sum3A_180 : vector<1000xf32> to vector<1000x1xf32>
      %div3A_182 = vector.broadcast %broadcast_in_dim3A_181 : vector<1000x1xf32> to vector<1000x8xf32>
      %div3A_183 = arith.divf %exp3A_177, %div3A_182 : vector<1000x8xf32>
      %reduce_sum3A_184 = arith.constant dense<0.000000e+00> : vector<1000xf32>
      %reduce_sum3A_185 = vector.multi_reduction <add>, %exp3A_178, %reduce_sum3A_184 [1] : vector<1000x8xf32> to vector<1000xf32>
      %broadcast_in_dim3A_186 = vector.shape_cast %reduce_sum3A_185 : vector<1000xf32> to vector<1000x1xf32>
      %div3A_187 = vector.broadcast %broadcast_in_dim3A_186 : vector<1000x1xf32> to vector<1000x8xf32>
      %div3A_188 = arith.divf %exp3A_178, %div3A_187 : vector<1000x8xf32>
      %convert_element_type3A_189 = arith.truncf %div3A_183 : vector<1000x8xf32> to vector<1000x8xbf16>
      %dot_general3A_190 = arith.constant dense<0.000000e+00> : vector<1000x256xf32>
      %dot_general3A_191 = tpu.matmul %convert_element_type3A_189, %convert_element_type3A_62, %dot_general3A_190 {dimension_numbers = #tpu.dot_dimension_numbers<[1], [0], [0], [1], [0, 0, 1, 1], [], []>, transpose_lhs_hint = false} : vector<1000x8xbf16>, vector<8x256xbf16>, vector<1000x256xf32> -> vector<1000x256xf32>
      %convert_element_type3A_192 = arith.truncf %dot_general3A_191 : vector<1000x256xf32> to vector<1000x256xbf16>
      %mul3A_193 = arith.mulf %convert_element_type3A_86, %convert_element_type3A_192 : vector<1000x256xbf16>
      %convert_element_type3A_194 = arith.truncf %div3A_188 : vector<1000x8xf32> to vector<1000x8xbf16>
      %dot_general3A_195 = arith.constant dense<0.000000e+00> : vector<1000x256xf32>
      %dot_general3A_196 = tpu.matmul %convert_element_type3A_194, %convert_element_type3A_62, %dot_general3A_195 {dimension_numbers = #tpu.dot_dimension_numbers<[1], [0], [0], [1], [0, 0, 1, 1], [], []>, transpose_lhs_hint = false} : vector<1000x8xbf16>, vector<8x256xbf16>, vector<1000x256xf32> -> vector<1000x256xf32>
      %convert_element_type3A_197 = arith.truncf %dot_general3A_196 : vector<1000x256xf32> to vector<1000x256xbf16>
      %mul3A_198 = arith.mulf %convert_element_type3A_100, %convert_element_type3A_197 : vector<1000x256xbf16>
      %add3A_199 = arith.addf %mul3A_193, %mul3A_198 : vector<1000x256xbf16>
      %add3A_200 = arith.addf %add3A_199, %convert_element_type3A_72 : vector<1000x256xbf16>
      %mul3A_201 = arith.mulf %add3A_200, %add3A_200 : vector<1000x256xbf16>
      %dot_general3A_202 = arith.constant dense<0.000000e+00> : vector<1000x8xf32>
      %dot_general3A_203 = tpu.matmul %mul3A_201, %convert_element_type3A_25, %dot_general3A_202 {dimension_numbers = #tpu.dot_dimension_numbers<[1], [0], [0], [1], [0, 0, 1, 1], [], []>, transpose_lhs_hint = false} : vector<1000x256xbf16>, vector<256x8xbf16>, vector<1000x8xf32> -> vector<1000x8xf32>
      %sqrt3A_204 = math.sqrt %dot_general3A_203 : vector<1000x8xf32>
      %max3A_205 = arith.constant 9.99999996E-13 : f32
      %max3A_206 = vector.broadcast %max3A_205 : f32 to vector<1000x8xf32>
      %max3A_207 = arith.maximumf %sqrt3A_204, %max3A_206 : vector<1000x8xf32>
      %div3A_208 = arith.constant 1.000000e+00 : f32
      %div3A_209 = vector.broadcast %div3A_208 : f32 to vector<1000x8xf32>
      %div3A_210 = arith.divf %div3A_209, %max3A_207 : vector<1000x8xf32>
      %convert_element_type3A_211 = arith.truncf %div3A_210 : vector<1000x8xf32> to vector<1000x8xbf16>
      %dot_general3A_212 = arith.constant dense<0.000000e+00> : vector<1000x256xf32>
      %dot_general3A_213 = tpu.matmul %convert_element_type3A_211, %convert_element_type3A_62, %dot_general3A_212 {dimension_numbers = #tpu.dot_dimension_numbers<[1], [0], [0], [1], [0, 0, 1, 1], [], []>, transpose_lhs_hint = false} : vector<1000x8xbf16>, vector<8x256xbf16>, vector<1000x256xf32> -> vector<1000x256xf32>
      %convert_element_type3A_214 = arith.truncf %dot_general3A_213 : vector<1000x256xf32> to vector<1000x256xbf16>
      %mul3A_215 = arith.mulf %add3A_200, %convert_element_type3A_214 : vector<1000x256xbf16>
      scf.yield %mul3A_215 : vector<1000x256xbf16>
    }
    %mul3A_135 = arith.mulf %convert_element_type3A_86, %while3A_134 : vector<1000x256xbf16>
    %dot_general3A_136 = arith.constant dense<0.000000e+00> : vector<1000x8xf32>
    %dot_general3A_137 = tpu.matmul %mul3A_135, %convert_element_type3A_25, %dot_general3A_136 {dimension_numbers = #tpu.dot_dimension_numbers<[1], [0], [0], [1], [0, 0, 1, 1], [], []>, transpose_lhs_hint = false} : vector<1000x256xbf16>, vector<256x8xbf16>, vector<1000x8xf32> -> vector<1000x8xf32>
    %mul3A_138 = arith.mulf %convert_element_type3A_100, %while3A_134 : vector<1000x256xbf16>
    %dot_general3A_139 = arith.constant dense<0.000000e+00> : vector<1000x8xf32>
    %dot_general3A_140 = tpu.matmul %mul3A_138, %convert_element_type3A_25, %dot_general3A_139 {dimension_numbers = #tpu.dot_dimension_numbers<[1], [0], [0], [1], [0, 0, 1, 1], [], []>, transpose_lhs_hint = false} : vector<1000x256xbf16>, vector<256x8xbf16>, vector<1000x8xf32> -> vector<1000x8xf32>
    %exp3A = math.exp %dot_general3A_137 : vector<1000x8xf32>
    %exp3A_141 = math.exp %dot_general3A_140 : vector<1000x8xf32>
    %reduce_sum3A = arith.constant dense<0.000000e+00> : vector<1000xf32>
    %reduce_sum3A_142 = vector.multi_reduction <add>, %exp3A, %reduce_sum3A [1] : vector<1000x8xf32> to vector<1000xf32>
    %broadcast_in_dim3A_143 = vector.shape_cast %reduce_sum3A_142 : vector<1000xf32> to vector<1000x1xf32>
    %div3A_144 = vector.broadcast %broadcast_in_dim3A_143 : vector<1000x1xf32> to vector<1000x8xf32>
    %div3A_145 = arith.divf %exp3A, %div3A_144 : vector<1000x8xf32>
    %reduce_sum3A_146 = arith.constant dense<0.000000e+00> : vector<1000xf32>
    %reduce_sum3A_147 = vector.multi_reduction <add>, %exp3A_141, %reduce_sum3A_146 [1] : vector<1000x8xf32> to vector<1000xf32>
    %broadcast_in_dim3A_148 = vector.shape_cast %reduce_sum3A_147 : vector<1000xf32> to vector<1000x1xf32>
    %div3A_149 = vector.broadcast %broadcast_in_dim3A_148 : vector<1000x1xf32> to vector<1000x8xf32>
    %div3A_150 = arith.divf %exp3A_141, %div3A_149 : vector<1000x8xf32>
    %convert_element_type3A_151 = arith.truncf %div3A_145 : vector<1000x8xf32> to vector<1000x8xbf16>
    %dot_general3A_152 = arith.constant dense<0.000000e+00> : vector<1000x256xf32>
    %dot_general3A_153 = tpu.matmul %convert_element_type3A_151, %convert_element_type3A_62, %dot_general3A_152 {dimension_numbers = #tpu.dot_dimension_numbers<[1], [0], [0], [1], [0, 0, 1, 1], [], []>, transpose_lhs_hint = false} : vector<1000x8xbf16>, vector<8x256xbf16>, vector<1000x256xf32> -> vector<1000x256xf32>
    %convert_element_type3A_154 = arith.truncf %dot_general3A_153 : vector<1000x256xf32> to vector<1000x256xbf16>
    %mul3A_155 = arith.mulf %convert_element_type3A_86, %convert_element_type3A_154 : vector<1000x256xbf16>
    %convert_element_type3A_156 = arith.truncf %div3A_150 : vector<1000x8xf32> to vector<1000x8xbf16>
    %dot_general3A_157 = arith.constant dense<0.000000e+00> : vector<1000x256xf32>
    %dot_general3A_158 = tpu.matmul %convert_element_type3A_156, %convert_element_type3A_62, %dot_general3A_157 {dimension_numbers = #tpu.dot_dimension_numbers<[1], [0], [0], [1], [0, 0, 1, 1], [], []>, transpose_lhs_hint = false} : vector<1000x8xbf16>, vector<8x256xbf16>, vector<1000x256xf32> -> vector<1000x256xf32>
    %convert_element_type3A_159 = arith.truncf %dot_general3A_158 : vector<1000x256xf32> to vector<1000x256xbf16>
    %mul3A_160 = arith.mulf %convert_element_type3A_100, %convert_element_type3A_159 : vector<1000x256xbf16>
    %add3A_161 = arith.addf %mul3A_155, %mul3A_160 : vector<1000x256xbf16>
    %add3A_162 = arith.addf %add3A_161, %convert_element_type3A_72 : vector<1000x256xbf16>
    %ge3A_163 = arith.constant 2 : i32
    %ge3A_164 = arith.cmpi sge, %get3A_102, %ge3A_163 : i32
    %select_n3A_165 = arith.select %ge3A_164, %add3A_162, %while3A_134 : vector<1000x256xbf16>
    %convert_element_type3A_166 = arith.extf %select_n3A_165 : vector<1000x256xbf16> to vector<1000x256xf32>
    %swap3A = arith.constant 0 : index
    %swap3A_167 = arith.constant 0 : index
    %swap3A_168 = vector.load %arg5[%swap3A, %swap3A_167] : memref<1000x256xf32, #tpu.memory_space<vmem>>, vector<1000x256xf32>
    tpu.vector_store %arg5[%swap3A, %swap3A_167], %convert_element_type3A_166 {strides = array<i32>} : memref<1000x256xf32, #tpu.memory_space<vmem>>, vector<1000x256xf32>,
    return
  }
  func.func @transform_0(%arg0: i32) -> i32 {
    %c0_i32 = arith.constant 0 : i32
    %c0_i32_0 = arith.constant 0 : i32
    return %c0_i32 : i32
  }
  func.func @transform_1(%arg0: i32) -> (i32, i32) {
    %add3A = arith.constant 20 : i32
    %add3A_0 = arith.addi %arg0, %add3A : i32
    %c0_i32 = arith.constant 0 : i32
    %c0_i32_1 = arith.constant 0 : i32
    return %add3A_0, %c0_i32 : i32, i32
  }
  func.func @transform_2(%arg0: i32) -> (i32, i32) {
    %c0_i32 = arith.constant 0 : i32
    %c0_i32_0 = arith.constant 0 : i32
    return %arg0, %c0_i32 : i32, i32
  }
  func.func @transform_4(%arg0: i32) -> (i32, i32) {
    %add3A = arith.constant 20 : i32
    %add3A_0 = arith.addi %arg0, %add3A : i32
    %c0_i32 = arith.constant 0 : i32
    %c0_i32_1 = arith.constant 0 : i32
    return %add3A_0, %c0_i32 : i32, i32
  }
}

module attributes {stable_mosaic.version = 14 : i64} {
  func.func @_route_piece_body(%arg0: i32, %arg1: memref<1xi32, #tpu.memory_space<smem>>, %arg2: memref<1000x128xi32, #tpu.memory_space<vmem>>, %arg3: memref<1000x256xi32, #tpu.memory_space<vmem>>, %arg4: memref<100000x256xf32, #tpu.memory_space<any>>, %arg5: memref<1000x256xf32, #tpu.memory_space<vmem>>) attributes {dimension_semantics = [#tpu.dimension_semantics<arbitrary>], iteration_bounds = array<i64: 20>, scalar_prefetch = 0 : i64, scratch_operands = 0 : i64, tpu.core_type = #tpu.core_type<tc>, window_params = [{transform_indices = @transform_0, window_bounds = array<i64: 1>}, {transform_indices = @transform_1, window_bounds = array<i64: 1000, 128>}, {transform_indices = @transform_2, window_bounds = array<i64: 1000, 256>}, {}, {transform_indices = @transform_4, window_bounds = array<i64: 1000, 256>}]} {
    %iota3A = tpu.iota {dimensions = array<i32: 0>} : vector<256x8xi32>
    %jit3A = arith.constant 32 : i32
    %div3A = vector.broadcast %jit3A : i32 to vector<256x8xi32>
    %div3A_0 = arith.divsi %iota3A, %div3A : vector<256x8xi32>
    %sign3A = arith.constant 0 : i32
    %sign3A_1 = vector.broadcast %sign3A : i32 to vector<256x8xi32>
    %sign3A_2 = arith.cmpi sgt, %iota3A, %sign3A_1 : vector<256x8xi32>
    %sign3A_3 = arith.extui %sign3A_2 : vector<256x8xi1> to vector<256x8xi32>
    %sign3A_4 = arith.constant 0 : i32
    %sign3A_5 = vector.broadcast %sign3A_4 : i32 to vector<256x8xi32>
    %sign3A_6 = arith.cmpi slt, %iota3A, %sign3A_5 : vector<256x8xi32>
    %sign3A_7 = arith.extui %sign3A_6 : vector<256x8xi1> to vector<256x8xi32>
    %sign3A_8 = arith.subi %sign3A_3, %sign3A_7 : vector<256x8xi32>
    %sign3A_9 = arith.constant 0 : i32
    %sign3A_10 = arith.cmpi sgt, %jit3A, %sign3A_9 : i32
    %sign3A_11 = arith.extui %sign3A_10 : i1 to i32
    %sign3A_12 = arith.constant 0 : i32
    %sign3A_13 = arith.cmpi slt, %jit3A, %sign3A_12 : i32
    %sign3A_14 = arith.extui %sign3A_13 : i1 to i32
    %sign3A_15 = arith.subi %sign3A_11, %sign3A_14 : i32
    %ne3A = vector.broadcast %sign3A_15 : i32 to vector<256x8xi32>
    %ne3A_16 = arith.cmpi ne, %sign3A_8, %ne3A : vector<256x8xi32>
    %rem3A = vector.broadcast %jit3A : i32 to vector<256x8xi32>
    %rem3A_17 = arith.remsi %iota3A, %rem3A : vector<256x8xi32>
    %ne3A_18 = arith.constant 0 : i32
    %ne3A_19 = vector.broadcast %ne3A_18 : i32 to vector<256x8xi32>
    %ne3A_20 = arith.cmpi ne, %rem3A_17, %ne3A_19 : vector<256x8xi32>
    %and3A = arith.andi %ne3A_16, %ne3A_20 : vector<256x8xi1>
    %sub3A = arith.constant 1 : i32
    %sub3A_21 = vector.broadcast %sub3A : i32 to vector<256x8xi32>
    %sub3A_22 = arith.subi %div3A_0, %sub3A_21 : vector<256x8xi32>
    %select_n3A = arith.select %and3A, %sub3A_22, %div3A_0 : vector<256x8xi1>, vector<256x8xi32>
    %iota3A_23 = tpu.iota {dimensions = array<i32: 1>} : vector<256x8xi32>
    %eq3A = arith.cmpi eq, %select_n3A, %iota3A_23 : vector<256x8xi32>
    %convert_element_type3A = arith.extui %eq3A : vector<256x8xi1> to vector<256x8xi32>
    %convert_element_type3A_24 = arith.sitofp %convert_element_type3A : vector<256x8xi32> to vector<256x8xf32>
    %convert_element_type3A_25 = arith.truncf %convert_element_type3A_24 : vector<256x8xf32> to vector<256x8xbf16>
    %iota3A_26 = tpu.iota {dimensions = array<i32: 0>} : vector<8x256xi32>
    %iota3A_27 = tpu.iota {dimensions = array<i32: 1>} : vector<8x256xi32>
    %jit3A_28 = arith.constant 32 : i32
    %div3A_29 = vector.broadcast %jit3A_28 : i32 to vector<8x256xi32>
    %div3A_30 = arith.divsi %iota3A_27, %div3A_29 : vector<8x256xi32>
    %sign3A_31 = arith.constant 0 : i32
    %sign3A_32 = vector.broadcast %sign3A_31 : i32 to vector<8x256xi32>
    %sign3A_33 = arith.cmpi sgt, %iota3A_27, %sign3A_32 : vector<8x256xi32>
    %sign3A_34 = arith.extui %sign3A_33 : vector<8x256xi1> to vector<8x256xi32>
    %sign3A_35 = arith.constant 0 : i32
    %sign3A_36 = vector.broadcast %sign3A_35 : i32 to vector<8x256xi32>
    %sign3A_37 = arith.cmpi slt, %iota3A_27, %sign3A_36 : vector<8x256xi32>
    %sign3A_38 = arith.extui %sign3A_37 : vector<8x256xi1> to vector<8x256xi32>
    %sign3A_39 = arith.subi %sign3A_34, %sign3A_38 : vector<8x256xi32>
    %sign3A_40 = arith.constant 0 : i32
    %sign3A_41 = arith.cmpi sgt, %jit3A_28, %sign3A_40 : i32
    %sign3A_42 = arith.extui %sign3A_41 : i1 to i32
    %sign3A_43 = arith.constant 0 : i32
    %sign3A_44 = arith.cmpi slt, %jit3A_28, %sign3A_43 : i32
    %sign3A_45 = arith.extui %sign3A_44 : i1 to i32
    %sign3A_46 = arith.subi %sign3A_42, %sign3A_45 : i32
    %ne3A_47 = vector.broadcast %sign3A_46 : i32 to vector<8x256xi32>
    %ne3A_48 = arith.cmpi ne, %sign3A_39, %ne3A_47 : vector<8x256xi32>
    %rem3A_49 = vector.broadcast %jit3A_28 : i32 to vector<8x256xi32>
    %rem3A_50 = arith.remsi %iota3A_27, %rem3A_49 : vector<8x256xi32>
    %ne3A_51 = arith.constant 0 : i32
    %ne3A_52 = vector.broadcast %ne3A_51 : i32 to vector<8x256xi32>
    %ne3A_53 = arith.cmpi ne, %rem3A_50, %ne3A_52 : vector<8x256xi32>
    %and3A_54 = arith.andi %ne3A_48, %ne3A_53 : vector<8x256xi1>
    %sub3A_55 = arith.constant 1 : i32
    %sub3A_56 = vector.broadcast %sub3A_55 : i32 to vector<8x256xi32>
    %sub3A_57 = arith.subi %div3A_30, %sub3A_56 : vector<8x256xi32>
    %select_n3A_58 = arith.select %and3A_54, %sub3A_57, %div3A_30 : vector<8x256xi1>, vector<8x256xi32>
    %eq3A_59 = arith.cmpi eq, %iota3A_26, %select_n3A_58 : vector<8x256xi32>
    %convert_element_type3A_60 = arith.extui %eq3A_59 : vector<8x256xi1> to vector<8x256xi32>
    %convert_element_type3A_61 = arith.sitofp %convert_element_type3A_60 : vector<8x256xi32> to vector<8x256xf32>
    %convert_element_type3A_62 = arith.truncf %convert_element_type3A_61 : vector<8x256xf32> to vector<8x256xbf16>
    %get3A = arith.constant 0 : index
    %get3A_63 = arith.constant 0 : index
    %get3A_64 = vector.load %arg2[%get3A, %get3A_63] : memref<1000x128xi32, #tpu.memory_space<vmem>>, vector<1000x128xi32>
    %bitcast_convert_type3A = tpu.bitcast %get3A_64 : vector<1000x128xi32> -> vector<1000x128xi32>
    %shift_left3A = arith.constant 16 : i32
    %shift_left3A_65 = vector.broadcast %shift_left3A : i32 to vector<1000x128xi32>
    %shift_left3A_66 = arith.shli %bitcast_convert_type3A, %shift_left3A_65 : vector<1000x128xi32>
    %bitcast_convert_type3A_67 = tpu.bitcast %shift_left3A_66 : vector<1000x128xi32> -> vector<1000x128xf32>
    %and3A_68 = arith.constant -65536 : i32
    %and3A_69 = vector.broadcast %and3A_68 : i32 to vector<1000x128xi32>
    %and3A_70 = arith.andi %bitcast_convert_type3A, %and3A_69 : vector<1000x128xi32>
    %bitcast_convert_type3A_71 = tpu.bitcast %and3A_70 : vector<1000x128xi32> -> vector<1000x128xf32>
    %concatenate3A = tpu.concatenate %bitcast_convert_type3A_67, %bitcast_convert_type3A_71 in 1 : vector<1000x128xf32>, vector<1000x128xf32> -> vector<1000x256xf32>
    %convert_element_type3A_72 = arith.truncf %concatenate3A : vector<1000x256xf32> to vector<1000x256xbf16>
    %get3A_73 = arith.constant 0 : index
    %get3A_74 = arith.constant 0 : index
    %get3A_75 = vector.load %arg3[%get3A_73, %get3A_74] : memref<1000x256xi32, #tpu.memory_space<vmem>>, vector<1000x128xi32>
    %bitcast_convert_type3A_76 = tpu.bitcast %get3A_75 : vector<1000x128xi32> -> vector<1000x128xi32>
    %shift_left3A_77 = arith.constant 16 : i32
    %shift_left3A_78 = vector.broadcast %shift_left3A_77 : i32 to vector<1000x128xi32>
    %shift_left3A_79 = arith.shli %bitcast_convert_type3A_76, %shift_left3A_78 : vector<1000x128xi32>
    %bitcast_convert_type3A_80 = tpu.bitcast %shift_left3A_79 : vector<1000x128xi32> -> vector<1000x128xf32>
    %and3A_81 = arith.constant -65536 : i32
    %and3A_82 = vector.broadcast %and3A_81 : i32 to vector<1000x128xi32>
    %and3A_83 = arith.andi %bitcast_convert_type3A_76, %and3A_82 : vector<1000x128xi32>
    %bitcast_convert_type3A_84 = tpu.bitcast %and3A_83 : vector<1000x128xi32> -> vector<1000x128xf32>
    %concatenate3A_85 = tpu.concatenate %bitcast_convert_type3A_80, %bitcast_convert_type3A_84 in 1 : vector<1000x128xf32>, vector<1000x128xf32> -> vector<1000x256xf32>
    %convert_element_type3A_86 = arith.truncf %concatenate3A_85 : vector<1000x256xf32> to vector<1000x256xbf16>
    %get3A_87 = arith.constant 0 : index
    %get3A_88 = arith.constant 128 : index
    %get3A_89 = vector.load %arg3[%get3A_87, %get3A_88] : memref<1000x256xi32, #tpu.memory_space<vmem>>, vector<1000x128xi32>
    %bitcast_convert_type3A_90 = tpu.bitcast %get3A_89 : vector<1000x128xi32> -> vector<1000x128xi32>
    %shift_left3A_91 = arith.constant 16 : i32
    %shift_left3A_92 = vector.broadcast %shift_left3A_91 : i32 to vector<1000x128xi32>
    %shift_left3A_93 = arith.shli %bitcast_convert_type3A_90, %shift_left3A_92 : vector<1000x128xi32>
    %bitcast_convert_type3A_94 = tpu.bitcast %shift_left3A_93 : vector<1000x128xi32> -> vector<1000x128xf32>
    %and3A_95 = arith.constant -65536 : i32
    %and3A_96 = vector.broadcast %and3A_95 : i32 to vector<1000x128xi32>
    %and3A_97 = arith.andi %bitcast_convert_type3A_90, %and3A_96 : vector<1000x128xi32>
    %bitcast_convert_type3A_98 = tpu.bitcast %and3A_97 : vector<1000x128xi32> -> vector<1000x128xf32>
    %concatenate3A_99 = tpu.concatenate %bitcast_convert_type3A_94, %bitcast_convert_type3A_98 in 1 : vector<1000x128xf32>, vector<1000x128xf32> -> vector<1000x256xf32>
    %convert_element_type3A_100 = arith.truncf %concatenate3A_99 : vector<1000x256xf32> to vector<1000x256xbf16>
    %get3A_101 = arith.constant 0 : index
    %get3A_102 = memref.load %arg1[%get3A_101] : memref<1xi32, #tpu.memory_space<smem>>
    %add3A = arith.addf %convert_element_type3A_86, %convert_element_type3A_100 : vector<1000x256xbf16>
    %mul3A = arith.constant 1.250000e-01 : bf16
    %mul3A_103 = vector.broadcast %mul3A : bf16 to vector<1000x256xbf16>
    %mul3A_104 = arith.mulf %add3A, %mul3A_103 : vector<1000x256xbf16>
    %add3A_105 = arith.addf %mul3A_104, %convert_element_type3A_72 : vector<1000x256xbf16>
    %gt3A = arith.constant 1 : i32
    %gt3A_106 = arith.cmpi sgt, %get3A_102, %gt3A : i32
    %mul3A_107 = arith.mulf %add3A_105, %add3A_105 : vector<1000x256xbf16>
    %dot_general3A = arith.constant dense<0.000000e+00> : vector<1000x8xf32>
    %dot_general3A_108 = tpu.matmul %mul3A_107, %convert_element_type3A_25, %dot_general3A {dimension_numbers = #tpu.dot_dimension_numbers<[1], [0], [0], [1], [0, 0, 1, 1], [], []>, transpose_lhs_hint = false} : vector<1000x256xbf16>, vector<256x8xbf16>, vector<1000x8xf32> -> vector<1000x8xf32>
    %sqrt3A = math.sqrt %dot_general3A_108 : vector<1000x8xf32>
    %max3A = arith.constant 9.99999996E-13 : f32
    %max3A_109 = vector.broadcast %max3A : f32 to vector<1000x8xf32>
    %max3A_110 = arith.maximumf %sqrt3A, %max3A_109 : vector<1000x8xf32>
    %div3A_111 = arith.constant 1.000000e+00 : f32
    %div3A_112 = vector.broadcast %div3A_111 : f32 to vector<1000x8xf32>
    %div3A_113 = arith.divf %div3A_112, %max3A_110 : vector<1000x8xf32>
    %convert_element_type3A_114 = arith.truncf %div3A_113 : vector<1000x8xf32> to vector<1000x8xbf16>
    %dot_general3A_115 = arith.constant dense<0.000000e+00> : vector<1000x256xf32>
    %dot_general3A_116 = tpu.matmul %convert_element_type3A_114, %convert_element_type3A_62, %dot_general3A_115 {dimension_numbers = #tpu.dot_dimension_numbers<[1], [0], [0], [1], [0, 0, 1, 1], [], []>, transpose_lhs_hint = false} : vector<1000x8xbf16>, vector<8x256xbf16>, vector<1000x256xf32> -> vector<1000x256xf32>
    %convert_element_type3A_117 = arith.truncf %dot_general3A_116 : vector<1000x256xf32> to vector<1000x256xbf16>
    %mul3A_118 = arith.mulf %add3A_105, %convert_element_type3A_117 : vector<1000x256xbf16>
    %select_n3A_119 = arith.select %gt3A_106, %mul3A_118, %add3A_105 : vector<1000x256xbf16>
    %ge3A = arith.constant 1 : i32
    %ge3A_120 = arith.cmpi sge, %get3A_102, %ge3A : i32
    %broadcast_in_dim3A = arith.constant 0.000000e+00 : bf16
    %broadcast_in_dim3A_121 = vector.broadcast %broadcast_in_dim3A : bf16 to vector<1000x256xbf16>
    %select_n3A_122 = arith.select %ge3A_120, %select_n3A_119, %broadcast_in_dim3A_121 : vector<1000x256xbf16>
    %sub3A_123 = arith.constant 1 : i32
    %sub3A_124 = arith.subi %get3A_102, %sub3A_123 : i32
    %while3A = arith.constant 1 : i32
    %while3A_125 = arith.subi %sub3A_124, %while3A : i32
    %while3A_126 = arith.addi %while3A, %while3A_125 : i32
    %while3A_127 = arith.constant 1 : i32
    %while3A_128 = arith.divsi %while3A_125, %while3A_127 : i32
    %while3A_129 = arith.muli %while3A_128, %while3A_127 : i32
    %while3A_130 = arith.addi %while3A, %while3A_129 : i32
    %while3A_131 = arith.constant 1 : i32
    %while3A_132 = scf.for %while3A_169 = %while3A to %while3A_130 step %while3A_131 iter_args(%while3A_170 = %select_n3A_122) -> (vector<1000x256xbf16>)  : i32 {
      %mul3A_171 = arith.mulf %convert_element_type3A_86, %while3A_170 : vector<1000x256xbf16>
      %dot_general3A_172 = arith.constant dense<0.000000e+00> : vector<1000x8xf32>
      %dot_general3A_173 = tpu.matmul %mul3A_171, %convert_element_type3A_25, %dot_general3A_172 {dimension_numbers = #tpu.dot_dimension_numbers<[1], [0], [0], [1], [0, 0, 1, 1], [], []>, transpose_lhs_hint = false} : vector<1000x256xbf16>, vector<256x8xbf16>, vector<1000x8xf32> -> vector<1000x8xf32>
      %mul3A_174 = arith.mulf %convert_element_type3A_100, %while3A_170 : vector<1000x256xbf16>
      %dot_general3A_175 = arith.constant dense<0.000000e+00> : vector<1000x8xf32>
      %dot_general3A_176 = tpu.matmul %mul3A_174, %convert_element_type3A_25, %dot_general3A_175 {dimension_numbers = #tpu.dot_dimension_numbers<[1], [0], [0], [1], [0, 0, 1, 1], [], []>, transpose_lhs_hint = false} : vector<1000x256xbf16>, vector<256x8xbf16>, vector<1000x8xf32> -> vector<1000x8xf32>
      %exp3A_177 = math.exp %dot_general3A_173 : vector<1000x8xf32>
      %exp3A_178 = math.exp %dot_general3A_176 : vector<1000x8xf32>
      %reduce_sum3A_179 = arith.constant dense<0.000000e+00> : vector<1000xf32>
      %reduce_sum3A_180 = vector.multi_reduction <add>, %exp3A_177, %reduce_sum3A_179 [1] : vector<1000x8xf32> to vector<1000xf32>
      %broadcast_in_dim3A_181 = vector.shape_cast %reduce_sum3A_180 : vector<1000xf32> to vector<1000x1xf32>
      %div3A_182 = vector.broadcast %broadcast_in_dim3A_181 : vector<1000x1xf32> to vector<1000x8xf32>
      %div3A_183 = arith.divf %exp3A_177, %div3A_182 : vector<1000x8xf32>
      %reduce_sum3A_184 = arith.constant dense<0.000000e+00> : vector<1000xf32>
      %reduce_sum3A_185 = vector.multi_reduction <add>, %exp3A_178, %reduce_sum3A_184 [1] : vector<1000x8xf32> to vector<1000xf32>
      %broadcast_in_dim3A_186 = vector.shape_cast %reduce_sum3A_185 : vector<1000xf32> to vector<1000x1xf32>
      %div3A_187 = vector.broadcast %broadcast_in_dim3A_186 : vector<1000x1xf32> to vector<1000x8xf32>
      %div3A_188 = arith.divf %exp3A_178, %div3A_187 : vector<1000x8xf32>
      %convert_element_type3A_189 = arith.truncf %div3A_183 : vector<1000x8xf32> to vector<1000x8xbf16>
      %dot_general3A_190 = arith.constant dense<0.000000e+00> : vector<1000x256xf32>
      %dot_general3A_191 = tpu.matmul %convert_element_type3A_189, %convert_element_type3A_62, %dot_general3A_190 {dimension_numbers = #tpu.dot_dimension_numbers<[1], [0], [0], [1], [0, 0, 1, 1], [], []>, transpose_lhs_hint = false} : vector<1000x8xbf16>, vector<8x256xbf16>, vector<1000x256xf32> -> vector<1000x256xf32>
      %convert_element_type3A_192 = arith.truncf %dot_general3A_191 : vector<1000x256xf32> to vector<1000x256xbf16>
      %mul3A_193 = arith.mulf %convert_element_type3A_86, %convert_element_type3A_192 : vector<1000x256xbf16>
      %convert_element_type3A_194 = arith.truncf %div3A_188 : vector<1000x8xf32> to vector<1000x8xbf16>
      %dot_general3A_195 = arith.constant dense<0.000000e+00> : vector<1000x256xf32>
      %dot_general3A_196 = tpu.matmul %convert_element_type3A_194, %convert_element_type3A_62, %dot_general3A_195 {dimension_numbers = #tpu.dot_dimension_numbers<[1], [0], [0], [1], [0, 0, 1, 1], [], []>, transpose_lhs_hint = false} : vector<1000x8xbf16>, vector<8x256xbf16>, vector<1000x256xf32> -> vector<1000x256xf32>
      %convert_element_type3A_197 = arith.truncf %dot_general3A_196 : vector<1000x256xf32> to vector<1000x256xbf16>
      %mul3A_198 = arith.mulf %convert_element_type3A_100, %convert_element_type3A_197 : vector<1000x256xbf16>
      %add3A_199 = arith.addf %mul3A_193, %mul3A_198 : vector<1000x256xbf16>
      %add3A_200 = arith.addf %add3A_199, %convert_element_type3A_72 : vector<1000x256xbf16>
      %mul3A_201 = arith.mulf %add3A_200, %add3A_200 : vector<1000x256xbf16>
      %dot_general3A_202 = arith.constant dense<0.000000e+00> : vector<1000x8xf32>
      %dot_general3A_203 = tpu.matmul %mul3A_201, %convert_element_type3A_25, %dot_general3A_202 {dimension_numbers = #tpu.dot_dimension_numbers<[1], [0], [0], [1], [0, 0, 1, 1], [], []>, transpose_lhs_hint = false} : vector<1000x256xbf16>, vector<256x8xbf16>, vector<1000x8xf32> -> vector<1000x8xf32>
      %sqrt3A_204 = math.sqrt %dot_general3A_203 : vector<1000x8xf32>
      %max3A_205 = arith.constant 9.99999996E-13 : f32
      %max3A_206 = vector.broadcast %max3A_205 : f32 to vector<1000x8xf32>
      %max3A_207 = arith.maximumf %sqrt3A_204, %max3A_206 : vector<1000x8xf32>
      %div3A_208 = arith.constant 1.000000e+00 : f32
      %div3A_209 = vector.broadcast %div3A_208 : f32 to vector<1000x8xf32>
      %div3A_210 = arith.divf %div3A_209, %max3A_207 : vector<1000x8xf32>
      %convert_element_type3A_211 = arith.truncf %div3A_210 : vector<1000x8xf32> to vector<1000x8xbf16>
      %dot_general3A_212 = arith.constant dense<0.000000e+00> : vector<1000x256xf32>
      %dot_general3A_213 = tpu.matmul %convert_element_type3A_211, %convert_element_type3A_62, %dot_general3A_212 {dimension_numbers = #tpu.dot_dimension_numbers<[1], [0], [0], [1], [0, 0, 1, 1], [], []>, transpose_lhs_hint = false} : vector<1000x8xbf16>, vector<8x256xbf16>, vector<1000x256xf32> -> vector<1000x256xf32>
      %convert_element_type3A_214 = arith.truncf %dot_general3A_213 : vector<1000x256xf32> to vector<1000x256xbf16>
      %mul3A_215 = arith.mulf %add3A_200, %convert_element_type3A_214 : vector<1000x256xbf16>
      scf.yield %mul3A_215 : vector<1000x256xbf16>
    }
    %while3A_133 = arith.constant 1 : i32
    %while3A_134 = scf.for %while3A_169 = %while3A_130 to %while3A_126 step %while3A_133 iter_args(%while3A_170 = %while3A_132) -> (vector<1000x256xbf16>)  : i32 {
      %mul3A_171 = arith.mulf %convert_element_type3A_86, %while3A_170 : vector<1000x256xbf16>
      %dot_general3A_172 = arith.constant dense<0.000000e+00> : vector<1000x8xf32>
      %dot_general3A_173 = tpu.matmul %mul3A_171, %convert_element_type3A_25, %dot_general3A_172 {dimension_numbers = #tpu.dot_dimension_numbers<[1], [0], [0], [1], [0, 0, 1, 1], [], []>, transpose_lhs_hint = false} : vector<1000x256xbf16>, vector<256x8xbf16>, vector<1000x8xf32> -> vector<1000x8xf32>
      %mul3A_174 = arith.mulf %convert_element_type3A_100, %while3A_170 : vector<1000x256xbf16>
      %dot_general3A_175 = arith.constant dense<0.000000e+00> : vector<1000x8xf32>
      %dot_general3A_176 = tpu.matmul %mul3A_174, %convert_element_type3A_25, %dot_general3A_175 {dimension_numbers = #tpu.dot_dimension_numbers<[1], [0], [0], [1], [0, 0, 1, 1], [], []>, transpose_lhs_hint = false} : vector<1000x256xbf16>, vector<256x8xbf16>, vector<1000x8xf32> -> vector<1000x8xf32>
      %exp3A_177 = math.exp %dot_general3A_173 : vector<1000x8xf32>
      %exp3A_178 = math.exp %dot_general3A_176 : vector<1000x8xf32>
      %reduce_sum3A_179 = arith.constant dense<0.000000e+00> : vector<1000xf32>
      %reduce_sum3A_180 = vector.multi_reduction <add>, %exp3A_177, %reduce_sum3A_179 [1] : vector<1000x8xf32> to vector<1000xf32>
      %broadcast_in_dim3A_181 = vector.shape_cast %reduce_sum3A_180 : vector<1000xf32> to vector<1000x1xf32>
      %div3A_182 = vector.broadcast %broadcast_in_dim3A_181 : vector<1000x1xf32> to vector<1000x8xf32>
      %div3A_183 = arith.divf %exp3A_177, %div3A_182 : vector<1000x8xf32>
      %reduce_sum3A_184 = arith.constant dense<0.000000e+00> : vector<1000xf32>
      %reduce_sum3A_185 = vector.multi_reduction <add>, %exp3A_178, %reduce_sum3A_184 [1] : vector<1000x8xf32> to vector<1000xf32>
      %broadcast_in_dim3A_186 = vector.shape_cast %reduce_sum3A_185 : vector<1000xf32> to vector<1000x1xf32>
      %div3A_187 = vector.broadcast %broadcast_in_dim3A_186 : vector<1000x1xf32> to vector<1000x8xf32>
      %div3A_188 = arith.divf %exp3A_178, %div3A_187 : vector<1000x8xf32>
      %convert_element_type3A_189 = arith.truncf %div3A_183 : vector<1000x8xf32> to vector<1000x8xbf16>
      %dot_general3A_190 = arith.constant dense<0.000000e+00> : vector<1000x256xf32>
      %dot_general3A_191 = tpu.matmul %convert_element_type3A_189, %convert_element_type3A_62, %dot_general3A_190 {dimension_numbers = #tpu.dot_dimension_numbers<[1], [0], [0], [1], [0, 0, 1, 1], [], []>, transpose_lhs_hint = false} : vector<1000x8xbf16>, vector<8x256xbf16>, vector<1000x256xf32> -> vector<1000x256xf32>
      %convert_element_type3A_192 = arith.truncf %dot_general3A_191 : vector<1000x256xf32> to vector<1000x256xbf16>
      %mul3A_193 = arith.mulf %convert_element_type3A_86, %convert_element_type3A_192 : vector<1000x256xbf16>
      %convert_element_type3A_194 = arith.truncf %div3A_188 : vector<1000x8xf32> to vector<1000x8xbf16>
      %dot_general3A_195 = arith.constant dense<0.000000e+00> : vector<1000x256xf32>
      %dot_general3A_196 = tpu.matmul %convert_element_type3A_194, %convert_element_type3A_62, %dot_general3A_195 {dimension_numbers = #tpu.dot_dimension_numbers<[1], [0], [0], [1], [0, 0, 1, 1], [], []>, transpose_lhs_hint = false} : vector<1000x8xbf16>, vector<8x256xbf16>, vector<1000x256xf32> -> vector<1000x256xf32>
      %convert_element_type3A_197 = arith.truncf %dot_general3A_196 : vector<1000x256xf32> to vector<1000x256xbf16>
      %mul3A_198 = arith.mulf %convert_element_type3A_100, %convert_element_type3A_197 : vector<1000x256xbf16>
      %add3A_199 = arith.addf %mul3A_193, %mul3A_198 : vector<1000x256xbf16>
      %add3A_200 = arith.addf %add3A_199, %convert_element_type3A_72 : vector<1000x256xbf16>
      %mul3A_201 = arith.mulf %add3A_200, %add3A_200 : vector<1000x256xbf16>
      %dot_general3A_202 = arith.constant dense<0.000000e+00> : vector<1000x8xf32>
      %dot_general3A_203 = tpu.matmul %mul3A_201, %convert_element_type3A_25, %dot_general3A_202 {dimension_numbers = #tpu.dot_dimension_numbers<[1], [0], [0], [1], [0, 0, 1, 1], [], []>, transpose_lhs_hint = false} : vector<1000x256xbf16>, vector<256x8xbf16>, vector<1000x8xf32> -> vector<1000x8xf32>
      %sqrt3A_204 = math.sqrt %dot_general3A_203 : vector<1000x8xf32>
      %max3A_205 = arith.constant 9.99999996E-13 : f32
      %max3A_206 = vector.broadcast %max3A_205 : f32 to vector<1000x8xf32>
      %max3A_207 = arith.maximumf %sqrt3A_204, %max3A_206 : vector<1000x8xf32>
      %div3A_208 = arith.constant 1.000000e+00 : f32
      %div3A_209 = vector.broadcast %div3A_208 : f32 to vector<1000x8xf32>
      %div3A_210 = arith.divf %div3A_209, %max3A_207 : vector<1000x8xf32>
      %convert_element_type3A_211 = arith.truncf %div3A_210 : vector<1000x8xf32> to vector<1000x8xbf16>
      %dot_general3A_212 = arith.constant dense<0.000000e+00> : vector<1000x256xf32>
      %dot_general3A_213 = tpu.matmul %convert_element_type3A_211, %convert_element_type3A_62, %dot_general3A_212 {dimension_numbers = #tpu.dot_dimension_numbers<[1], [0], [0], [1], [0, 0, 1, 1], [], []>, transpose_lhs_hint = false} : vector<1000x8xbf16>, vector<8x256xbf16>, vector<1000x256xf32> -> vector<1000x256xf32>
      %convert_element_type3A_214 = arith.truncf %dot_general3A_213 : vector<1000x256xf32> to vector<1000x256xbf16>
      %mul3A_215 = arith.mulf %add3A_200, %convert_element_type3A_214 : vector<1000x256xbf16>
      scf.yield %mul3A_215 : vector<1000x256xbf16>
    }
    %mul3A_135 = arith.mulf %convert_element_type3A_86, %while3A_134 : vector<1000x256xbf16>
    %dot_general3A_136 = arith.constant dense<0.000000e+00> : vector<1000x8xf32>
    %dot_general3A_137 = tpu.matmul %mul3A_135, %convert_element_type3A_25, %dot_general3A_136 {dimension_numbers = #tpu.dot_dimension_numbers<[1], [0], [0], [1], [0, 0, 1, 1], [], []>, transpose_lhs_hint = false} : vector<1000x256xbf16>, vector<256x8xbf16>, vector<1000x8xf32> -> vector<1000x8xf32>
    %mul3A_138 = arith.mulf %convert_element_type3A_100, %while3A_134 : vector<1000x256xbf16>
    %dot_general3A_139 = arith.constant dense<0.000000e+00> : vector<1000x8xf32>
    %dot_general3A_140 = tpu.matmul %mul3A_138, %convert_element_type3A_25, %dot_general3A_139 {dimension_numbers = #tpu.dot_dimension_numbers<[1], [0], [0], [1], [0, 0, 1, 1], [], []>, transpose_lhs_hint = false} : vector<1000x256xbf16>, vector<256x8xbf16>, vector<1000x8xf32> -> vector<1000x8xf32>
    %exp3A = math.exp %dot_general3A_137 : vector<1000x8xf32>
    %exp3A_141 = math.exp %dot_general3A_140 : vector<1000x8xf32>
    %reduce_sum3A = arith.constant dense<0.000000e+00> : vector<1000xf32>
    %reduce_sum3A_142 = vector.multi_reduction <add>, %exp3A, %reduce_sum3A [1] : vector<1000x8xf32> to vector<1000xf32>
    %broadcast_in_dim3A_143 = vector.shape_cast %reduce_sum3A_142 : vector<1000xf32> to vector<1000x1xf32>
    %div3A_144 = vector.broadcast %broadcast_in_dim3A_143 : vector<1000x1xf32> to vector<1000x8xf32>
    %div3A_145 = arith.divf %exp3A, %div3A_144 : vector<1000x8xf32>
    %reduce_sum3A_146 = arith.constant dense<0.000000e+00> : vector<1000xf32>
    %reduce_sum3A_147 = vector.multi_reduction <add>, %exp3A_141, %reduce_sum3A_146 [1] : vector<1000x8xf32> to vector<1000xf32>
    %broadcast_in_dim3A_148 = vector.shape_cast %reduce_sum3A_147 : vector<1000xf32> to vector<1000x1xf32>
    %div3A_149 = vector.broadcast %broadcast_in_dim3A_148 : vector<1000x1xf32> to vector<1000x8xf32>
    %div3A_150 = arith.divf %exp3A_141, %div3A_149 : vector<1000x8xf32>
    %convert_element_type3A_151 = arith.truncf %div3A_145 : vector<1000x8xf32> to vector<1000x8xbf16>
    %dot_general3A_152 = arith.constant dense<0.000000e+00> : vector<1000x256xf32>
    %dot_general3A_153 = tpu.matmul %convert_element_type3A_151, %convert_element_type3A_62, %dot_general3A_152 {dimension_numbers = #tpu.dot_dimension_numbers<[1], [0], [0], [1], [0, 0, 1, 1], [], []>, transpose_lhs_hint = false} : vector<1000x8xbf16>, vector<8x256xbf16>, vector<1000x256xf32> -> vector<1000x256xf32>
    %convert_element_type3A_154 = arith.truncf %dot_general3A_153 : vector<1000x256xf32> to vector<1000x256xbf16>
    %mul3A_155 = arith.mulf %convert_element_type3A_86, %convert_element_type3A_154 : vector<1000x256xbf16>
    %convert_element_type3A_156 = arith.truncf %div3A_150 : vector<1000x8xf32> to vector<1000x8xbf16>
    %dot_general3A_157 = arith.constant dense<0.000000e+00> : vector<1000x256xf32>
    %dot_general3A_158 = tpu.matmul %convert_element_type3A_156, %convert_element_type3A_62, %dot_general3A_157 {dimension_numbers = #tpu.dot_dimension_numbers<[1], [0], [0], [1], [0, 0, 1, 1], [], []>, transpose_lhs_hint = false} : vector<1000x8xbf16>, vector<8x256xbf16>, vector<1000x256xf32> -> vector<1000x256xf32>
    %convert_element_type3A_159 = arith.truncf %dot_general3A_158 : vector<1000x256xf32> to vector<1000x256xbf16>
    %mul3A_160 = arith.mulf %convert_element_type3A_100, %convert_element_type3A_159 : vector<1000x256xbf16>
    %add3A_161 = arith.addf %mul3A_155, %mul3A_160 : vector<1000x256xbf16>
    %add3A_162 = arith.addf %add3A_161, %convert_element_type3A_72 : vector<1000x256xbf16>
    %ge3A_163 = arith.constant 2 : i32
    %ge3A_164 = arith.cmpi sge, %get3A_102, %ge3A_163 : i32
    %select_n3A_165 = arith.select %ge3A_164, %add3A_162, %while3A_134 : vector<1000x256xbf16>
    %convert_element_type3A_166 = arith.extf %select_n3A_165 : vector<1000x256xbf16> to vector<1000x256xf32>
    %swap3A = arith.constant 0 : index
    %swap3A_167 = arith.constant 0 : index
    %swap3A_168 = vector.load %arg5[%swap3A, %swap3A_167] : memref<1000x256xf32, #tpu.memory_space<vmem>>, vector<1000x256xf32>
    tpu.vector_store %arg5[%swap3A, %swap3A_167], %convert_element_type3A_166 {strides = array<i32>} : memref<1000x256xf32, #tpu.memory_space<vmem>>, vector<1000x256xf32>,
    return
  }
  func.func @transform_0(%arg0: i32) -> i32 {
    %c0_i32 = arith.constant 0 : i32
    %c0_i32_0 = arith.constant 0 : i32
    return %c0_i32 : i32
  }
  func.func @transform_1(%arg0: i32) -> (i32, i32) {
    %add3A = arith.constant 40 : i32
    %add3A_0 = arith.addi %arg0, %add3A : i32
    %c0_i32 = arith.constant 0 : i32
    %c0_i32_1 = arith.constant 0 : i32
    return %add3A_0, %c0_i32 : i32, i32
  }
  func.func @transform_2(%arg0: i32) -> (i32, i32) {
    %c0_i32 = arith.constant 0 : i32
    %c0_i32_0 = arith.constant 0 : i32
    return %arg0, %c0_i32 : i32, i32
  }
  func.func @transform_4(%arg0: i32) -> (i32, i32) {
    %add3A = arith.constant 40 : i32
    %add3A_0 = arith.addi %arg0, %add3A : i32
    %c0_i32 = arith.constant 0 : i32
    %c0_i32_1 = arith.constant 0 : i32
    return %add3A_0, %c0_i32 : i32, i32
  }
}

module attributes {stable_mosaic.version = 14 : i64} {
  func.func @_route_piece_body(%arg0: i32, %arg1: memref<1xi32, #tpu.memory_space<smem>>, %arg2: memref<1000x128xi32, #tpu.memory_space<vmem>>, %arg3: memref<1000x256xi32, #tpu.memory_space<vmem>>, %arg4: memref<100000x256xf32, #tpu.memory_space<any>>, %arg5: memref<1000x256xf32, #tpu.memory_space<vmem>>) attributes {dimension_semantics = [#tpu.dimension_semantics<arbitrary>], iteration_bounds = array<i64: 20>, scalar_prefetch = 0 : i64, scratch_operands = 0 : i64, tpu.core_type = #tpu.core_type<tc>, window_params = [{transform_indices = @transform_0, window_bounds = array<i64: 1>}, {transform_indices = @transform_1, window_bounds = array<i64: 1000, 128>}, {transform_indices = @transform_2, window_bounds = array<i64: 1000, 256>}, {}, {transform_indices = @transform_4, window_bounds = array<i64: 1000, 256>}]} {
    %iota3A = tpu.iota {dimensions = array<i32: 0>} : vector<256x8xi32>
    %jit3A = arith.constant 32 : i32
    %div3A = vector.broadcast %jit3A : i32 to vector<256x8xi32>
    %div3A_0 = arith.divsi %iota3A, %div3A : vector<256x8xi32>
    %sign3A = arith.constant 0 : i32
    %sign3A_1 = vector.broadcast %sign3A : i32 to vector<256x8xi32>
    %sign3A_2 = arith.cmpi sgt, %iota3A, %sign3A_1 : vector<256x8xi32>
    %sign3A_3 = arith.extui %sign3A_2 : vector<256x8xi1> to vector<256x8xi32>
    %sign3A_4 = arith.constant 0 : i32
    %sign3A_5 = vector.broadcast %sign3A_4 : i32 to vector<256x8xi32>
    %sign3A_6 = arith.cmpi slt, %iota3A, %sign3A_5 : vector<256x8xi32>
    %sign3A_7 = arith.extui %sign3A_6 : vector<256x8xi1> to vector<256x8xi32>
    %sign3A_8 = arith.subi %sign3A_3, %sign3A_7 : vector<256x8xi32>
    %sign3A_9 = arith.constant 0 : i32
    %sign3A_10 = arith.cmpi sgt, %jit3A, %sign3A_9 : i32
    %sign3A_11 = arith.extui %sign3A_10 : i1 to i32
    %sign3A_12 = arith.constant 0 : i32
    %sign3A_13 = arith.cmpi slt, %jit3A, %sign3A_12 : i32
    %sign3A_14 = arith.extui %sign3A_13 : i1 to i32
    %sign3A_15 = arith.subi %sign3A_11, %sign3A_14 : i32
    %ne3A = vector.broadcast %sign3A_15 : i32 to vector<256x8xi32>
    %ne3A_16 = arith.cmpi ne, %sign3A_8, %ne3A : vector<256x8xi32>
    %rem3A = vector.broadcast %jit3A : i32 to vector<256x8xi32>
    %rem3A_17 = arith.remsi %iota3A, %rem3A : vector<256x8xi32>
    %ne3A_18 = arith.constant 0 : i32
    %ne3A_19 = vector.broadcast %ne3A_18 : i32 to vector<256x8xi32>
    %ne3A_20 = arith.cmpi ne, %rem3A_17, %ne3A_19 : vector<256x8xi32>
    %and3A = arith.andi %ne3A_16, %ne3A_20 : vector<256x8xi1>
    %sub3A = arith.constant 1 : i32
    %sub3A_21 = vector.broadcast %sub3A : i32 to vector<256x8xi32>
    %sub3A_22 = arith.subi %div3A_0, %sub3A_21 : vector<256x8xi32>
    %select_n3A = arith.select %and3A, %sub3A_22, %div3A_0 : vector<256x8xi1>, vector<256x8xi32>
    %iota3A_23 = tpu.iota {dimensions = array<i32: 1>} : vector<256x8xi32>
    %eq3A = arith.cmpi eq, %select_n3A, %iota3A_23 : vector<256x8xi32>
    %convert_element_type3A = arith.extui %eq3A : vector<256x8xi1> to vector<256x8xi32>
    %convert_element_type3A_24 = arith.sitofp %convert_element_type3A : vector<256x8xi32> to vector<256x8xf32>
    %convert_element_type3A_25 = arith.truncf %convert_element_type3A_24 : vector<256x8xf32> to vector<256x8xbf16>
    %iota3A_26 = tpu.iota {dimensions = array<i32: 0>} : vector<8x256xi32>
    %iota3A_27 = tpu.iota {dimensions = array<i32: 1>} : vector<8x256xi32>
    %jit3A_28 = arith.constant 32 : i32
    %div3A_29 = vector.broadcast %jit3A_28 : i32 to vector<8x256xi32>
    %div3A_30 = arith.divsi %iota3A_27, %div3A_29 : vector<8x256xi32>
    %sign3A_31 = arith.constant 0 : i32
    %sign3A_32 = vector.broadcast %sign3A_31 : i32 to vector<8x256xi32>
    %sign3A_33 = arith.cmpi sgt, %iota3A_27, %sign3A_32 : vector<8x256xi32>
    %sign3A_34 = arith.extui %sign3A_33 : vector<8x256xi1> to vector<8x256xi32>
    %sign3A_35 = arith.constant 0 : i32
    %sign3A_36 = vector.broadcast %sign3A_35 : i32 to vector<8x256xi32>
    %sign3A_37 = arith.cmpi slt, %iota3A_27, %sign3A_36 : vector<8x256xi32>
    %sign3A_38 = arith.extui %sign3A_37 : vector<8x256xi1> to vector<8x256xi32>
    %sign3A_39 = arith.subi %sign3A_34, %sign3A_38 : vector<8x256xi32>
    %sign3A_40 = arith.constant 0 : i32
    %sign3A_41 = arith.cmpi sgt, %jit3A_28, %sign3A_40 : i32
    %sign3A_42 = arith.extui %sign3A_41 : i1 to i32
    %sign3A_43 = arith.constant 0 : i32
    %sign3A_44 = arith.cmpi slt, %jit3A_28, %sign3A_43 : i32
    %sign3A_45 = arith.extui %sign3A_44 : i1 to i32
    %sign3A_46 = arith.subi %sign3A_42, %sign3A_45 : i32
    %ne3A_47 = vector.broadcast %sign3A_46 : i32 to vector<8x256xi32>
    %ne3A_48 = arith.cmpi ne, %sign3A_39, %ne3A_47 : vector<8x256xi32>
    %rem3A_49 = vector.broadcast %jit3A_28 : i32 to vector<8x256xi32>
    %rem3A_50 = arith.remsi %iota3A_27, %rem3A_49 : vector<8x256xi32>
    %ne3A_51 = arith.constant 0 : i32
    %ne3A_52 = vector.broadcast %ne3A_51 : i32 to vector<8x256xi32>
    %ne3A_53 = arith.cmpi ne, %rem3A_50, %ne3A_52 : vector<8x256xi32>
    %and3A_54 = arith.andi %ne3A_48, %ne3A_53 : vector<8x256xi1>
    %sub3A_55 = arith.constant 1 : i32
    %sub3A_56 = vector.broadcast %sub3A_55 : i32 to vector<8x256xi32>
    %sub3A_57 = arith.subi %div3A_30, %sub3A_56 : vector<8x256xi32>
    %select_n3A_58 = arith.select %and3A_54, %sub3A_57, %div3A_30 : vector<8x256xi1>, vector<8x256xi32>
    %eq3A_59 = arith.cmpi eq, %iota3A_26, %select_n3A_58 : vector<8x256xi32>
    %convert_element_type3A_60 = arith.extui %eq3A_59 : vector<8x256xi1> to vector<8x256xi32>
    %convert_element_type3A_61 = arith.sitofp %convert_element_type3A_60 : vector<8x256xi32> to vector<8x256xf32>
    %convert_element_type3A_62 = arith.truncf %convert_element_type3A_61 : vector<8x256xf32> to vector<8x256xbf16>
    %get3A = arith.constant 0 : index
    %get3A_63 = arith.constant 0 : index
    %get3A_64 = vector.load %arg2[%get3A, %get3A_63] : memref<1000x128xi32, #tpu.memory_space<vmem>>, vector<1000x128xi32>
    %bitcast_convert_type3A = tpu.bitcast %get3A_64 : vector<1000x128xi32> -> vector<1000x128xi32>
    %shift_left3A = arith.constant 16 : i32
    %shift_left3A_65 = vector.broadcast %shift_left3A : i32 to vector<1000x128xi32>
    %shift_left3A_66 = arith.shli %bitcast_convert_type3A, %shift_left3A_65 : vector<1000x128xi32>
    %bitcast_convert_type3A_67 = tpu.bitcast %shift_left3A_66 : vector<1000x128xi32> -> vector<1000x128xf32>
    %and3A_68 = arith.constant -65536 : i32
    %and3A_69 = vector.broadcast %and3A_68 : i32 to vector<1000x128xi32>
    %and3A_70 = arith.andi %bitcast_convert_type3A, %and3A_69 : vector<1000x128xi32>
    %bitcast_convert_type3A_71 = tpu.bitcast %and3A_70 : vector<1000x128xi32> -> vector<1000x128xf32>
    %concatenate3A = tpu.concatenate %bitcast_convert_type3A_67, %bitcast_convert_type3A_71 in 1 : vector<1000x128xf32>, vector<1000x128xf32> -> vector<1000x256xf32>
    %convert_element_type3A_72 = arith.truncf %concatenate3A : vector<1000x256xf32> to vector<1000x256xbf16>
    %get3A_73 = arith.constant 0 : index
    %get3A_74 = arith.constant 0 : index
    %get3A_75 = vector.load %arg3[%get3A_73, %get3A_74] : memref<1000x256xi32, #tpu.memory_space<vmem>>, vector<1000x128xi32>
    %bitcast_convert_type3A_76 = tpu.bitcast %get3A_75 : vector<1000x128xi32> -> vector<1000x128xi32>
    %shift_left3A_77 = arith.constant 16 : i32
    %shift_left3A_78 = vector.broadcast %shift_left3A_77 : i32 to vector<1000x128xi32>
    %shift_left3A_79 = arith.shli %bitcast_convert_type3A_76, %shift_left3A_78 : vector<1000x128xi32>
    %bitcast_convert_type3A_80 = tpu.bitcast %shift_left3A_79 : vector<1000x128xi32> -> vector<1000x128xf32>
    %and3A_81 = arith.constant -65536 : i32
    %and3A_82 = vector.broadcast %and3A_81 : i32 to vector<1000x128xi32>
    %and3A_83 = arith.andi %bitcast_convert_type3A_76, %and3A_82 : vector<1000x128xi32>
    %bitcast_convert_type3A_84 = tpu.bitcast %and3A_83 : vector<1000x128xi32> -> vector<1000x128xf32>
    %concatenate3A_85 = tpu.concatenate %bitcast_convert_type3A_80, %bitcast_convert_type3A_84 in 1 : vector<1000x128xf32>, vector<1000x128xf32> -> vector<1000x256xf32>
    %convert_element_type3A_86 = arith.truncf %concatenate3A_85 : vector<1000x256xf32> to vector<1000x256xbf16>
    %get3A_87 = arith.constant 0 : index
    %get3A_88 = arith.constant 128 : index
    %get3A_89 = vector.load %arg3[%get3A_87, %get3A_88] : memref<1000x256xi32, #tpu.memory_space<vmem>>, vector<1000x128xi32>
    %bitcast_convert_type3A_90 = tpu.bitcast %get3A_89 : vector<1000x128xi32> -> vector<1000x128xi32>
    %shift_left3A_91 = arith.constant 16 : i32
    %shift_left3A_92 = vector.broadcast %shift_left3A_91 : i32 to vector<1000x128xi32>
    %shift_left3A_93 = arith.shli %bitcast_convert_type3A_90, %shift_left3A_92 : vector<1000x128xi32>
    %bitcast_convert_type3A_94 = tpu.bitcast %shift_left3A_93 : vector<1000x128xi32> -> vector<1000x128xf32>
    %and3A_95 = arith.constant -65536 : i32
    %and3A_96 = vector.broadcast %and3A_95 : i32 to vector<1000x128xi32>
    %and3A_97 = arith.andi %bitcast_convert_type3A_90, %and3A_96 : vector<1000x128xi32>
    %bitcast_convert_type3A_98 = tpu.bitcast %and3A_97 : vector<1000x128xi32> -> vector<1000x128xf32>
    %concatenate3A_99 = tpu.concatenate %bitcast_convert_type3A_94, %bitcast_convert_type3A_98 in 1 : vector<1000x128xf32>, vector<1000x128xf32> -> vector<1000x256xf32>
    %convert_element_type3A_100 = arith.truncf %concatenate3A_99 : vector<1000x256xf32> to vector<1000x256xbf16>
    %get3A_101 = arith.constant 0 : index
    %get3A_102 = memref.load %arg1[%get3A_101] : memref<1xi32, #tpu.memory_space<smem>>
    %add3A = arith.addf %convert_element_type3A_86, %convert_element_type3A_100 : vector<1000x256xbf16>
    %mul3A = arith.constant 1.250000e-01 : bf16
    %mul3A_103 = vector.broadcast %mul3A : bf16 to vector<1000x256xbf16>
    %mul3A_104 = arith.mulf %add3A, %mul3A_103 : vector<1000x256xbf16>
    %add3A_105 = arith.addf %mul3A_104, %convert_element_type3A_72 : vector<1000x256xbf16>
    %gt3A = arith.constant 1 : i32
    %gt3A_106 = arith.cmpi sgt, %get3A_102, %gt3A : i32
    %mul3A_107 = arith.mulf %add3A_105, %add3A_105 : vector<1000x256xbf16>
    %dot_general3A = arith.constant dense<0.000000e+00> : vector<1000x8xf32>
    %dot_general3A_108 = tpu.matmul %mul3A_107, %convert_element_type3A_25, %dot_general3A {dimension_numbers = #tpu.dot_dimension_numbers<[1], [0], [0], [1], [0, 0, 1, 1], [], []>, transpose_lhs_hint = false} : vector<1000x256xbf16>, vector<256x8xbf16>, vector<1000x8xf32> -> vector<1000x8xf32>
    %sqrt3A = math.sqrt %dot_general3A_108 : vector<1000x8xf32>
    %max3A = arith.constant 9.99999996E-13 : f32
    %max3A_109 = vector.broadcast %max3A : f32 to vector<1000x8xf32>
    %max3A_110 = arith.maximumf %sqrt3A, %max3A_109 : vector<1000x8xf32>
    %div3A_111 = arith.constant 1.000000e+00 : f32
    %div3A_112 = vector.broadcast %div3A_111 : f32 to vector<1000x8xf32>
    %div3A_113 = arith.divf %div3A_112, %max3A_110 : vector<1000x8xf32>
    %convert_element_type3A_114 = arith.truncf %div3A_113 : vector<1000x8xf32> to vector<1000x8xbf16>
    %dot_general3A_115 = arith.constant dense<0.000000e+00> : vector<1000x256xf32>
    %dot_general3A_116 = tpu.matmul %convert_element_type3A_114, %convert_element_type3A_62, %dot_general3A_115 {dimension_numbers = #tpu.dot_dimension_numbers<[1], [0], [0], [1], [0, 0, 1, 1], [], []>, transpose_lhs_hint = false} : vector<1000x8xbf16>, vector<8x256xbf16>, vector<1000x256xf32> -> vector<1000x256xf32>
    %convert_element_type3A_117 = arith.truncf %dot_general3A_116 : vector<1000x256xf32> to vector<1000x256xbf16>
    %mul3A_118 = arith.mulf %add3A_105, %convert_element_type3A_117 : vector<1000x256xbf16>
    %select_n3A_119 = arith.select %gt3A_106, %mul3A_118, %add3A_105 : vector<1000x256xbf16>
    %ge3A = arith.constant 1 : i32
    %ge3A_120 = arith.cmpi sge, %get3A_102, %ge3A : i32
    %broadcast_in_dim3A = arith.constant 0.000000e+00 : bf16
    %broadcast_in_dim3A_121 = vector.broadcast %broadcast_in_dim3A : bf16 to vector<1000x256xbf16>
    %select_n3A_122 = arith.select %ge3A_120, %select_n3A_119, %broadcast_in_dim3A_121 : vector<1000x256xbf16>
    %sub3A_123 = arith.constant 1 : i32
    %sub3A_124 = arith.subi %get3A_102, %sub3A_123 : i32
    %while3A = arith.constant 1 : i32
    %while3A_125 = arith.subi %sub3A_124, %while3A : i32
    %while3A_126 = arith.addi %while3A, %while3A_125 : i32
    %while3A_127 = arith.constant 1 : i32
    %while3A_128 = arith.divsi %while3A_125, %while3A_127 : i32
    %while3A_129 = arith.muli %while3A_128, %while3A_127 : i32
    %while3A_130 = arith.addi %while3A, %while3A_129 : i32
    %while3A_131 = arith.constant 1 : i32
    %while3A_132 = scf.for %while3A_169 = %while3A to %while3A_130 step %while3A_131 iter_args(%while3A_170 = %select_n3A_122) -> (vector<1000x256xbf16>)  : i32 {
      %mul3A_171 = arith.mulf %convert_element_type3A_86, %while3A_170 : vector<1000x256xbf16>
      %dot_general3A_172 = arith.constant dense<0.000000e+00> : vector<1000x8xf32>
      %dot_general3A_173 = tpu.matmul %mul3A_171, %convert_element_type3A_25, %dot_general3A_172 {dimension_numbers = #tpu.dot_dimension_numbers<[1], [0], [0], [1], [0, 0, 1, 1], [], []>, transpose_lhs_hint = false} : vector<1000x256xbf16>, vector<256x8xbf16>, vector<1000x8xf32> -> vector<1000x8xf32>
      %mul3A_174 = arith.mulf %convert_element_type3A_100, %while3A_170 : vector<1000x256xbf16>
      %dot_general3A_175 = arith.constant dense<0.000000e+00> : vector<1000x8xf32>
      %dot_general3A_176 = tpu.matmul %mul3A_174, %convert_element_type3A_25, %dot_general3A_175 {dimension_numbers = #tpu.dot_dimension_numbers<[1], [0], [0], [1], [0, 0, 1, 1], [], []>, transpose_lhs_hint = false} : vector<1000x256xbf16>, vector<256x8xbf16>, vector<1000x8xf32> -> vector<1000x8xf32>
      %exp3A_177 = math.exp %dot_general3A_173 : vector<1000x8xf32>
      %exp3A_178 = math.exp %dot_general3A_176 : vector<1000x8xf32>
      %reduce_sum3A_179 = arith.constant dense<0.000000e+00> : vector<1000xf32>
      %reduce_sum3A_180 = vector.multi_reduction <add>, %exp3A_177, %reduce_sum3A_179 [1] : vector<1000x8xf32> to vector<1000xf32>
      %broadcast_in_dim3A_181 = vector.shape_cast %reduce_sum3A_180 : vector<1000xf32> to vector<1000x1xf32>
      %div3A_182 = vector.broadcast %broadcast_in_dim3A_181 : vector<1000x1xf32> to vector<1000x8xf32>
      %div3A_183 = arith.divf %exp3A_177, %div3A_182 : vector<1000x8xf32>
      %reduce_sum3A_184 = arith.constant dense<0.000000e+00> : vector<1000xf32>
      %reduce_sum3A_185 = vector.multi_reduction <add>, %exp3A_178, %reduce_sum3A_184 [1] : vector<1000x8xf32> to vector<1000xf32>
      %broadcast_in_dim3A_186 = vector.shape_cast %reduce_sum3A_185 : vector<1000xf32> to vector<1000x1xf32>
      %div3A_187 = vector.broadcast %broadcast_in_dim3A_186 : vector<1000x1xf32> to vector<1000x8xf32>
      %div3A_188 = arith.divf %exp3A_178, %div3A_187 : vector<1000x8xf32>
      %convert_element_type3A_189 = arith.truncf %div3A_183 : vector<1000x8xf32> to vector<1000x8xbf16>
      %dot_general3A_190 = arith.constant dense<0.000000e+00> : vector<1000x256xf32>
      %dot_general3A_191 = tpu.matmul %convert_element_type3A_189, %convert_element_type3A_62, %dot_general3A_190 {dimension_numbers = #tpu.dot_dimension_numbers<[1], [0], [0], [1], [0, 0, 1, 1], [], []>, transpose_lhs_hint = false} : vector<1000x8xbf16>, vector<8x256xbf16>, vector<1000x256xf32> -> vector<1000x256xf32>
      %convert_element_type3A_192 = arith.truncf %dot_general3A_191 : vector<1000x256xf32> to vector<1000x256xbf16>
      %mul3A_193 = arith.mulf %convert_element_type3A_86, %convert_element_type3A_192 : vector<1000x256xbf16>
      %convert_element_type3A_194 = arith.truncf %div3A_188 : vector<1000x8xf32> to vector<1000x8xbf16>
      %dot_general3A_195 = arith.constant dense<0.000000e+00> : vector<1000x256xf32>
      %dot_general3A_196 = tpu.matmul %convert_element_type3A_194, %convert_element_type3A_62, %dot_general3A_195 {dimension_numbers = #tpu.dot_dimension_numbers<[1], [0], [0], [1], [0, 0, 1, 1], [], []>, transpose_lhs_hint = false} : vector<1000x8xbf16>, vector<8x256xbf16>, vector<1000x256xf32> -> vector<1000x256xf32>
      %convert_element_type3A_197 = arith.truncf %dot_general3A_196 : vector<1000x256xf32> to vector<1000x256xbf16>
      %mul3A_198 = arith.mulf %convert_element_type3A_100, %convert_element_type3A_197 : vector<1000x256xbf16>
      %add3A_199 = arith.addf %mul3A_193, %mul3A_198 : vector<1000x256xbf16>
      %add3A_200 = arith.addf %add3A_199, %convert_element_type3A_72 : vector<1000x256xbf16>
      %mul3A_201 = arith.mulf %add3A_200, %add3A_200 : vector<1000x256xbf16>
      %dot_general3A_202 = arith.constant dense<0.000000e+00> : vector<1000x8xf32>
      %dot_general3A_203 = tpu.matmul %mul3A_201, %convert_element_type3A_25, %dot_general3A_202 {dimension_numbers = #tpu.dot_dimension_numbers<[1], [0], [0], [1], [0, 0, 1, 1], [], []>, transpose_lhs_hint = false} : vector<1000x256xbf16>, vector<256x8xbf16>, vector<1000x8xf32> -> vector<1000x8xf32>
      %sqrt3A_204 = math.sqrt %dot_general3A_203 : vector<1000x8xf32>
      %max3A_205 = arith.constant 9.99999996E-13 : f32
      %max3A_206 = vector.broadcast %max3A_205 : f32 to vector<1000x8xf32>
      %max3A_207 = arith.maximumf %sqrt3A_204, %max3A_206 : vector<1000x8xf32>
      %div3A_208 = arith.constant 1.000000e+00 : f32
      %div3A_209 = vector.broadcast %div3A_208 : f32 to vector<1000x8xf32>
      %div3A_210 = arith.divf %div3A_209, %max3A_207 : vector<1000x8xf32>
      %convert_element_type3A_211 = arith.truncf %div3A_210 : vector<1000x8xf32> to vector<1000x8xbf16>
      %dot_general3A_212 = arith.constant dense<0.000000e+00> : vector<1000x256xf32>
      %dot_general3A_213 = tpu.matmul %convert_element_type3A_211, %convert_element_type3A_62, %dot_general3A_212 {dimension_numbers = #tpu.dot_dimension_numbers<[1], [0], [0], [1], [0, 0, 1, 1], [], []>, transpose_lhs_hint = false} : vector<1000x8xbf16>, vector<8x256xbf16>, vector<1000x256xf32> -> vector<1000x256xf32>
      %convert_element_type3A_214 = arith.truncf %dot_general3A_213 : vector<1000x256xf32> to vector<1000x256xbf16>
      %mul3A_215 = arith.mulf %add3A_200, %convert_element_type3A_214 : vector<1000x256xbf16>
      scf.yield %mul3A_215 : vector<1000x256xbf16>
    }
    %while3A_133 = arith.constant 1 : i32
    %while3A_134 = scf.for %while3A_169 = %while3A_130 to %while3A_126 step %while3A_133 iter_args(%while3A_170 = %while3A_132) -> (vector<1000x256xbf16>)  : i32 {
      %mul3A_171 = arith.mulf %convert_element_type3A_86, %while3A_170 : vector<1000x256xbf16>
      %dot_general3A_172 = arith.constant dense<0.000000e+00> : vector<1000x8xf32>
      %dot_general3A_173 = tpu.matmul %mul3A_171, %convert_element_type3A_25, %dot_general3A_172 {dimension_numbers = #tpu.dot_dimension_numbers<[1], [0], [0], [1], [0, 0, 1, 1], [], []>, transpose_lhs_hint = false} : vector<1000x256xbf16>, vector<256x8xbf16>, vector<1000x8xf32> -> vector<1000x8xf32>
      %mul3A_174 = arith.mulf %convert_element_type3A_100, %while3A_170 : vector<1000x256xbf16>
      %dot_general3A_175 = arith.constant dense<0.000000e+00> : vector<1000x8xf32>
      %dot_general3A_176 = tpu.matmul %mul3A_174, %convert_element_type3A_25, %dot_general3A_175 {dimension_numbers = #tpu.dot_dimension_numbers<[1], [0], [0], [1], [0, 0, 1, 1], [], []>, transpose_lhs_hint = false} : vector<1000x256xbf16>, vector<256x8xbf16>, vector<1000x8xf32> -> vector<1000x8xf32>
      %exp3A_177 = math.exp %dot_general3A_173 : vector<1000x8xf32>
      %exp3A_178 = math.exp %dot_general3A_176 : vector<1000x8xf32>
      %reduce_sum3A_179 = arith.constant dense<0.000000e+00> : vector<1000xf32>
      %reduce_sum3A_180 = vector.multi_reduction <add>, %exp3A_177, %reduce_sum3A_179 [1] : vector<1000x8xf32> to vector<1000xf32>
      %broadcast_in_dim3A_181 = vector.shape_cast %reduce_sum3A_180 : vector<1000xf32> to vector<1000x1xf32>
      %div3A_182 = vector.broadcast %broadcast_in_dim3A_181 : vector<1000x1xf32> to vector<1000x8xf32>
      %div3A_183 = arith.divf %exp3A_177, %div3A_182 : vector<1000x8xf32>
      %reduce_sum3A_184 = arith.constant dense<0.000000e+00> : vector<1000xf32>
      %reduce_sum3A_185 = vector.multi_reduction <add>, %exp3A_178, %reduce_sum3A_184 [1] : vector<1000x8xf32> to vector<1000xf32>
      %broadcast_in_dim3A_186 = vector.shape_cast %reduce_sum3A_185 : vector<1000xf32> to vector<1000x1xf32>
      %div3A_187 = vector.broadcast %broadcast_in_dim3A_186 : vector<1000x1xf32> to vector<1000x8xf32>
      %div3A_188 = arith.divf %exp3A_178, %div3A_187 : vector<1000x8xf32>
      %convert_element_type3A_189 = arith.truncf %div3A_183 : vector<1000x8xf32> to vector<1000x8xbf16>
      %dot_general3A_190 = arith.constant dense<0.000000e+00> : vector<1000x256xf32>
      %dot_general3A_191 = tpu.matmul %convert_element_type3A_189, %convert_element_type3A_62, %dot_general3A_190 {dimension_numbers = #tpu.dot_dimension_numbers<[1], [0], [0], [1], [0, 0, 1, 1], [], []>, transpose_lhs_hint = false} : vector<1000x8xbf16>, vector<8x256xbf16>, vector<1000x256xf32> -> vector<1000x256xf32>
      %convert_element_type3A_192 = arith.truncf %dot_general3A_191 : vector<1000x256xf32> to vector<1000x256xbf16>
      %mul3A_193 = arith.mulf %convert_element_type3A_86, %convert_element_type3A_192 : vector<1000x256xbf16>
      %convert_element_type3A_194 = arith.truncf %div3A_188 : vector<1000x8xf32> to vector<1000x8xbf16>
      %dot_general3A_195 = arith.constant dense<0.000000e+00> : vector<1000x256xf32>
      %dot_general3A_196 = tpu.matmul %convert_element_type3A_194, %convert_element_type3A_62, %dot_general3A_195 {dimension_numbers = #tpu.dot_dimension_numbers<[1], [0], [0], [1], [0, 0, 1, 1], [], []>, transpose_lhs_hint = false} : vector<1000x8xbf16>, vector<8x256xbf16>, vector<1000x256xf32> -> vector<1000x256xf32>
      %convert_element_type3A_197 = arith.truncf %dot_general3A_196 : vector<1000x256xf32> to vector<1000x256xbf16>
      %mul3A_198 = arith.mulf %convert_element_type3A_100, %convert_element_type3A_197 : vector<1000x256xbf16>
      %add3A_199 = arith.addf %mul3A_193, %mul3A_198 : vector<1000x256xbf16>
      %add3A_200 = arith.addf %add3A_199, %convert_element_type3A_72 : vector<1000x256xbf16>
      %mul3A_201 = arith.mulf %add3A_200, %add3A_200 : vector<1000x256xbf16>
      %dot_general3A_202 = arith.constant dense<0.000000e+00> : vector<1000x8xf32>
      %dot_general3A_203 = tpu.matmul %mul3A_201, %convert_element_type3A_25, %dot_general3A_202 {dimension_numbers = #tpu.dot_dimension_numbers<[1], [0], [0], [1], [0, 0, 1, 1], [], []>, transpose_lhs_hint = false} : vector<1000x256xbf16>, vector<256x8xbf16>, vector<1000x8xf32> -> vector<1000x8xf32>
      %sqrt3A_204 = math.sqrt %dot_general3A_203 : vector<1000x8xf32>
      %max3A_205 = arith.constant 9.99999996E-13 : f32
      %max3A_206 = vector.broadcast %max3A_205 : f32 to vector<1000x8xf32>
      %max3A_207 = arith.maximumf %sqrt3A_204, %max3A_206 : vector<1000x8xf32>
      %div3A_208 = arith.constant 1.000000e+00 : f32
      %div3A_209 = vector.broadcast %div3A_208 : f32 to vector<1000x8xf32>
      %div3A_210 = arith.divf %div3A_209, %max3A_207 : vector<1000x8xf32>
      %convert_element_type3A_211 = arith.truncf %div3A_210 : vector<1000x8xf32> to vector<1000x8xbf16>
      %dot_general3A_212 = arith.constant dense<0.000000e+00> : vector<1000x256xf32>
      %dot_general3A_213 = tpu.matmul %convert_element_type3A_211, %convert_element_type3A_62, %dot_general3A_212 {dimension_numbers = #tpu.dot_dimension_numbers<[1], [0], [0], [1], [0, 0, 1, 1], [], []>, transpose_lhs_hint = false} : vector<1000x8xbf16>, vector<8x256xbf16>, vector<1000x256xf32> -> vector<1000x256xf32>
      %convert_element_type3A_214 = arith.truncf %dot_general3A_213 : vector<1000x256xf32> to vector<1000x256xbf16>
      %mul3A_215 = arith.mulf %add3A_200, %convert_element_type3A_214 : vector<1000x256xbf16>
      scf.yield %mul3A_215 : vector<1000x256xbf16>
    }
    %mul3A_135 = arith.mulf %convert_element_type3A_86, %while3A_134 : vector<1000x256xbf16>
    %dot_general3A_136 = arith.constant dense<0.000000e+00> : vector<1000x8xf32>
    %dot_general3A_137 = tpu.matmul %mul3A_135, %convert_element_type3A_25, %dot_general3A_136 {dimension_numbers = #tpu.dot_dimension_numbers<[1], [0], [0], [1], [0, 0, 1, 1], [], []>, transpose_lhs_hint = false} : vector<1000x256xbf16>, vector<256x8xbf16>, vector<1000x8xf32> -> vector<1000x8xf32>
    %mul3A_138 = arith.mulf %convert_element_type3A_100, %while3A_134 : vector<1000x256xbf16>
    %dot_general3A_139 = arith.constant dense<0.000000e+00> : vector<1000x8xf32>
    %dot_general3A_140 = tpu.matmul %mul3A_138, %convert_element_type3A_25, %dot_general3A_139 {dimension_numbers = #tpu.dot_dimension_numbers<[1], [0], [0], [1], [0, 0, 1, 1], [], []>, transpose_lhs_hint = false} : vector<1000x256xbf16>, vector<256x8xbf16>, vector<1000x8xf32> -> vector<1000x8xf32>
    %exp3A = math.exp %dot_general3A_137 : vector<1000x8xf32>
    %exp3A_141 = math.exp %dot_general3A_140 : vector<1000x8xf32>
    %reduce_sum3A = arith.constant dense<0.000000e+00> : vector<1000xf32>
    %reduce_sum3A_142 = vector.multi_reduction <add>, %exp3A, %reduce_sum3A [1] : vector<1000x8xf32> to vector<1000xf32>
    %broadcast_in_dim3A_143 = vector.shape_cast %reduce_sum3A_142 : vector<1000xf32> to vector<1000x1xf32>
    %div3A_144 = vector.broadcast %broadcast_in_dim3A_143 : vector<1000x1xf32> to vector<1000x8xf32>
    %div3A_145 = arith.divf %exp3A, %div3A_144 : vector<1000x8xf32>
    %reduce_sum3A_146 = arith.constant dense<0.000000e+00> : vector<1000xf32>
    %reduce_sum3A_147 = vector.multi_reduction <add>, %exp3A_141, %reduce_sum3A_146 [1] : vector<1000x8xf32> to vector<1000xf32>
    %broadcast_in_dim3A_148 = vector.shape_cast %reduce_sum3A_147 : vector<1000xf32> to vector<1000x1xf32>
    %div3A_149 = vector.broadcast %broadcast_in_dim3A_148 : vector<1000x1xf32> to vector<1000x8xf32>
    %div3A_150 = arith.divf %exp3A_141, %div3A_149 : vector<1000x8xf32>
    %convert_element_type3A_151 = arith.truncf %div3A_145 : vector<1000x8xf32> to vector<1000x8xbf16>
    %dot_general3A_152 = arith.constant dense<0.000000e+00> : vector<1000x256xf32>
    %dot_general3A_153 = tpu.matmul %convert_element_type3A_151, %convert_element_type3A_62, %dot_general3A_152 {dimension_numbers = #tpu.dot_dimension_numbers<[1], [0], [0], [1], [0, 0, 1, 1], [], []>, transpose_lhs_hint = false} : vector<1000x8xbf16>, vector<8x256xbf16>, vector<1000x256xf32> -> vector<1000x256xf32>
    %convert_element_type3A_154 = arith.truncf %dot_general3A_153 : vector<1000x256xf32> to vector<1000x256xbf16>
    %mul3A_155 = arith.mulf %convert_element_type3A_86, %convert_element_type3A_154 : vector<1000x256xbf16>
    %convert_element_type3A_156 = arith.truncf %div3A_150 : vector<1000x8xf32> to vector<1000x8xbf16>
    %dot_general3A_157 = arith.constant dense<0.000000e+00> : vector<1000x256xf32>
    %dot_general3A_158 = tpu.matmul %convert_element_type3A_156, %convert_element_type3A_62, %dot_general3A_157 {dimension_numbers = #tpu.dot_dimension_numbers<[1], [0], [0], [1], [0, 0, 1, 1], [], []>, transpose_lhs_hint = false} : vector<1000x8xbf16>, vector<8x256xbf16>, vector<1000x256xf32> -> vector<1000x256xf32>
    %convert_element_type3A_159 = arith.truncf %dot_general3A_158 : vector<1000x256xf32> to vector<1000x256xbf16>
    %mul3A_160 = arith.mulf %convert_element_type3A_100, %convert_element_type3A_159 : vector<1000x256xbf16>
    %add3A_161 = arith.addf %mul3A_155, %mul3A_160 : vector<1000x256xbf16>
    %add3A_162 = arith.addf %add3A_161, %convert_element_type3A_72 : vector<1000x256xbf16>
    %ge3A_163 = arith.constant 2 : i32
    %ge3A_164 = arith.cmpi sge, %get3A_102, %ge3A_163 : i32
    %select_n3A_165 = arith.select %ge3A_164, %add3A_162, %while3A_134 : vector<1000x256xbf16>
    %convert_element_type3A_166 = arith.extf %select_n3A_165 : vector<1000x256xbf16> to vector<1000x256xf32>
    %swap3A = arith.constant 0 : index
    %swap3A_167 = arith.constant 0 : index
    %swap3A_168 = vector.load %arg5[%swap3A, %swap3A_167] : memref<1000x256xf32, #tpu.memory_space<vmem>>, vector<1000x256xf32>
    tpu.vector_store %arg5[%swap3A, %swap3A_167], %convert_element_type3A_166 {strides = array<i32>} : memref<1000x256xf32, #tpu.memory_space<vmem>>, vector<1000x256xf32>,
    return
  }
  func.func @transform_0(%arg0: i32) -> i32 {
    %c0_i32 = arith.constant 0 : i32
    %c0_i32_0 = arith.constant 0 : i32
    return %c0_i32 : i32
  }
  func.func @transform_1(%arg0: i32) -> (i32, i32) {
    %add3A = arith.constant 60 : i32
    %add3A_0 = arith.addi %arg0, %add3A : i32
    %c0_i32 = arith.constant 0 : i32
    %c0_i32_1 = arith.constant 0 : i32
    return %add3A_0, %c0_i32 : i32, i32
  }
  func.func @transform_2(%arg0: i32) -> (i32, i32) {
    %c0_i32 = arith.constant 0 : i32
    %c0_i32_0 = arith.constant 0 : i32
    return %arg0, %c0_i32 : i32, i32
  }
  func.func @transform_4(%arg0: i32) -> (i32, i32) {
    %add3A = arith.constant 60 : i32
    %add3A_0 = arith.addi %arg0, %add3A : i32
    %c0_i32 = arith.constant 0 : i32
    %c0_i32_1 = arith.constant 0 : i32
    return %add3A_0, %c0_i32 : i32, i32
  }
}

module attributes {stable_mosaic.version = 14 : i64} {
  func.func @_route_piece_body(%arg0: i32, %arg1: memref<1xi32, #tpu.memory_space<smem>>, %arg2: memref<1000x128xi32, #tpu.memory_space<vmem>>, %arg3: memref<1000x256xi32, #tpu.memory_space<vmem>>, %arg4: memref<100000x256xf32, #tpu.memory_space<any>>, %arg5: memref<1000x256xf32, #tpu.memory_space<vmem>>) attributes {dimension_semantics = [#tpu.dimension_semantics<arbitrary>], iteration_bounds = array<i64: 20>, scalar_prefetch = 0 : i64, scratch_operands = 0 : i64, tpu.core_type = #tpu.core_type<tc>, window_params = [{transform_indices = @transform_0, window_bounds = array<i64: 1>}, {transform_indices = @transform_1, window_bounds = array<i64: 1000, 128>}, {transform_indices = @transform_2, window_bounds = array<i64: 1000, 256>}, {}, {transform_indices = @transform_4, window_bounds = array<i64: 1000, 256>}]} {
    %iota3A = tpu.iota {dimensions = array<i32: 0>} : vector<256x8xi32>
    %jit3A = arith.constant 32 : i32
    %div3A = vector.broadcast %jit3A : i32 to vector<256x8xi32>
    %div3A_0 = arith.divsi %iota3A, %div3A : vector<256x8xi32>
    %sign3A = arith.constant 0 : i32
    %sign3A_1 = vector.broadcast %sign3A : i32 to vector<256x8xi32>
    %sign3A_2 = arith.cmpi sgt, %iota3A, %sign3A_1 : vector<256x8xi32>
    %sign3A_3 = arith.extui %sign3A_2 : vector<256x8xi1> to vector<256x8xi32>
    %sign3A_4 = arith.constant 0 : i32
    %sign3A_5 = vector.broadcast %sign3A_4 : i32 to vector<256x8xi32>
    %sign3A_6 = arith.cmpi slt, %iota3A, %sign3A_5 : vector<256x8xi32>
    %sign3A_7 = arith.extui %sign3A_6 : vector<256x8xi1> to vector<256x8xi32>
    %sign3A_8 = arith.subi %sign3A_3, %sign3A_7 : vector<256x8xi32>
    %sign3A_9 = arith.constant 0 : i32
    %sign3A_10 = arith.cmpi sgt, %jit3A, %sign3A_9 : i32
    %sign3A_11 = arith.extui %sign3A_10 : i1 to i32
    %sign3A_12 = arith.constant 0 : i32
    %sign3A_13 = arith.cmpi slt, %jit3A, %sign3A_12 : i32
    %sign3A_14 = arith.extui %sign3A_13 : i1 to i32
    %sign3A_15 = arith.subi %sign3A_11, %sign3A_14 : i32
    %ne3A = vector.broadcast %sign3A_15 : i32 to vector<256x8xi32>
    %ne3A_16 = arith.cmpi ne, %sign3A_8, %ne3A : vector<256x8xi32>
    %rem3A = vector.broadcast %jit3A : i32 to vector<256x8xi32>
    %rem3A_17 = arith.remsi %iota3A, %rem3A : vector<256x8xi32>
    %ne3A_18 = arith.constant 0 : i32
    %ne3A_19 = vector.broadcast %ne3A_18 : i32 to vector<256x8xi32>
    %ne3A_20 = arith.cmpi ne, %rem3A_17, %ne3A_19 : vector<256x8xi32>
    %and3A = arith.andi %ne3A_16, %ne3A_20 : vector<256x8xi1>
    %sub3A = arith.constant 1 : i32
    %sub3A_21 = vector.broadcast %sub3A : i32 to vector<256x8xi32>
    %sub3A_22 = arith.subi %div3A_0, %sub3A_21 : vector<256x8xi32>
    %select_n3A = arith.select %and3A, %sub3A_22, %div3A_0 : vector<256x8xi1>, vector<256x8xi32>
    %iota3A_23 = tpu.iota {dimensions = array<i32: 1>} : vector<256x8xi32>
    %eq3A = arith.cmpi eq, %select_n3A, %iota3A_23 : vector<256x8xi32>
    %convert_element_type3A = arith.extui %eq3A : vector<256x8xi1> to vector<256x8xi32>
    %convert_element_type3A_24 = arith.sitofp %convert_element_type3A : vector<256x8xi32> to vector<256x8xf32>
    %convert_element_type3A_25 = arith.truncf %convert_element_type3A_24 : vector<256x8xf32> to vector<256x8xbf16>
    %iota3A_26 = tpu.iota {dimensions = array<i32: 0>} : vector<8x256xi32>
    %iota3A_27 = tpu.iota {dimensions = array<i32: 1>} : vector<8x256xi32>
    %jit3A_28 = arith.constant 32 : i32
    %div3A_29 = vector.broadcast %jit3A_28 : i32 to vector<8x256xi32>
    %div3A_30 = arith.divsi %iota3A_27, %div3A_29 : vector<8x256xi32>
    %sign3A_31 = arith.constant 0 : i32
    %sign3A_32 = vector.broadcast %sign3A_31 : i32 to vector<8x256xi32>
    %sign3A_33 = arith.cmpi sgt, %iota3A_27, %sign3A_32 : vector<8x256xi32>
    %sign3A_34 = arith.extui %sign3A_33 : vector<8x256xi1> to vector<8x256xi32>
    %sign3A_35 = arith.constant 0 : i32
    %sign3A_36 = vector.broadcast %sign3A_35 : i32 to vector<8x256xi32>
    %sign3A_37 = arith.cmpi slt, %iota3A_27, %sign3A_36 : vector<8x256xi32>
    %sign3A_38 = arith.extui %sign3A_37 : vector<8x256xi1> to vector<8x256xi32>
    %sign3A_39 = arith.subi %sign3A_34, %sign3A_38 : vector<8x256xi32>
    %sign3A_40 = arith.constant 0 : i32
    %sign3A_41 = arith.cmpi sgt, %jit3A_28, %sign3A_40 : i32
    %sign3A_42 = arith.extui %sign3A_41 : i1 to i32
    %sign3A_43 = arith.constant 0 : i32
    %sign3A_44 = arith.cmpi slt, %jit3A_28, %sign3A_43 : i32
    %sign3A_45 = arith.extui %sign3A_44 : i1 to i32
    %sign3A_46 = arith.subi %sign3A_42, %sign3A_45 : i32
    %ne3A_47 = vector.broadcast %sign3A_46 : i32 to vector<8x256xi32>
    %ne3A_48 = arith.cmpi ne, %sign3A_39, %ne3A_47 : vector<8x256xi32>
    %rem3A_49 = vector.broadcast %jit3A_28 : i32 to vector<8x256xi32>
    %rem3A_50 = arith.remsi %iota3A_27, %rem3A_49 : vector<8x256xi32>
    %ne3A_51 = arith.constant 0 : i32
    %ne3A_52 = vector.broadcast %ne3A_51 : i32 to vector<8x256xi32>
    %ne3A_53 = arith.cmpi ne, %rem3A_50, %ne3A_52 : vector<8x256xi32>
    %and3A_54 = arith.andi %ne3A_48, %ne3A_53 : vector<8x256xi1>
    %sub3A_55 = arith.constant 1 : i32
    %sub3A_56 = vector.broadcast %sub3A_55 : i32 to vector<8x256xi32>
    %sub3A_57 = arith.subi %div3A_30, %sub3A_56 : vector<8x256xi32>
    %select_n3A_58 = arith.select %and3A_54, %sub3A_57, %div3A_30 : vector<8x256xi1>, vector<8x256xi32>
    %eq3A_59 = arith.cmpi eq, %iota3A_26, %select_n3A_58 : vector<8x256xi32>
    %convert_element_type3A_60 = arith.extui %eq3A_59 : vector<8x256xi1> to vector<8x256xi32>
    %convert_element_type3A_61 = arith.sitofp %convert_element_type3A_60 : vector<8x256xi32> to vector<8x256xf32>
    %convert_element_type3A_62 = arith.truncf %convert_element_type3A_61 : vector<8x256xf32> to vector<8x256xbf16>
    %get3A = arith.constant 0 : index
    %get3A_63 = arith.constant 0 : index
    %get3A_64 = vector.load %arg2[%get3A, %get3A_63] : memref<1000x128xi32, #tpu.memory_space<vmem>>, vector<1000x128xi32>
    %bitcast_convert_type3A = tpu.bitcast %get3A_64 : vector<1000x128xi32> -> vector<1000x128xi32>
    %shift_left3A = arith.constant 16 : i32
    %shift_left3A_65 = vector.broadcast %shift_left3A : i32 to vector<1000x128xi32>
    %shift_left3A_66 = arith.shli %bitcast_convert_type3A, %shift_left3A_65 : vector<1000x128xi32>
    %bitcast_convert_type3A_67 = tpu.bitcast %shift_left3A_66 : vector<1000x128xi32> -> vector<1000x128xf32>
    %and3A_68 = arith.constant -65536 : i32
    %and3A_69 = vector.broadcast %and3A_68 : i32 to vector<1000x128xi32>
    %and3A_70 = arith.andi %bitcast_convert_type3A, %and3A_69 : vector<1000x128xi32>
    %bitcast_convert_type3A_71 = tpu.bitcast %and3A_70 : vector<1000x128xi32> -> vector<1000x128xf32>
    %concatenate3A = tpu.concatenate %bitcast_convert_type3A_67, %bitcast_convert_type3A_71 in 1 : vector<1000x128xf32>, vector<1000x128xf32> -> vector<1000x256xf32>
    %convert_element_type3A_72 = arith.truncf %concatenate3A : vector<1000x256xf32> to vector<1000x256xbf16>
    %get3A_73 = arith.constant 0 : index
    %get3A_74 = arith.constant 0 : index
    %get3A_75 = vector.load %arg3[%get3A_73, %get3A_74] : memref<1000x256xi32, #tpu.memory_space<vmem>>, vector<1000x128xi32>
    %bitcast_convert_type3A_76 = tpu.bitcast %get3A_75 : vector<1000x128xi32> -> vector<1000x128xi32>
    %shift_left3A_77 = arith.constant 16 : i32
    %shift_left3A_78 = vector.broadcast %shift_left3A_77 : i32 to vector<1000x128xi32>
    %shift_left3A_79 = arith.shli %bitcast_convert_type3A_76, %shift_left3A_78 : vector<1000x128xi32>
    %bitcast_convert_type3A_80 = tpu.bitcast %shift_left3A_79 : vector<1000x128xi32> -> vector<1000x128xf32>
    %and3A_81 = arith.constant -65536 : i32
    %and3A_82 = vector.broadcast %and3A_81 : i32 to vector<1000x128xi32>
    %and3A_83 = arith.andi %bitcast_convert_type3A_76, %and3A_82 : vector<1000x128xi32>
    %bitcast_convert_type3A_84 = tpu.bitcast %and3A_83 : vector<1000x128xi32> -> vector<1000x128xf32>
    %concatenate3A_85 = tpu.concatenate %bitcast_convert_type3A_80, %bitcast_convert_type3A_84 in 1 : vector<1000x128xf32>, vector<1000x128xf32> -> vector<1000x256xf32>
    %convert_element_type3A_86 = arith.truncf %concatenate3A_85 : vector<1000x256xf32> to vector<1000x256xbf16>
    %get3A_87 = arith.constant 0 : index
    %get3A_88 = arith.constant 128 : index
    %get3A_89 = vector.load %arg3[%get3A_87, %get3A_88] : memref<1000x256xi32, #tpu.memory_space<vmem>>, vector<1000x128xi32>
    %bitcast_convert_type3A_90 = tpu.bitcast %get3A_89 : vector<1000x128xi32> -> vector<1000x128xi32>
    %shift_left3A_91 = arith.constant 16 : i32
    %shift_left3A_92 = vector.broadcast %shift_left3A_91 : i32 to vector<1000x128xi32>
    %shift_left3A_93 = arith.shli %bitcast_convert_type3A_90, %shift_left3A_92 : vector<1000x128xi32>
    %bitcast_convert_type3A_94 = tpu.bitcast %shift_left3A_93 : vector<1000x128xi32> -> vector<1000x128xf32>
    %and3A_95 = arith.constant -65536 : i32
    %and3A_96 = vector.broadcast %and3A_95 : i32 to vector<1000x128xi32>
    %and3A_97 = arith.andi %bitcast_convert_type3A_90, %and3A_96 : vector<1000x128xi32>
    %bitcast_convert_type3A_98 = tpu.bitcast %and3A_97 : vector<1000x128xi32> -> vector<1000x128xf32>
    %concatenate3A_99 = tpu.concatenate %bitcast_convert_type3A_94, %bitcast_convert_type3A_98 in 1 : vector<1000x128xf32>, vector<1000x128xf32> -> vector<1000x256xf32>
    %convert_element_type3A_100 = arith.truncf %concatenate3A_99 : vector<1000x256xf32> to vector<1000x256xbf16>
    %get3A_101 = arith.constant 0 : index
    %get3A_102 = memref.load %arg1[%get3A_101] : memref<1xi32, #tpu.memory_space<smem>>
    %add3A = arith.addf %convert_element_type3A_86, %convert_element_type3A_100 : vector<1000x256xbf16>
    %mul3A = arith.constant 1.250000e-01 : bf16
    %mul3A_103 = vector.broadcast %mul3A : bf16 to vector<1000x256xbf16>
    %mul3A_104 = arith.mulf %add3A, %mul3A_103 : vector<1000x256xbf16>
    %add3A_105 = arith.addf %mul3A_104, %convert_element_type3A_72 : vector<1000x256xbf16>
    %gt3A = arith.constant 1 : i32
    %gt3A_106 = arith.cmpi sgt, %get3A_102, %gt3A : i32
    %mul3A_107 = arith.mulf %add3A_105, %add3A_105 : vector<1000x256xbf16>
    %dot_general3A = arith.constant dense<0.000000e+00> : vector<1000x8xf32>
    %dot_general3A_108 = tpu.matmul %mul3A_107, %convert_element_type3A_25, %dot_general3A {dimension_numbers = #tpu.dot_dimension_numbers<[1], [0], [0], [1], [0, 0, 1, 1], [], []>, transpose_lhs_hint = false} : vector<1000x256xbf16>, vector<256x8xbf16>, vector<1000x8xf32> -> vector<1000x8xf32>
    %sqrt3A = math.sqrt %dot_general3A_108 : vector<1000x8xf32>
    %max3A = arith.constant 9.99999996E-13 : f32
    %max3A_109 = vector.broadcast %max3A : f32 to vector<1000x8xf32>
    %max3A_110 = arith.maximumf %sqrt3A, %max3A_109 : vector<1000x8xf32>
    %div3A_111 = arith.constant 1.000000e+00 : f32
    %div3A_112 = vector.broadcast %div3A_111 : f32 to vector<1000x8xf32>
    %div3A_113 = arith.divf %div3A_112, %max3A_110 : vector<1000x8xf32>
    %convert_element_type3A_114 = arith.truncf %div3A_113 : vector<1000x8xf32> to vector<1000x8xbf16>
    %dot_general3A_115 = arith.constant dense<0.000000e+00> : vector<1000x256xf32>
    %dot_general3A_116 = tpu.matmul %convert_element_type3A_114, %convert_element_type3A_62, %dot_general3A_115 {dimension_numbers = #tpu.dot_dimension_numbers<[1], [0], [0], [1], [0, 0, 1, 1], [], []>, transpose_lhs_hint = false} : vector<1000x8xbf16>, vector<8x256xbf16>, vector<1000x256xf32> -> vector<1000x256xf32>
    %convert_element_type3A_117 = arith.truncf %dot_general3A_116 : vector<1000x256xf32> to vector<1000x256xbf16>
    %mul3A_118 = arith.mulf %add3A_105, %convert_element_type3A_117 : vector<1000x256xbf16>
    %select_n3A_119 = arith.select %gt3A_106, %mul3A_118, %add3A_105 : vector<1000x256xbf16>
    %ge3A = arith.constant 1 : i32
    %ge3A_120 = arith.cmpi sge, %get3A_102, %ge3A : i32
    %broadcast_in_dim3A = arith.constant 0.000000e+00 : bf16
    %broadcast_in_dim3A_121 = vector.broadcast %broadcast_in_dim3A : bf16 to vector<1000x256xbf16>
    %select_n3A_122 = arith.select %ge3A_120, %select_n3A_119, %broadcast_in_dim3A_121 : vector<1000x256xbf16>
    %sub3A_123 = arith.constant 1 : i32
    %sub3A_124 = arith.subi %get3A_102, %sub3A_123 : i32
    %while3A = arith.constant 1 : i32
    %while3A_125 = arith.subi %sub3A_124, %while3A : i32
    %while3A_126 = arith.addi %while3A, %while3A_125 : i32
    %while3A_127 = arith.constant 1 : i32
    %while3A_128 = arith.divsi %while3A_125, %while3A_127 : i32
    %while3A_129 = arith.muli %while3A_128, %while3A_127 : i32
    %while3A_130 = arith.addi %while3A, %while3A_129 : i32
    %while3A_131 = arith.constant 1 : i32
    %while3A_132 = scf.for %while3A_169 = %while3A to %while3A_130 step %while3A_131 iter_args(%while3A_170 = %select_n3A_122) -> (vector<1000x256xbf16>)  : i32 {
      %mul3A_171 = arith.mulf %convert_element_type3A_86, %while3A_170 : vector<1000x256xbf16>
      %dot_general3A_172 = arith.constant dense<0.000000e+00> : vector<1000x8xf32>
      %dot_general3A_173 = tpu.matmul %mul3A_171, %convert_element_type3A_25, %dot_general3A_172 {dimension_numbers = #tpu.dot_dimension_numbers<[1], [0], [0], [1], [0, 0, 1, 1], [], []>, transpose_lhs_hint = false} : vector<1000x256xbf16>, vector<256x8xbf16>, vector<1000x8xf32> -> vector<1000x8xf32>
      %mul3A_174 = arith.mulf %convert_element_type3A_100, %while3A_170 : vector<1000x256xbf16>
      %dot_general3A_175 = arith.constant dense<0.000000e+00> : vector<1000x8xf32>
      %dot_general3A_176 = tpu.matmul %mul3A_174, %convert_element_type3A_25, %dot_general3A_175 {dimension_numbers = #tpu.dot_dimension_numbers<[1], [0], [0], [1], [0, 0, 1, 1], [], []>, transpose_lhs_hint = false} : vector<1000x256xbf16>, vector<256x8xbf16>, vector<1000x8xf32> -> vector<1000x8xf32>
      %exp3A_177 = math.exp %dot_general3A_173 : vector<1000x8xf32>
      %exp3A_178 = math.exp %dot_general3A_176 : vector<1000x8xf32>
      %reduce_sum3A_179 = arith.constant dense<0.000000e+00> : vector<1000xf32>
      %reduce_sum3A_180 = vector.multi_reduction <add>, %exp3A_177, %reduce_sum3A_179 [1] : vector<1000x8xf32> to vector<1000xf32>
      %broadcast_in_dim3A_181 = vector.shape_cast %reduce_sum3A_180 : vector<1000xf32> to vector<1000x1xf32>
      %div3A_182 = vector.broadcast %broadcast_in_dim3A_181 : vector<1000x1xf32> to vector<1000x8xf32>
      %div3A_183 = arith.divf %exp3A_177, %div3A_182 : vector<1000x8xf32>
      %reduce_sum3A_184 = arith.constant dense<0.000000e+00> : vector<1000xf32>
      %reduce_sum3A_185 = vector.multi_reduction <add>, %exp3A_178, %reduce_sum3A_184 [1] : vector<1000x8xf32> to vector<1000xf32>
      %broadcast_in_dim3A_186 = vector.shape_cast %reduce_sum3A_185 : vector<1000xf32> to vector<1000x1xf32>
      %div3A_187 = vector.broadcast %broadcast_in_dim3A_186 : vector<1000x1xf32> to vector<1000x8xf32>
      %div3A_188 = arith.divf %exp3A_178, %div3A_187 : vector<1000x8xf32>
      %convert_element_type3A_189 = arith.truncf %div3A_183 : vector<1000x8xf32> to vector<1000x8xbf16>
      %dot_general3A_190 = arith.constant dense<0.000000e+00> : vector<1000x256xf32>
      %dot_general3A_191 = tpu.matmul %convert_element_type3A_189, %convert_element_type3A_62, %dot_general3A_190 {dimension_numbers = #tpu.dot_dimension_numbers<[1], [0], [0], [1], [0, 0, 1, 1], [], []>, transpose_lhs_hint = false} : vector<1000x8xbf16>, vector<8x256xbf16>, vector<1000x256xf32> -> vector<1000x256xf32>
      %convert_element_type3A_192 = arith.truncf %dot_general3A_191 : vector<1000x256xf32> to vector<1000x256xbf16>
      %mul3A_193 = arith.mulf %convert_element_type3A_86, %convert_element_type3A_192 : vector<1000x256xbf16>
      %convert_element_type3A_194 = arith.truncf %div3A_188 : vector<1000x8xf32> to vector<1000x8xbf16>
      %dot_general3A_195 = arith.constant dense<0.000000e+00> : vector<1000x256xf32>
      %dot_general3A_196 = tpu.matmul %convert_element_type3A_194, %convert_element_type3A_62, %dot_general3A_195 {dimension_numbers = #tpu.dot_dimension_numbers<[1], [0], [0], [1], [0, 0, 1, 1], [], []>, transpose_lhs_hint = false} : vector<1000x8xbf16>, vector<8x256xbf16>, vector<1000x256xf32> -> vector<1000x256xf32>
      %convert_element_type3A_197 = arith.truncf %dot_general3A_196 : vector<1000x256xf32> to vector<1000x256xbf16>
      %mul3A_198 = arith.mulf %convert_element_type3A_100, %convert_element_type3A_197 : vector<1000x256xbf16>
      %add3A_199 = arith.addf %mul3A_193, %mul3A_198 : vector<1000x256xbf16>
      %add3A_200 = arith.addf %add3A_199, %convert_element_type3A_72 : vector<1000x256xbf16>
      %mul3A_201 = arith.mulf %add3A_200, %add3A_200 : vector<1000x256xbf16>
      %dot_general3A_202 = arith.constant dense<0.000000e+00> : vector<1000x8xf32>
      %dot_general3A_203 = tpu.matmul %mul3A_201, %convert_element_type3A_25, %dot_general3A_202 {dimension_numbers = #tpu.dot_dimension_numbers<[1], [0], [0], [1], [0, 0, 1, 1], [], []>, transpose_lhs_hint = false} : vector<1000x256xbf16>, vector<256x8xbf16>, vector<1000x8xf32> -> vector<1000x8xf32>
      %sqrt3A_204 = math.sqrt %dot_general3A_203 : vector<1000x8xf32>
      %max3A_205 = arith.constant 9.99999996E-13 : f32
      %max3A_206 = vector.broadcast %max3A_205 : f32 to vector<1000x8xf32>
      %max3A_207 = arith.maximumf %sqrt3A_204, %max3A_206 : vector<1000x8xf32>
      %div3A_208 = arith.constant 1.000000e+00 : f32
      %div3A_209 = vector.broadcast %div3A_208 : f32 to vector<1000x8xf32>
      %div3A_210 = arith.divf %div3A_209, %max3A_207 : vector<1000x8xf32>
      %convert_element_type3A_211 = arith.truncf %div3A_210 : vector<1000x8xf32> to vector<1000x8xbf16>
      %dot_general3A_212 = arith.constant dense<0.000000e+00> : vector<1000x256xf32>
      %dot_general3A_213 = tpu.matmul %convert_element_type3A_211, %convert_element_type3A_62, %dot_general3A_212 {dimension_numbers = #tpu.dot_dimension_numbers<[1], [0], [0], [1], [0, 0, 1, 1], [], []>, transpose_lhs_hint = false} : vector<1000x8xbf16>, vector<8x256xbf16>, vector<1000x256xf32> -> vector<1000x256xf32>
      %convert_element_type3A_214 = arith.truncf %dot_general3A_213 : vector<1000x256xf32> to vector<1000x256xbf16>
      %mul3A_215 = arith.mulf %add3A_200, %convert_element_type3A_214 : vector<1000x256xbf16>
      scf.yield %mul3A_215 : vector<1000x256xbf16>
    }
    %while3A_133 = arith.constant 1 : i32
    %while3A_134 = scf.for %while3A_169 = %while3A_130 to %while3A_126 step %while3A_133 iter_args(%while3A_170 = %while3A_132) -> (vector<1000x256xbf16>)  : i32 {
      %mul3A_171 = arith.mulf %convert_element_type3A_86, %while3A_170 : vector<1000x256xbf16>
      %dot_general3A_172 = arith.constant dense<0.000000e+00> : vector<1000x8xf32>
      %dot_general3A_173 = tpu.matmul %mul3A_171, %convert_element_type3A_25, %dot_general3A_172 {dimension_numbers = #tpu.dot_dimension_numbers<[1], [0], [0], [1], [0, 0, 1, 1], [], []>, transpose_lhs_hint = false} : vector<1000x256xbf16>, vector<256x8xbf16>, vector<1000x8xf32> -> vector<1000x8xf32>
      %mul3A_174 = arith.mulf %convert_element_type3A_100, %while3A_170 : vector<1000x256xbf16>
      %dot_general3A_175 = arith.constant dense<0.000000e+00> : vector<1000x8xf32>
      %dot_general3A_176 = tpu.matmul %mul3A_174, %convert_element_type3A_25, %dot_general3A_175 {dimension_numbers = #tpu.dot_dimension_numbers<[1], [0], [0], [1], [0, 0, 1, 1], [], []>, transpose_lhs_hint = false} : vector<1000x256xbf16>, vector<256x8xbf16>, vector<1000x8xf32> -> vector<1000x8xf32>
      %exp3A_177 = math.exp %dot_general3A_173 : vector<1000x8xf32>
      %exp3A_178 = math.exp %dot_general3A_176 : vector<1000x8xf32>
      %reduce_sum3A_179 = arith.constant dense<0.000000e+00> : vector<1000xf32>
      %reduce_sum3A_180 = vector.multi_reduction <add>, %exp3A_177, %reduce_sum3A_179 [1] : vector<1000x8xf32> to vector<1000xf32>
      %broadcast_in_dim3A_181 = vector.shape_cast %reduce_sum3A_180 : vector<1000xf32> to vector<1000x1xf32>
      %div3A_182 = vector.broadcast %broadcast_in_dim3A_181 : vector<1000x1xf32> to vector<1000x8xf32>
      %div3A_183 = arith.divf %exp3A_177, %div3A_182 : vector<1000x8xf32>
      %reduce_sum3A_184 = arith.constant dense<0.000000e+00> : vector<1000xf32>
      %reduce_sum3A_185 = vector.multi_reduction <add>, %exp3A_178, %reduce_sum3A_184 [1] : vector<1000x8xf32> to vector<1000xf32>
      %broadcast_in_dim3A_186 = vector.shape_cast %reduce_sum3A_185 : vector<1000xf32> to vector<1000x1xf32>
      %div3A_187 = vector.broadcast %broadcast_in_dim3A_186 : vector<1000x1xf32> to vector<1000x8xf32>
      %div3A_188 = arith.divf %exp3A_178, %div3A_187 : vector<1000x8xf32>
      %convert_element_type3A_189 = arith.truncf %div3A_183 : vector<1000x8xf32> to vector<1000x8xbf16>
      %dot_general3A_190 = arith.constant dense<0.000000e+00> : vector<1000x256xf32>
      %dot_general3A_191 = tpu.matmul %convert_element_type3A_189, %convert_element_type3A_62, %dot_general3A_190 {dimension_numbers = #tpu.dot_dimension_numbers<[1], [0], [0], [1], [0, 0, 1, 1], [], []>, transpose_lhs_hint = false} : vector<1000x8xbf16>, vector<8x256xbf16>, vector<1000x256xf32> -> vector<1000x256xf32>
      %convert_element_type3A_192 = arith.truncf %dot_general3A_191 : vector<1000x256xf32> to vector<1000x256xbf16>
      %mul3A_193 = arith.mulf %convert_element_type3A_86, %convert_element_type3A_192 : vector<1000x256xbf16>
      %convert_element_type3A_194 = arith.truncf %div3A_188 : vector<1000x8xf32> to vector<1000x8xbf16>
      %dot_general3A_195 = arith.constant dense<0.000000e+00> : vector<1000x256xf32>
      %dot_general3A_196 = tpu.matmul %convert_element_type3A_194, %convert_element_type3A_62, %dot_general3A_195 {dimension_numbers = #tpu.dot_dimension_numbers<[1], [0], [0], [1], [0, 0, 1, 1], [], []>, transpose_lhs_hint = false} : vector<1000x8xbf16>, vector<8x256xbf16>, vector<1000x256xf32> -> vector<1000x256xf32>
      %convert_element_type3A_197 = arith.truncf %dot_general3A_196 : vector<1000x256xf32> to vector<1000x256xbf16>
      %mul3A_198 = arith.mulf %convert_element_type3A_100, %convert_element_type3A_197 : vector<1000x256xbf16>
      %add3A_199 = arith.addf %mul3A_193, %mul3A_198 : vector<1000x256xbf16>
      %add3A_200 = arith.addf %add3A_199, %convert_element_type3A_72 : vector<1000x256xbf16>
      %mul3A_201 = arith.mulf %add3A_200, %add3A_200 : vector<1000x256xbf16>
      %dot_general3A_202 = arith.constant dense<0.000000e+00> : vector<1000x8xf32>
      %dot_general3A_203 = tpu.matmul %mul3A_201, %convert_element_type3A_25, %dot_general3A_202 {dimension_numbers = #tpu.dot_dimension_numbers<[1], [0], [0], [1], [0, 0, 1, 1], [], []>, transpose_lhs_hint = false} : vector<1000x256xbf16>, vector<256x8xbf16>, vector<1000x8xf32> -> vector<1000x8xf32>
      %sqrt3A_204 = math.sqrt %dot_general3A_203 : vector<1000x8xf32>
      %max3A_205 = arith.constant 9.99999996E-13 : f32
      %max3A_206 = vector.broadcast %max3A_205 : f32 to vector<1000x8xf32>
      %max3A_207 = arith.maximumf %sqrt3A_204, %max3A_206 : vector<1000x8xf32>
      %div3A_208 = arith.constant 1.000000e+00 : f32
      %div3A_209 = vector.broadcast %div3A_208 : f32 to vector<1000x8xf32>
      %div3A_210 = arith.divf %div3A_209, %max3A_207 : vector<1000x8xf32>
      %convert_element_type3A_211 = arith.truncf %div3A_210 : vector<1000x8xf32> to vector<1000x8xbf16>
      %dot_general3A_212 = arith.constant dense<0.000000e+00> : vector<1000x256xf32>
      %dot_general3A_213 = tpu.matmul %convert_element_type3A_211, %convert_element_type3A_62, %dot_general3A_212 {dimension_numbers = #tpu.dot_dimension_numbers<[1], [0], [0], [1], [0, 0, 1, 1], [], []>, transpose_lhs_hint = false} : vector<1000x8xbf16>, vector<8x256xbf16>, vector<1000x256xf32> -> vector<1000x256xf32>
      %convert_element_type3A_214 = arith.truncf %dot_general3A_213 : vector<1000x256xf32> to vector<1000x256xbf16>
      %mul3A_215 = arith.mulf %add3A_200, %convert_element_type3A_214 : vector<1000x256xbf16>
      scf.yield %mul3A_215 : vector<1000x256xbf16>
    }
    %mul3A_135 = arith.mulf %convert_element_type3A_86, %while3A_134 : vector<1000x256xbf16>
    %dot_general3A_136 = arith.constant dense<0.000000e+00> : vector<1000x8xf32>
    %dot_general3A_137 = tpu.matmul %mul3A_135, %convert_element_type3A_25, %dot_general3A_136 {dimension_numbers = #tpu.dot_dimension_numbers<[1], [0], [0], [1], [0, 0, 1, 1], [], []>, transpose_lhs_hint = false} : vector<1000x256xbf16>, vector<256x8xbf16>, vector<1000x8xf32> -> vector<1000x8xf32>
    %mul3A_138 = arith.mulf %convert_element_type3A_100, %while3A_134 : vector<1000x256xbf16>
    %dot_general3A_139 = arith.constant dense<0.000000e+00> : vector<1000x8xf32>
    %dot_general3A_140 = tpu.matmul %mul3A_138, %convert_element_type3A_25, %dot_general3A_139 {dimension_numbers = #tpu.dot_dimension_numbers<[1], [0], [0], [1], [0, 0, 1, 1], [], []>, transpose_lhs_hint = false} : vector<1000x256xbf16>, vector<256x8xbf16>, vector<1000x8xf32> -> vector<1000x8xf32>
    %exp3A = math.exp %dot_general3A_137 : vector<1000x8xf32>
    %exp3A_141 = math.exp %dot_general3A_140 : vector<1000x8xf32>
    %reduce_sum3A = arith.constant dense<0.000000e+00> : vector<1000xf32>
    %reduce_sum3A_142 = vector.multi_reduction <add>, %exp3A, %reduce_sum3A [1] : vector<1000x8xf32> to vector<1000xf32>
    %broadcast_in_dim3A_143 = vector.shape_cast %reduce_sum3A_142 : vector<1000xf32> to vector<1000x1xf32>
    %div3A_144 = vector.broadcast %broadcast_in_dim3A_143 : vector<1000x1xf32> to vector<1000x8xf32>
    %div3A_145 = arith.divf %exp3A, %div3A_144 : vector<1000x8xf32>
    %reduce_sum3A_146 = arith.constant dense<0.000000e+00> : vector<1000xf32>
    %reduce_sum3A_147 = vector.multi_reduction <add>, %exp3A_141, %reduce_sum3A_146 [1] : vector<1000x8xf32> to vector<1000xf32>
    %broadcast_in_dim3A_148 = vector.shape_cast %reduce_sum3A_147 : vector<1000xf32> to vector<1000x1xf32>
    %div3A_149 = vector.broadcast %broadcast_in_dim3A_148 : vector<1000x1xf32> to vector<1000x8xf32>
    %div3A_150 = arith.divf %exp3A_141, %div3A_149 : vector<1000x8xf32>
    %convert_element_type3A_151 = arith.truncf %div3A_145 : vector<1000x8xf32> to vector<1000x8xbf16>
    %dot_general3A_152 = arith.constant dense<0.000000e+00> : vector<1000x256xf32>
    %dot_general3A_153 = tpu.matmul %convert_element_type3A_151, %convert_element_type3A_62, %dot_general3A_152 {dimension_numbers = #tpu.dot_dimension_numbers<[1], [0], [0], [1], [0, 0, 1, 1], [], []>, transpose_lhs_hint = false} : vector<1000x8xbf16>, vector<8x256xbf16>, vector<1000x256xf32> -> vector<1000x256xf32>
    %convert_element_type3A_154 = arith.truncf %dot_general3A_153 : vector<1000x256xf32> to vector<1000x256xbf16>
    %mul3A_155 = arith.mulf %convert_element_type3A_86, %convert_element_type3A_154 : vector<1000x256xbf16>
    %convert_element_type3A_156 = arith.truncf %div3A_150 : vector<1000x8xf32> to vector<1000x8xbf16>
    %dot_general3A_157 = arith.constant dense<0.000000e+00> : vector<1000x256xf32>
    %dot_general3A_158 = tpu.matmul %convert_element_type3A_156, %convert_element_type3A_62, %dot_general3A_157 {dimension_numbers = #tpu.dot_dimension_numbers<[1], [0], [0], [1], [0, 0, 1, 1], [], []>, transpose_lhs_hint = false} : vector<1000x8xbf16>, vector<8x256xbf16>, vector<1000x256xf32> -> vector<1000x256xf32>
    %convert_element_type3A_159 = arith.truncf %dot_general3A_158 : vector<1000x256xf32> to vector<1000x256xbf16>
    %mul3A_160 = arith.mulf %convert_element_type3A_100, %convert_element_type3A_159 : vector<1000x256xbf16>
    %add3A_161 = arith.addf %mul3A_155, %mul3A_160 : vector<1000x256xbf16>
    %add3A_162 = arith.addf %add3A_161, %convert_element_type3A_72 : vector<1000x256xbf16>
    %ge3A_163 = arith.constant 2 : i32
    %ge3A_164 = arith.cmpi sge, %get3A_102, %ge3A_163 : i32
    %select_n3A_165 = arith.select %ge3A_164, %add3A_162, %while3A_134 : vector<1000x256xbf16>
    %convert_element_type3A_166 = arith.extf %select_n3A_165 : vector<1000x256xbf16> to vector<1000x256xf32>
    %swap3A = arith.constant 0 : index
    %swap3A_167 = arith.constant 0 : index
    %swap3A_168 = vector.load %arg5[%swap3A, %swap3A_167] : memref<1000x256xf32, #tpu.memory_space<vmem>>, vector<1000x256xf32>
    tpu.vector_store %arg5[%swap3A, %swap3A_167], %convert_element_type3A_166 {strides = array<i32>} : memref<1000x256xf32, #tpu.memory_space<vmem>>, vector<1000x256xf32>,
    return
  }
  func.func @transform_0(%arg0: i32) -> i32 {
    %c0_i32 = arith.constant 0 : i32
    %c0_i32_0 = arith.constant 0 : i32
    return %c0_i32 : i32
  }
  func.func @transform_1(%arg0: i32) -> (i32, i32) {
    %add3A = arith.constant 80 : i32
    %add3A_0 = arith.addi %arg0, %add3A : i32
    %c0_i32 = arith.constant 0 : i32
    %c0_i32_1 = arith.constant 0 : i32
    return %add3A_0, %c0_i32 : i32, i32
  }
  func.func @transform_2(%arg0: i32) -> (i32, i32) {
    %c0_i32 = arith.constant 0 : i32
    %c0_i32_0 = arith.constant 0 : i32
    return %arg0, %c0_i32 : i32, i32
  }
  func.func @transform_4(%arg0: i32) -> (i32, i32) {
    %add3A = arith.constant 80 : i32
    %add3A_0 = arith.addi %arg0, %add3A : i32
    %c0_i32 = arith.constant 0 : i32
    %c0_i32_1 = arith.constant 0 : i32
    return %add3A_0, %c0_i32 : i32, i32
  }
}

</mosaic_0001>

<sc_bundles>
// kernel: kernel.13.cloned.1.call-start
scs
__scs_entry_jumppad:
0x0: {  	(pc) =	sbr.rel $0x88, $3  }
0x1: {  	(tag) =	ssettag $0x0;
	lr =	simm.s32 $0x1  }
0x2: {  	[smem:$0x3F9E] =	sst lr;
	_ =	strace $0xD0000000  }
0x3: {  	_ = 	snop  }
0x4: {  	_ = 	snop  }
0x5: {  	_ = 	snop  }
0x6: {  	_ = 	snop  }
0x7: {  	_ = 	snop  }
__scs_overlays_trampoline_lowered:
0x8: {  	[smem:$0x3FAD] =	sst s0  }
0x9: {  	[smem:$0x3FAE] =	sst s1  }
0xa: {  	[smem:$0x3FAF] =	sst s2  }
0xb: {  	[smem:$0x3FB0] =	sst s3  }
0xc: {  	[smem:$0x3FB1] =	sst s4  }
0xd: {  	[smem:$0x3FB2] =	sst s5  }
0xe: {  	[smem:$0x3FB3] =	sst s6  }
0xf: {  	[smem:$0x3FB4] =	sst s7  }
0x10: {  	[smem:$0x3FB5] =	sst s8  }
0x11: {  	[smem:$0x3FB6] =	sst s9;
	s0 =	simm.s32 @!p0 $0x0  }
0x12: {  	s1 =	sld [smem:$0x3F9C];
	s0 =	simm.s32 @p0 $0x1  }
0x13: {  	[smem:$0x3FB7] =	sst s0;
	s0 =	simm.s32 @!p1 $0x0  }
0x14: {  	s2 =	sld [smem:$0x3F9B];
	s0 =	simm.s32 @p1 $0x1  }
0x15: {  	[smem:$0x3FB8] =	sst s0;
	s0 =	simm.s32 @!p2 $0x0  }
0x16: {  	s3 =	sld [smem:$0x3FDB];
	s0 =	simm.s32 @p2 $0x1  }
0x17: {  	s4 =	simm.s32 $0x1BF5;
	[smem:$0x3FBA] =	sst s0  }
0x18: {  	s0 =	sld [smem:$0x3F9D];
	_ =	swait.ge [sflag:s4], $0x0  }
0x19: {  	s7 =	sld [smem:$0x3F9E]  }
0x1a: {  	s8 =	sadd.s32 $0xFFFFE003, lr  }
0x1b: {  	s9 =	sadd.s32 $0xFFFFFEF7, lr;
	s5 =	simm.s32 $0xFFFFFFFF;
	p2 =	slt.u32 s8, $0xFFFFF086  }
0x1c: {  	p1 =	slt.u32 s9, $0xF7A;
	s5 =	simm.s32 @!p2 $0x0  }
0x1d: {  	s5 =	simm.s32 @p1 $0x1;
	p0 =	seq.s32 s7, s2  }
0x1e: {  	s7 =	smul.u32 @!p0 $0xF7A, s2;
	p2 =	seq.s32 @!p0 s5, $0x0  }
0x1f: {  	s9 =	smul.u32 $0xF7A, s1;
	s8 =	simm.s32 @!p0 $0x1BF5;
	p2 =	por !p2, p0  }
0x20: {  	[sflag:s8] =	ssyncset.s32 @!p0 $0xFFFFF086;
	s6 =	sadd.s32 @!p0 s3, s7;
	s7 =	simm.s32 @!p0 $0x108  }
0x21: {  	s3 =	sadd.s32 s3, s9;
	s6 =	sadd.s32 @!p0 $0x88, s6;
	s7 =	simm.s32 @p2 $0x1082  }
0x22: {  	[simem:s7], [sflag:s8] =	dma.local @!p0 [hbm:s6], $0xF7A  }
0x23: {  	s9 =	sor.u32 $0xD0000000, s2;
	s6 =	simm.s32 $0x108;
	_ =	swait.ge @!p0 [sflag:s8], $0x0  }
0x24: {  	s3 =	sadd.s32 $0x88, s3;
	s6 =	simm.s32 @!p1 $0x1082;
	[sflag:s4] =	ssyncset.s32 $0xFFFFF086  }
0x25: {  	[simem:s6], [sflag:s4] =	dma.local [hbm:s3], $0xF7A  }
0x26: {  	[smem:$0x3F9E] =	sst s1;
	(tag) =	ssettag s2;
	_ =	strace s9  }
0x27: {  	s1 =	sld [smem:$0x3FAE]  }
0x28: {  	s2 =	sld [smem:$0x3FAF]  }
0x29: {  	s4 =	sld [smem:$0x3FB1]  }
0x2a: {  	p0 =	seq.s32 s5, $0x0;
	s5 =	sld [smem:$0x3FB2]  }
0x2b: {  	s6 =	sld [smem:$0x3FB3]  }
0x2c: {  	s7 =	sld [smem:$0x3FB4]  }
0x2d: {  	s3 =	simm.s32 $0x108;
	s8 =	sld [smem:$0x3FB5]  }
0x2e: {  	s3 =	simm.s32 @!p0 $0x1082;
	s9 =	sld [smem:$0x3FB6]  }
0x2f: {  	lr =	sadd.s32 s0, s3;
	s0 =	sld [smem:$0x3FAD]  }
0x30: {  	s3 =	sld [smem:$0x3FB0]  }
0x31: {  	[smem:$0x3FB9] =	sst s10  }
0x32: {  	s10 =	sld [smem:$0x3FB7];
	_ =	sdelay $0x3  }
0x33: {  	p0 =	seq.s32 s10, $0x1;
	s10 =	sld [smem:$0x3FB9];
	_ =	sdelay $0x3  }
0x34: {  	[smem:$0x3FB9] =	sst s10  }
0x35: {  	s10 =	sld [smem:$0x3FB8];
	_ =	sdelay $0x3  }
0x36: {  	p1 =	seq.s32 s10, $0x1;
	s10 =	sld [smem:$0x3FB9];
	_ =	sdelay $0x3  }
0x37: {  	[smem:$0x3FB9] =	sst s10  }
0x38: {  	s10 =	sld [smem:$0x3FBA]  }
0x39: {  	_ = 	snop;
	(pc) =	sbr.ind lr, $3  }
0x3a: {  	_ = 	snop  }
0x3b: {  	_ = 	snop  }
0x3c: {  	p2 =	seq.s32 s10, $0x1;
	s10 =	sld [smem:$0x3FB9]  }
0x3d: {  	_ =	shalt  }
0x3e: {  	_ =	shalt  }
0x3f: {  	_ =	shalt  }
0x40: {  	_ =	shalt  }
0x41: {  	_ =	shalt  }
0x42: {  	_ =	shalt  }
0x43: {  	_ =	shalt  }
0x44: {  	_ =	shalt  }
0x45: {  	_ =	shalt  }
0x46: {  	_ =	shalt  }
0x47: {  	_ =	shalt  }
0x48: {  	_ =	shalt  }
0x49: {  	_ =	shalt  }
0x4a: {  	_ =	shalt  }
0x4b: {  	_ =	shalt  }
0x4c: {  	_ =	shalt  }
0x4d: {  	_ =	shalt  }
0x4e: {  	_ =	shalt  }
0x4f: {  	_ =	shalt  }
0x50: {  	_ =	shalt  }
0x51: {  	_ =	shalt  }
0x52: {  	_ =	shalt  }
0x53: {  	_ =	shalt  }
0x54: {  	_ =	shalt  }
0x55: {  	_ =	shalt  }
0x56: {  	_ =	shalt  }
0x57: {  	_ =	shalt  }
0x58: {  	_ =	shalt  }
0x59: {  	_ =	shalt  }
0x5a: {  	_ =	shalt  }
0x5b: {  	_ =	shalt  }
0x5c: {  	_ =	shalt  }
0x5d: {  	_ =	shalt  }
0x5e: {  	_ =	shalt  }
0x5f: {  	_ =	shalt  }
0x60: {  	_ =	shalt  }
0x61: {  	_ =	shalt  }
0x62: {  	_ =	shalt  }
0x63: {  	_ =	shalt  }
0x64: {  	_ =	shalt  }
0x65: {  	_ =	shalt  }
0x66: {  	_ =	shalt  }
0x67: {  	_ =	shalt  }
0x68: {  	_ =	shalt  }
0x69: {  	_ =	shalt  }
0x6a: {  	_ =	shalt  }
0x6b: {  	_ =	shalt  }
0x6c: {  	_ =	shalt  }
0x6d: {  	_ =	shalt  }
0x6e: {  	_ =	shalt  }
0x6f: {  	_ =	shalt  }
0x70: {  	_ =	shalt  }
0x71: {  	_ =	shalt  }
0x72: {  	_ =	shalt  }
0x73: {  	_ =	shalt  }
0x74: {  	_ =	shalt  }
0x75: {  	_ =	shalt  }
0x76: {  	_ =	shalt  }
0x77: {  	_ =	shalt  }
0x78: {  	_ =	shalt  }
0x79: {  	_ =	shalt  }
0x7a: {  	_ =	shalt  }
0x7b: {  	_ =	shalt  }
0x7c: {  	_ =	shalt  }
0x7d: {  	_ =	shalt  }
0x7e: {  	_ =	shalt  }
0x7f: {  	_ =	shalt  }
0x80: {  	_ =	shalt  }
0x81: {  	_ =	shalt  }
0x82: {  	_ =	shalt  }
0x83: {  	_ =	shalt  }
0x84: {  	_ =	shalt  }
0x85: {  	_ =	shalt  }
0x86: {  	_ =	shalt  }
0x87: {  	_ =	shalt  }
.Lfunc_end0:
.L_simem_size_0:
called_computation_lowered:
.L_overlay_start_0:
0x88: {  	s2 =	sld [smem:$0x3FD9]  }
0x89: {  	s3 =	sld [smem:$0x3FFE];
	_ =	sdelay $0x1  }
0x8a: {  	s1 =	srdreg.scid  }
0x8b: {  	s0 =	sand.u32 $0x1, s1  }
0x8c: {  	s17 =	sshll.u32 s0, $0xA;
	s2 =	sadd.s32 s3, s2  }
0x8d: {  	s2 =	sadd.s32 s2, s17  }
0x8e: {  	[smem:$0x3FC5] =	sst s2  }
0x8f: {  	_ = 	snop  }
0x90: {  	s2 =	sld [smem:$0x3FD0];
	(tm) =	ssettm $0x1  }
0x91: {  	s18 =	sld [smem:$0x3FFB];
	_ =	sdelay $0x3  }
0x92: {  	_ =	strace s18  }
0x93: {  	s3 =	sld [smem:$0x3FFC];
	_ =	sdelay $0x3  }
0x94: {  	_ =	strace s3  }
0x95: {  	s3 =	sld [smem:$0x3FFD];
	_ =	sdelay $0x3  }
0x96: {  	_ =	strace s3  }
0x97: {  	_ =	strace $0x8FFFFFFF  }
0x98: {  	s19 =	sld [smem:$0x3FDB];
	_ =	sdelay $0x1  }
0x99: {  	s4 =	simm.s32 $_scs_section_size  }
0x9a: {  	s5 =	simm.s32 $_size__tile_overlayer_lowered;
	s6 =	simm.s32 $_tile_overlayer_lowered  }
0x9b: {  	s22 =	simm.s32 $0x1BFF;
	s21 =	sshll.u32 s6, $0x1;
	s3 =	sadd.s32 s4, s19  }
0x9c: {  	s7 =	simm.s32 $0x0;
	s20 =	sshll.u32 s5, $0x1;
	s5 =	sadd.s32 s21, s3  }
0x9d: {  	[timem:s7], [sflag:s22] =	dma.local [hbm:s5], s20  }
0x9e: {  	_ =	swait.ge [sflag:s22], s20  }
0x9f: {  	s4 =	ssub.s32 $0x0, s20;
	[sflag:s22] =	ssyncset.done $0x0  }
0xa0: {  	[sflag:s22] =	ssyncadd.s32 s4;
	_ =	sdelay $0x1  }
0xa1: {  	s23 =	simm.s32 $0x1B8B  }
0xa2: {  	_ =	swait.ge [sflag:s23], $0x1  }
0xa3: {  	[sflag:s23] =	ssyncset.done $0x0  }
0xa4: {  	s25 =	simm.s32 $0x1B8E;
	s24 =	sld [smem:$0x3FFE];
	[sflag:s23] =	ssyncadd.s32 $0xFFFFFFFF  }
0xa5: {  	s26 =	simm.s32 $execute0_lowered;
	[smem:$0x3FD2] =	sst s25  }
0xa6: {  	s5 =	sshll.u32 s26, $0x1;
	_ =	strace $0x80000046;
	[dreg:$0x1] =	wrdreg $0xFFFFFFFF  }
0xa7: {  	s28 =	simm.s32 $_size_execute0_lowered;
	s3 =	sadd.s32 s3, s5;
	[dreg:$0x0] =	wrdreg $0x0  }
0xa8: {  	s5 =	sshll.u32 s28, $0x1;
	[dreg:$0x2] =	wrdreg s3  }
0xa9: {  	[dreg:$0x3] =	wrdreg s5  }
0xaa: {  	[dreg:$0x4] =	wrdreg $0xC0  }
0xab: {  	_ =	task [dreg:s7], $0x5FFFF  }
0xac: {  	[dreg:$0x1] =	wrdreg $0xFFFFFFFF  }
0xad: {  	[dreg:$0x0] =	wrdreg $0x60  }
0xae: {  	[dreg:$0x2] =	wrdreg s24  }
0xaf: {  	[dreg:$0x3] =	wrdreg s2  }
0xb0: {  	[dreg:$0x4] =	wrdreg $0x9  }
0xb1: {  	_ =	task.clear_ibuf [dreg:s7], $0x5FFFF;
	_ =	strace $0x90000046  }
0xb2: {  	s29 =	simm.s32 $0x9;
	_ =	strace $0x80000048  }
0xb3: {  	_ =	swait.ge [sflag:s29], $0x1  }
0xb4: {  	[sflag:s29] =	ssyncadd.s32 $0xFFFFFFFF  }
0xb5: {  	_ =	strace $0x90000048  }
0xb6: {  	_ =	sfence  }
0xb7: {  	s30 =	sld [smem:$0x0];
	_ =	sdelay $0x2  }
0xb8: {  	s31 =	sshll.u32 s1, $0xD;
	s1 =	sshrl.u32 s1, $0x2  }
0xb9: {  	s3 =	sand.u32 $0x4000, s31;
	s1 =	sadd.s32 s1, s30  }
0xba: {  	s0 =	sor.u32 s3, s0;
	s1 =	sshll.u32 s1, $0x11  }
0xbb: {  	s0 =	sor.u32 s1, s0  }
0xbc: {  	s0 =	sadd.s32 $0x8F2B, s0  }
0xbd: {  	[sflag:s0] =	ssyncadd.remote.s32 $0x1  }
0xbe: {  	_ =	sfence.sel $0xFFFF  }
0xbf: {  	[dreg:$0x0] =	wrdreg $0xFFFFFFFF;
	(pc) =	sbr.abs _section_cstart, $3  }
0xc0: {  	[dreg:$0x1] =	wrdreg $0xFFFFFFFF  }
0xc1: {  	_ =	task.clear_ibuf [dreg:s7], $0x2FFFF;
	_ =	strace $0x9FFFFFFF  }
0xc2: {  	(tm) =	ssettm $0x7FFFFFFF  }
0xc3: {  	_ =	shalt  }
tec
execute0_lowered:
.L_overlay_start_1:
0x0: {  	(tag) =	ssettag $0x1  }
0x1: {  	s3 =	rddreg [dreg:$0x0]  }
0x2: {  	s4 =	rddreg [dreg:$0x1]  }
0x3: {  	s2 =	srdreg.scid;
	s1 =	stileid.u32  }
0x4: {  	s0 =	rddreg [dreg:$0x2];
	s6 =	smul.u32 $0x14, s1  }
0x5: {  	s5 =	sand.u32 $0x1, s2;
	s2 =	simm.s32 $0x0;
	s9 =	smul.u32 $0xA00, s1  }
0x6: {  	s7 =	ssub.s32 $0x2, s5;
	[smem:$0x7FF] =	sst s2;
	s31 =	smul.u32 $0xA, s5  }
0x7: {  	s10 =	smul.u32 $0x500, s5;
	s8 =	sshrl.u32 s7, $0x1;
	_ =	strace $0x80000047  }
0x8: {  	s6 =	sadd.s32 s6, s3;
	s3 =	sadd.s32 $0x1800, s3;
	s9 =	sadd.s32 s9, s4  }
0x9: {  	s4 =	sshll.u32 s1, $0x1;
	s7 =	ssub.s32 s7, s8;
	s8 =	sadd.s32 s31, s6  }
0xa: {  	s6 =	sadd.s32 s10, s9;
	s5 =	smax.u32 s7, $0x1;
	s7 =	sadd.s32 $0x188200, s8  }
.LBB2_1:
0xb: {  	s8 =	sadd.s32 $0x0, s4  }
0xc: {  	p0 =	sgt.u32 s8, $0x1F3  }
0xd: {  	s8 =	simm.s32 @!p0 $0x0;
	s9 =	simm.s32 @!p0 $0x3  }
0xe: {  	[tilespmem:s8], [sflag:$0x3] =	stream.linear.gather @!p0 [hbm4b:s7+s8], $0x50, $0x38;
	[tilespmem:$0x2880] =	vst v63  }
0xf: {  	_ =	swait.ge @!p0 [sflag:s9], $0x50  }
0x10: {  	s10 =	simm.s32 @!p0 $0x1;
	[sflag:s9] =	ssyncset.done @!p0 $0x0  }
0x11: {  	s12 =	simm.s32 @!p0 $0x80;
	[sflag:s9] =	ssyncadd.s32 @!p0 $0xFFFFFFB0;
	s9 =	simm.s32 @!p0 $0x50  }
0x12: {  	[tilespmem:s12], [sflag:$0x1] =	stream.indirect.gather @!p0 [hbm4b:s3+s9], $0x80, s8, s9, $0xb8;
	[tilespmem:$0x2880] =	vst v63  }
0x13: {  	p1 =	por p0, p0;
	_ =	swait.ge @!p0 [sflag:s10], $0x2800  }
0x14: {  	[sflag:s10] =	ssyncset.done @!p1 $0x0  }
0x15: {  	s31 =	sadd.s32 $0x20, s4;
	s11 =	simm.s32 @!p1 $0x2;
	[sflag:s10] =	ssyncadd.s32 @!p1 $0xFFFFD800  }
0x16: {  	[hbm4b:s6+s8] =	stream.linear.scatter @!p1 [tilespmem:s12], [sflag:$0x2], $0x2800, $0x38;
	[tilespmem:$0x2880] =	vst v63  }
0x17: {  	s9 =	simm.s32 $0x40;
	p0 =	sgt.u32 s31, $0x1F3;
	_ =	swait.ge @!p1 [sflag:s11], $0x2800  }
0x18: {  	s10 =	sadd.s32 $0x140, s7;
	s8 =	sadd.s32 $0xA000, s6;
	[sflag:s11] =	ssyncset.done @!p1 $0x0  }
.LBB2_2:
0x19: {  	s12 =	simm.s32 @!p0 $0x0;
	s13 =	simm.s32 @!p0 $0x3;
	[sflag:s11] =	ssyncadd.s32 @!p1 $0xFFFFD800  }
0x1a: {  	[tilespmem:s12], [sflag:$0x3] =	stream.linear.gather @!p0 [hbm4b:s10+s12], $0x50, $0x38;
	[tilespmem:$0x2880] =	vst v63  }
0x1b: {  	s14 =	smov.u32 s9;
	s9 =	sadd.s32 $0x20, s9;
	_ =	swait.ge @!p0 [sflag:s13], $0x50  }
0x1c: {  	s11 =	simm.s32 @!p0 $0x1;
	p2 =	sne.s32 s9, $0x200;
	[sflag:s13] =	ssyncset.done @!p0 $0x0  }
0x1d: {  	s15 =	simm.s32 @!p0 $0x80;
	[sflag:s13] =	ssyncadd.s32 @!p0 $0xFFFFFFB0;
	s13 =	simm.s32 @!p0 $0x50  }
0x1e: {  	[tilespmem:s15], [sflag:$0x1] =	stream.indirect.gather @!p0 [hbm4b:s3+s13], $0x80, s12, s13, $0xb8;
	[tilespmem:$0x2880] =	vst v63  }
0x1f: {  	p1 =	por p0, p0;
	_ =	swait.ge @!p0 [sflag:s11], $0x2800  }
.Ltmp0:
0x20: {  	[sflag:s11] =	ssyncset.done @!p1 $0x0;
	(pc) =	sbr.rel @p2 .LBB2_2-.Ltmp0, $4  }
0x21: {  	[sflag:s11] =	ssyncadd.s32 @!p1 $0xFFFFD800;
	s11 =	simm.s32 @!p1 $0x2  }
0x22: {  	[hbm4b:s8+s12] =	stream.linear.scatter @!p1 [tilespmem:s15], [sflag:$0x2], $0x2800, $0x38;
	[tilespmem:$0x2880] =	vst v63  }
0x23: {  	s10 =	sadd.s32 $0x140, s10;
	s12 =	sadd.s32 s14, s4;
	_ =	swait.ge @!p1 [sflag:s11], $0x2800  }
0x24: {  	s8 =	sadd.s32 $0xA000, s8;
	p0 =	sgt.u32 s12, $0x1F3;
	[sflag:s11] =	ssyncset.done @!p1 $0x0  }
0x25: {  	s9 =	simm.s32 @!p0 $0x0;
	s12 =	simm.s32 @!p0 $0x3;
	[sflag:s11] =	ssyncadd.s32 @!p1 $0xFFFFD800  }
0x26: {  	[tilespmem:s9], [sflag:$0x3] =	stream.linear.gather @!p0 [hbm4b:s10+s9], $0x50, $0x38;
	[tilespmem:$0x2880] =	vst v63  }
0x27: {  	_ =	swait.ge @!p0 [sflag:s12], $0x50  }
0x28: {  	s11 =	simm.s32 @!p0 $0x50;
	[sflag:s12] =	ssyncset.done @!p0 $0x0  }
0x29: {  	s10 =	simm.s32 @!p0 $0x1;
	[sflag:s12] =	ssyncadd.s32 @!p0 $0xFFFFFFB0;
	s12 =	simm.s32 @!p0 $0x80  }
0x2a: {  	[tilespmem:s12], [sflag:$0x1] =	stream.indirect.gather @!p0 [hbm4b:s3+s11], $0x80, s9, s11, $0xb8;
	[tilespmem:$0x2880] =	vst v63  }
0x2b: {  	s2 =	sadd.s32 $0x1, s2;
	_ =	swait.ge @!p0 [sflag:s10], $0x2800;
	p0 =	por p0, p0  }
0x2c: {  	p1 =	sne.s32 s2, s5;
	[sflag:s10] =	ssyncset.done @!p0 $0x0  }
.Ltmp1:
0x2d: {  	[sflag:s10] =	ssyncadd.s32 @!p0 $0xFFFFD800;
	s10 =	simm.s32 @!p0 $0x2;
	(pc) =	sbr.rel @p1 .LBB2_1-.Ltmp1, $4  }
0x2e: {  	[hbm4b:s8+s9] =	stream.linear.scatter @!p0 [tilespmem:s12], [sflag:$0x2], $0x2800, $0x38;
	[tilespmem:$0x2880] =	vst v63  }
0x2f: {  	_ =	swait.ge @!p0 [sflag:s10], $0x2800  }
0x30: {  	[sflag:s10] =	ssyncset.done @!p0 $0x0  }
0x31: {  	[sflag:s10] =	ssyncadd.s32 @!p0 $0xFFFFD800  }
0x32: {  	_ =	sfence.sel $0x180000  }
0x33: {  	[bflag:$0x0] =	sbarrier.arrive $0xFFFF  }
0x34: {  	p0 =	sne.s32 s1, $0x0;
	_ =	strace $0x90000047  }
0x35: {  	s0 =	sadd.s32 @!p0 $0x100000, s0;
	[bflag:$0x2] =	sbarrier.arrive $0xFFFF  }
0x36: {  	[sflag:s0] =	ssyncadd.tile.s32 @!p0 $0x1;
	_ =	shalt  }
.Lfunc_end2:
_tile_overlayer_lowered:
.L_overlay_start_2:
0x37: {  	(tag) =	ssettag $0x2  }
0x38: {  	s0 =	rddreg [dreg:$0x0];
	s2 =	stileid.u32  }
0x39: {  	s1 =	rddreg [dreg:$0x1];
	p0 =	sne.s32 s2, $0x0  }
0x3a: {  	s3 =	rddreg [dreg:$0x2];
	[bflag:$0x3] =	sbarrier.arrive $0xFFFF;
	s2 =	simm.s32 @!p0 $0x1C02  }
0x3b: {  	[timem:s3], [sflag:s2] =	dma.local @!p0 [hbm:s0], s1  }
0x3c: {  	s0 =	simm.s32 @!p0 $0x2  }
0x3d: {  	_ =	swait.ge @!p0 [sflag:s0], s1  }
0x3e: {  	s1 =	ssub.s32 @!p0 $0x0, s1;
	[sflag:s0] =	ssyncset.done @!p0 $0x0  }
0x3f: {  	[sflag:s0] =	ssyncadd.s32 @!p0 s1  }
0x40: {  	[bflag:$0x3] =	sbarrier.arrive $0xFFFF  }
0x41: {  	_ =	shalt  }

// kernel: kernel.16.cloned.1.call-start
scs
__scs_entry_jumppad:
0x0: {  	(pc) =	sbr.rel $0x88, $3  }
0x1: {  	(tag) =	ssettag $0x0;
	lr =	simm.s32 $0x1  }
0x2: {  	[smem:$0x3F9E] =	sst lr;
	_ =	strace $0xD0000000  }
0x3: {  	_ = 	snop  }
0x4: {  	_ = 	snop  }
0x5: {  	_ = 	snop  }
0x6: {  	_ = 	snop  }
0x7: {  	_ = 	snop  }
__scs_overlays_trampoline_lowered:
0x8: {  	[smem:$0x3FAD] =	sst s0  }
0x9: {  	[smem:$0x3FAE] =	sst s1  }
0xa: {  	[smem:$0x3FAF] =	sst s2  }
0xb: {  	[smem:$0x3FB0] =	sst s3  }
0xc: {  	[smem:$0x3FB1] =	sst s4  }
0xd: {  	[smem:$0x3FB2] =	sst s5  }
0xe: {  	[smem:$0x3FB3] =	sst s6  }
0xf: {  	[smem:$0x3FB4] =	sst s7  }
0x10: {  	[smem:$0x3FB5] =	sst s8  }
0x11: {  	[smem:$0x3FB6] =	sst s9;
	s0 =	simm.s32 @!p0 $0x0  }
0x12: {  	s1 =	sld [smem:$0x3F9C];
	s0 =	simm.s32 @p0 $0x1  }
0x13: {  	[smem:$0x3FB7] =	sst s0;
	s0 =	simm.s32 @!p1 $0x0  }
0x14: {  	s2 =	sld [smem:$0x3F9B];
	s0 =	simm.s32 @p1 $0x1  }
0x15: {  	[smem:$0x3FB8] =	sst s0;
	s0 =	simm.s32 @!p2 $0x0  }
0x16: {  	s3 =	sld [smem:$0x3FDB];
	s0 =	simm.s32 @p2 $0x1  }
0x17: {  	s4 =	simm.s32 $0x1BF5;
	[smem:$0x3FBA] =	sst s0  }
0x18: {  	s0 =	sld [smem:$0x3F9D];
	_ =	swait.ge [sflag:s4], $0x0  }
0x19: {  	s7 =	sld [smem:$0x3F9E]  }
0x1a: {  	s8 =	sadd.s32 $0xFFFFE003, lr  }
0x1b: {  	s9 =	sadd.s32 $0xFFFFFEF7, lr;
	s5 =	simm.s32 $0xFFFFFFFF;
	p2 =	slt.u32 s8, $0xFFFFF086  }
0x1c: {  	p1 =	slt.u32 s9, $0xF7A;
	s5 =	simm.s32 @!p2 $0x0  }
0x1d: {  	s5 =	simm.s32 @p1 $0x1;
	p0 =	seq.s32 s7, s2  }
0x1e: {  	s7 =	smul.u32 @!p0 $0xF7A, s2;
	p2 =	seq.s32 @!p0 s5, $0x0  }
0x1f: {  	s9 =	smul.u32 $0xF7A, s1;
	s8 =	simm.s32 @!p0 $0x1BF5;
	p2 =	por !p2, p0  }
0x20: {  	[sflag:s8] =	ssyncset.s32 @!p0 $0xFFFFF086;
	s6 =	sadd.s32 @!p0 s3, s7;
	s7 =	simm.s32 @!p0 $0x108  }
0x21: {  	s3 =	sadd.s32 s3, s9;
	s6 =	sadd.s32 @!p0 $0x88, s6;
	s7 =	simm.s32 @p2 $0x1082  }
0x22: {  	[simem:s7], [sflag:s8] =	dma.local @!p0 [hbm:s6], $0xF7A  }
0x23: {  	s9 =	sor.u32 $0xD0000000, s2;
	s6 =	simm.s32 $0x108;
	_ =	swait.ge @!p0 [sflag:s8], $0x0  }
0x24: {  	s3 =	sadd.s32 $0x88, s3;
	s6 =	simm.s32 @!p1 $0x1082;
	[sflag:s4] =	ssyncset.s32 $0xFFFFF086  }
0x25: {  	[simem:s6], [sflag:s4] =	dma.local [hbm:s3], $0xF7A  }
0x26: {  	[smem:$0x3F9E] =	sst s1;
	(tag) =	ssettag s2;
	_ =	strace s9  }
0x27: {  	s1 =	sld [smem:$0x3FAE]  }
0x28: {  	s2 =	sld [smem:$0x3FAF]  }
0x29: {  	s4 =	sld [smem:$0x3FB1]  }
0x2a: {  	p0 =	seq.s32 s5, $0x0;
	s5 =	sld [smem:$0x3FB2]  }
0x2b: {  	s6 =	sld [smem:$0x3FB3]  }
0x2c: {  	s7 =	sld [smem:$0x3FB4]  }
0x2d: {  	s3 =	simm.s32 $0x108;
	s8 =	sld [smem:$0x3FB5]  }
0x2e: {  	s3 =	simm.s32 @!p0 $0x1082;
	s9 =	sld [smem:$0x3FB6]  }
0x2f: {  	lr =	sadd.s32 s0, s3;
	s0 =	sld [smem:$0x3FAD]  }
0x30: {  	s3 =	sld [smem:$0x3FB0]  }
0x31: {  	[smem:$0x3FB9] =	sst s10  }
0x32: {  	s10 =	sld [smem:$0x3FB7];
	_ =	sdelay $0x3  }
0x33: {  	p0 =	seq.s32 s10, $0x1;
	s10 =	sld [smem:$0x3FB9];
	_ =	sdelay $0x3  }
0x34: {  	[smem:$0x3FB9] =	sst s10  }
0x35: {  	s10 =	sld [smem:$0x3FB8];
	_ =	sdelay $0x3  }
0x36: {  	p1 =	seq.s32 s10, $0x1;
	s10 =	sld [smem:$0x3FB9];
	_ =	sdelay $0x3  }
0x37: {  	[smem:$0x3FB9] =	sst s10  }
0x38: {  	s10 =	sld [smem:$0x3FBA]  }
0x39: {  	_ = 	snop;
	(pc) =	sbr.ind lr, $3  }
0x3a: {  	_ = 	snop  }
0x3b: {  	_ = 	snop  }
0x3c: {  	p2 =	seq.s32 s10, $0x1;
	s10 =	sld [smem:$0x3FB9]  }
0x3d: {  	_ =	shalt  }
0x3e: {  	_ =	shalt  }
0x3f: {  	_ =	shalt  }
0x40: {  	_ =	shalt  }
0x41: {  	_ =	shalt  }
0x42: {  	_ =	shalt  }
0x43: {  	_ =	shalt  }
0x44: {  	_ =	shalt  }
0x45: {  	_ =	shalt  }
0x46: {  	_ =	shalt  }
0x47: {  	_ =	shalt  }
0x48: {  	_ =	shalt  }
0x49: {  	_ =	shalt  }
0x4a: {  	_ =	shalt  }
0x4b: {  	_ =	shalt  }
0x4c: {  	_ =	shalt  }
0x4d: {  	_ =	shalt  }
0x4e: {  	_ =	shalt  }
0x4f: {  	_ =	shalt  }
0x50: {  	_ =	shalt  }
0x51: {  	_ =	shalt  }
0x52: {  	_ =	shalt  }
0x53: {  	_ =	shalt  }
0x54: {  	_ =	shalt  }
0x55: {  	_ =	shalt  }
0x56: {  	_ =	shalt  }
0x57: {  	_ =	shalt  }
0x58: {  	_ =	shalt  }
0x59: {  	_ =	shalt  }
0x5a: {  	_ =	shalt  }
0x5b: {  	_ =	shalt  }
0x5c: {  	_ =	shalt  }
0x5d: {  	_ =	shalt  }
0x5e: {  	_ =	shalt  }
0x5f: {  	_ =	shalt  }
0x60: {  	_ =	shalt  }
0x61: {  	_ =	shalt  }
0x62: {  	_ =	shalt  }
0x63: {  	_ =	shalt  }
0x64: {  	_ =	shalt  }
0x65: {  	_ =	shalt  }
0x66: {  	_ =	shalt  }
0x67: {  	_ =	shalt  }
0x68: {  	_ =	shalt  }
0x69: {  	_ =	shalt  }
0x6a: {  	_ =	shalt  }
0x6b: {  	_ =	shalt  }
0x6c: {  	_ =	shalt  }
0x6d: {  	_ =	shalt  }
0x6e: {  	_ =	shalt  }
0x6f: {  	_ =	shalt  }
0x70: {  	_ =	shalt  }
0x71: {  	_ =	shalt  }
0x72: {  	_ =	shalt  }
0x73: {  	_ =	shalt  }
0x74: {  	_ =	shalt  }
0x75: {  	_ =	shalt  }
0x76: {  	_ =	shalt  }
0x77: {  	_ =	shalt  }
0x78: {  	_ =	shalt  }
0x79: {  	_ =	shalt  }
0x7a: {  	_ =	shalt  }
0x7b: {  	_ =	shalt  }
0x7c: {  	_ =	shalt  }
0x7d: {  	_ =	shalt  }
0x7e: {  	_ =	shalt  }
0x7f: {  	_ =	shalt  }
0x80: {  	_ =	shalt  }
0x81: {  	_ =	shalt  }
0x82: {  	_ =	shalt  }
0x83: {  	_ =	shalt  }
0x84: {  	_ =	shalt  }
0x85: {  	_ =	shalt  }
0x86: {  	_ =	shalt  }
0x87: {  	_ =	shalt  }
.Lfunc_end0:
.L_simem_size_0:
called_computation.1_lowered:
.L_overlay_start_0:
0x88: {  	s2 =	sld [smem:$0x3FD9]  }
0x89: {  	s3 =	sld [smem:$0x3FFE];
	_ =	sdelay $0x1  }
0x8a: {  	s1 =	srdreg.scid  }
0x8b: {  	s0 =	sand.u32 $0x1, s1  }
0x8c: {  	s17 =	sshll.u32 s0, $0xA;
	s2 =	sadd.s32 s3, s2  }
0x8d: {  	s2 =	sadd.s32 s2, s17  }
0x8e: {  	[smem:$0x3FC5] =	sst s2  }
0x8f: {  	_ = 	snop  }
0x90: {  	(tm) =	ssettm $0x1  }
0x91: {  	s18 =	sld [smem:$0x3FFB];
	_ =	sdelay $0x3  }
0x92: {  	_ =	strace s18  }
0x93: {  	s2 =	sld [smem:$0x3FFC];
	_ =	sdelay $0x3  }
0x94: {  	_ =	strace s2  }
0x95: {  	s2 =	sld [smem:$0x3FFD];
	_ =	sdelay $0x3  }
0x96: {  	_ =	strace s2  }
0x97: {  	_ =	strace $0x8FFFFFFF  }
0x98: {  	s19 =	sld [smem:$0x3FDB];
	_ =	sdelay $0x1  }
0x99: {  	s20 =	simm.s32 $_scs_section_size  }
0x9a: {  	s4 =	simm.s32 $_size__tile_overlayer_lowered;
	s5 =	simm.s32 $_tile_overlayer_lowered  }
0x9b: {  	s6 =	simm.s32 $0x1BFF;
	s21 =	sshll.u32 s5, $0x1;
	s3 =	sadd.s32 s20, s19  }
0x9c: {  	s22 =	simm.s32 $0x0;
	s4 =	sshll.u32 s4, $0x1;
	s5 =	sadd.s32 s21, s3  }
0x9d: {  	[timem:s22], [sflag:s6] =	dma.local [hbm:s5], s4  }
0x9e: {  	_ =	swait.ge [sflag:s6], s4  }
0x9f: {  	s4 =	ssub.s32 $0x0, s4;
	[sflag:s6] =	ssyncset.done $0x0  }
0xa0: {  	[sflag:s6] =	ssyncadd.s32 s4;
	_ =	sdelay $0x1  }
0xa1: {  	s23 =	simm.s32 $0x1B8B  }
0xa2: {  	_ =	swait.ge [sflag:s23], $0x1  }
0xa3: {  	[sflag:s23] =	ssyncset.done $0x0  }
0xa4: {  	[sflag:s23] =	ssyncadd.s32 $0xFFFFFFFF  }
0xa5: {  	s4 =	sld [smem:$0x0]  }
0xa6: {  	s5 =	sand.u32 $0xFFFFFFFE, s1  }
0xa7: {  	p0 =	sne.s32 s1, s5  }
0xa8: {  	s5 =	sshll.u32 @p0 s5, $0xE  }
0xa9: {  	s5 =	sadd.s32 @p0 $0x11B8D, s5;
	s6 =	sshll.u32 @p0 s4, $0x11  }
0xaa: {  	s5 =	sor.u32 @p0 s6, s5  }
0xab: {  	[sflag:s5] =	ssyncadd.remote.s32 @p0 $0x1;
	_ =	sdelay $0x1  }
0xac: {  	s5 =	simm.s32 @p0 $0x1B8D  }
0xad: {  	_ =	swait.eq @p0 [sflag:s5], $0x1  }
0xae: {  	[sflag:s5] =	ssyncadd.s32 @p0 $0xFFFFFFFF  }
0xaf: {  	s6 =	sshll.u32 @!p0 s1, $0xE  }
0xb0: {  	s6 =	sor.u32 @!p0 $0x4000, s6;
	s5 =	simm.s32 @!p0 $0x1B8D  }
0xb1: {  	s4 =	sshll.u32 @!p0 s4, $0x11;
	s6 =	sadd.s32 @!p0 $0x11B8D, s6;
	_ =	swait.eq @!p0 [sflag:s5], $0x1  }
0xb2: {  	s4 =	sor.u32 @!p0 s4, s6;
	[sflag:s5] =	ssyncadd.s32 @!p0 $0xFFFFFFFF  }
0xb3: {  	s25 =	simm.s32 $0x1B8E;
	s24 =	sld [smem:$0x3FFE];
	[sflag:s4] =	ssyncadd.remote.s32 @!p0 $0x1  }
0xb4: {  	s26 =	simm.s32 $execute0_lowered;
	[smem:$0x3FD2] =	sst s25  }
0xb5: {  	s5 =	sshll.u32 s26, $0x1;
	_ =	strace $0x80000049;
	[dreg:$0x1] =	wrdreg $0xFFFFFFFF  }
0xb6: {  	s28 =	simm.s32 $_size_execute0_lowered;
	s3 =	sadd.s32 s3, s5;
	[dreg:$0x0] =	wrdreg $0x0  }
0xb7: {  	s5 =	sshll.u32 s28, $0x1;
	[dreg:$0x2] =	wrdreg s3  }
0xb8: {  	[dreg:$0x3] =	wrdreg s5  }
0xb9: {  	[dreg:$0x4] =	wrdreg $0xC0  }
0xba: {  	_ =	task [dreg:s22], $0x5FFFF  }
0xbb: {  	[dreg:$0x1] =	wrdreg $0xFFFFFFFF  }
0xbc: {  	[dreg:$0x0] =	wrdreg $0x60  }
0xbd: {  	[dreg:$0x2] =	wrdreg s24  }
0xbe: {  	[dreg:$0x3] =	wrdreg $0xA  }
0xbf: {  	_ =	task.clear_ibuf [dreg:s22], $0x4FFFF;
	_ =	strace $0x90000049  }
0xc0: {  	s29 =	simm.s32 $0xA;
	_ =	strace $0x8000004B  }
0xc1: {  	_ =	swait.ge [sflag:s29], $0x1  }
0xc2: {  	[sflag:s29] =	ssyncadd.s32 $0xFFFFFFFF  }
0xc3: {  	_ =	strace $0x9000004B  }
0xc4: {  	_ =	sfence  }
0xc5: {  	s30 =	sld [smem:$0x0];
	_ =	sdelay $0x2  }
0xc6: {  	s31 =	sshll.u32 s1, $0xD;
	s1 =	sshrl.u32 s1, $0x2  }
0xc7: {  	s4 =	sand.u32 $0x4000, s31;
	s1 =	sadd.s32 s1, s30  }
0xc8: {  	s0 =	sor.u32 s4, s0;
	s1 =	sshll.u32 s1, $0x11  }
0xc9: {  	s0 =	sor.u32 s1, s0  }
0xca: {  	s0 =	sadd.s32 $0x8F2B, s0  }
0xcb: {  	[sflag:s0] =	ssyncadd.remote.s32 $0x1  }
0xcc: {  	_ =	sfence.sel $0xFFFF  }
0xcd: {  	[dreg:$0x0] =	wrdreg $0xFFFFFFFF;
	(pc) =	sbr.abs _section_cstart, $3  }
0xce: {  	[dreg:$0x1] =	wrdreg $0xFFFFFFFF  }
0xcf: {  	_ =	task.clear_ibuf [dreg:s22], $0x2FFFF;
	_ =	strace $0x9FFFFFFF  }
0xd0: {  	(tm) =	ssettm $0x7FFFFFFF  }
0xd1: {  	_ =	shalt  }
tec
execute0_lowered:
.L_overlay_start_1:
0x0: {  	(tag) =	ssettag $0x1  }
0x1: {  	s3 =	rddreg [dreg:$0x0]  }
0x2: {  	s0 =	rddreg [dreg:$0x1];
	s1 =	stileid.u32  }
0x3: {  	s2 =	simm.s32 $0x0;
	s5 =	srdreg.scid;
	s4 =	smul.u32 $0x14, s1  }
0x4: {  	[smem:$0x7FF] =	sst s2;
	s6 =	smul.u32 $0xA00, s1;
	s5 =	sand.u32 $0x1, s5  }
0x5: {  	_ =	strace $0x8000004A;
	s7 =	ssub.s32 $0x2, s5;
	s8 =	smul.u32 $0x500, s5  }
0x6: {  	s5 =	smul.u32 $0xA, s5;
	s9 =	sadd.s32 s4, s3;
	s30 =	sshrl.u32 s7, $0x1  }
0x7: {  	s6 =	sadd.s32 s6, s3;
	s3 =	sadd.s32 $0x1800, s3;
	s4 =	sshll.u32 s1, $0x1  }
0x8: {  	s7 =	ssub.s32 s7, s30;
	s6 =	sadd.s32 s8, s6;
	s31 =	sadd.s32 s5, s9  }
0x9: {  	s5 =	smax.u32 s7, $0x1;
	s6 =	sadd.s32 $0x18E600, s6;
	s7 =	sadd.s32 $0x189600, s31  }
.LBB2_1:
0xa: {  	s8 =	sadd.s32 $0x0, s4  }
0xb: {  	p0 =	sgt.u32 s8, $0x1F3  }
0xc: {  	s8 =	simm.s32 @!p0 $0x0;
	s9 =	simm.s32 @!p0 $0x3  }
0xd: {  	[tilespmem:s8], [sflag:$0x3] =	stream.linear.gather @!p0 [hbm4b:s7+s8], $0x50, $0x38;
	[tilespmem:$0x2880] =	vst v63  }
0xe: {  	_ =	swait.ge @!p0 [sflag:s9], $0x50  }
0xf: {  	s10 =	simm.s32 @!p0 $0x1;
	[sflag:s9] =	ssyncset.done @!p0 $0x0  }
0x10: {  	s12 =	simm.s32 @!p0 $0x80;
	[sflag:s9] =	ssyncadd.s32 @!p0 $0xFFFFFFB0;
	s9 =	simm.s32 @!p0 $0x50  }
0x11: {  	[tilespmem:s12], [sflag:$0x1] =	stream.indirect.gather @!p0 [hbm4b:s3+s9], $0x80, s8, s9, $0xb8;
	[tilespmem:$0x2880] =	vst v63  }
0x12: {  	p1 =	por p0, p0;
	_ =	swait.ge @!p0 [sflag:s10], $0x2800  }
0x13: {  	[sflag:s10] =	ssyncset.done @!p1 $0x0  }
0x14: {  	s31 =	sadd.s32 $0x20, s4;
	s11 =	simm.s32 @!p1 $0x2;
	[sflag:s10] =	ssyncadd.s32 @!p1 $0xFFFFD800  }
0x15: {  	[hbm4b:s6+s8] =	stream.linear.scatter @!p1 [tilespmem:s12], [sflag:$0x2], $0x2800, $0x38;
	[tilespmem:$0x2880] =	vst v63  }
0x16: {  	s9 =	simm.s32 $0x40;
	p0 =	sgt.u32 s31, $0x1F3;
	_ =	swait.ge @!p1 [sflag:s11], $0x2800  }
0x17: {  	s10 =	sadd.s32 $0x140, s7;
	s8 =	sadd.s32 $0xA000, s6;
	[sflag:s11] =	ssyncset.done @!p1 $0x0  }
.LBB2_2:
0x18: {  	s12 =	simm.s32 @!p0 $0x0;
	s13 =	simm.s32 @!p0 $0x3;
	[sflag:s11] =	ssyncadd.s32 @!p1 $0xFFFFD800  }
0x19: {  	[tilespmem:s12], [sflag:$0x3] =	stream.linear.gather @!p0 [hbm4b:s10+s12], $0x50, $0x38;
	[tilespmem:$0x2880] =	vst v63  }
0x1a: {  	s14 =	smov.u32 s9;
	s9 =	sadd.s32 $0x20, s9;
	_ =	swait.ge @!p0 [sflag:s13], $0x50  }
0x1b: {  	s11 =	simm.s32 @!p0 $0x1;
	p2 =	sne.s32 s9, $0x200;
	[sflag:s13] =	ssyncset.done @!p0 $0x0  }
0x1c: {  	s15 =	simm.s32 @!p0 $0x80;
	[sflag:s13] =	ssyncadd.s32 @!p0 $0xFFFFFFB0;
	s13 =	simm.s32 @!p0 $0x50  }
0x1d: {  	[tilespmem:s15], [sflag:$0x1] =	stream.indirect.gather @!p0 [hbm4b:s3+s13], $0x80, s12, s13, $0xb8;
	[tilespmem:$0x2880] =	vst v63  }
0x1e: {  	p1 =	por p0, p0;
	_ =	swait.ge @!p0 [sflag:s11], $0x2800  }
.Ltmp0:
0x1f: {  	[sflag:s11] =	ssyncset.done @!p1 $0x0;
	(pc) =	sbr.rel @p2 .LBB2_2-.Ltmp0, $4  }
0x20: {  	[sflag:s11] =	ssyncadd.s32 @!p1 $0xFFFFD800;
	s11 =	simm.s32 @!p1 $0x2  }
0x21: {  	[hbm4b:s8+s12] =	stream.linear.scatter @!p1 [tilespmem:s15], [sflag:$0x2], $0x2800, $0x38;
	[tilespmem:$0x2880] =	vst v63  }
0x22: {  	s10 =	sadd.s32 $0x140, s10;
	s12 =	sadd.s32 s14, s4;
	_ =	swait.ge @!p1 [sflag:s11], $0x2800  }
0x23: {  	s8 =	sadd.s32 $0xA000, s8;
	p0 =	sgt.u32 s12, $0x1F3;
	[sflag:s11] =	ssyncset.done @!p1 $0x0  }
0x24: {  	s9 =	simm.s32 @!p0 $0x0;
	s12 =	simm.s32 @!p0 $0x3;
	[sflag:s11] =	ssyncadd.s32 @!p1 $0xFFFFD800  }
0x25: {  	[tilespmem:s9], [sflag:$0x3] =	stream.linear.gather @!p0 [hbm4b:s10+s9], $0x50, $0x38;
	[tilespmem:$0x2880] =	vst v63  }
0x26: {  	_ =	swait.ge @!p0 [sflag:s12], $0x50  }
0x27: {  	s11 =	simm.s32 @!p0 $0x50;
	[sflag:s12] =	ssyncset.done @!p0 $0x0  }
0x28: {  	s10 =	simm.s32 @!p0 $0x1;
	[sflag:s12] =	ssyncadd.s32 @!p0 $0xFFFFFFB0;
	s12 =	simm.s32 @!p0 $0x80  }
0x29: {  	[tilespmem:s12], [sflag:$0x1] =	stream.indirect.gather @!p0 [hbm4b:s3+s11], $0x80, s9, s11, $0xb8;
	[tilespmem:$0x2880] =	vst v63  }
0x2a: {  	s2 =	sadd.s32 $0x1, s2;
	_ =	swait.ge @!p0 [sflag:s10], $0x2800;
	p0 =	por p0, p0  }
0x2b: {  	p1 =	sne.s32 s2, s5;
	[sflag:s10] =	ssyncset.done @!p0 $0x0  }
.Ltmp1:
0x2c: {  	[sflag:s10] =	ssyncadd.s32 @!p0 $0xFFFFD800;
	s10 =	simm.s32 @!p0 $0x2;
	(pc) =	sbr.rel @p1 .LBB2_1-.Ltmp1, $4  }
0x2d: {  	[hbm4b:s8+s9] =	stream.linear.scatter @!p0 [tilespmem:s12], [sflag:$0x2], $0x2800, $0x38;
	[tilespmem:$0x2880] =	vst v63  }
0x2e: {  	_ =	swait.ge @!p0 [sflag:s10], $0x2800  }
0x2f: {  	[sflag:s10] =	ssyncset.done @!p0 $0x0  }
0x30: {  	[sflag:s10] =	ssyncadd.s32 @!p0 $0xFFFFD800  }
0x31: {  	_ =	sfence.sel $0x180000  }
0x32: {  	[bflag:$0x0] =	sbarrier.arrive $0xFFFF  }
0x33: {  	p0 =	sne.s32 s1, $0x0;
	_ =	strace $0x9000004A  }
0x34: {  	s0 =	sadd.s32 @!p0 $0x100000, s0;
	[bflag:$0x2] =	sbarrier.arrive $0xFFFF  }
0x35: {  	[sflag:s0] =	ssyncadd.tile.s32 @!p0 $0x1;
	_ =	shalt  }
.Lfunc_end2:
_tile_overlayer_lowered:
.L_overlay_start_2:
0x36: {  	(tag) =	ssettag $0x2  }
0x37: {  	s0 =	rddreg [dreg:$0x0];
	s2 =	stileid.u32  }
0x38: {  	s1 =	rddreg [dreg:$0x1];
	p0 =	sne.s32 s2, $0x0  }
0x39: {  	s3 =	rddreg [dreg:$0x2];
	[bflag:$0x3] =	sbarrier.arrive $0xFFFF;
	s2 =	simm.s32 @!p0 $0x1C02  }
0x3a: {  	[timem:s3], [sflag:s2] =	dma.local @!p0 [hbm:s0], s1  }
0x3b: {  	s0 =	simm.s32 @!p0 $0x2  }
0x3c: {  	_ =	swait.ge @!p0 [sflag:s0], s1  }
0x3d: {  	s1 =	ssub.s32 @!p0 $0x0, s1;
	[sflag:s0] =	ssyncset.done @!p0 $0x0  }
0x3e: {  	[sflag:s0] =	ssyncadd.s32 @!p0 s1  }
0x3f: {  	[bflag:$0x3] =	sbarrier.arrive $0xFFFF  }
0x40: {  	_ =	shalt  }

// kernel: kernel.19.cloned.1.call-start
scs
__scs_entry_jumppad:
0x0: {  	(pc) =	sbr.rel $0x88, $3  }
0x1: {  	(tag) =	ssettag $0x0;
	lr =	simm.s32 $0x1  }
0x2: {  	[smem:$0x3F9E] =	sst lr;
	_ =	strace $0xD0000000  }
0x3: {  	_ = 	snop  }
0x4: {  	_ = 	snop  }
0x5: {  	_ = 	snop  }
0x6: {  	_ = 	snop  }
0x7: {  	_ = 	snop  }
__scs_overlays_trampoline_lowered:
0x8: {  	[smem:$0x3FAD] =	sst s0  }
0x9: {  	[smem:$0x3FAE] =	sst s1  }
0xa: {  	[smem:$0x3FAF] =	sst s2  }
0xb: {  	[smem:$0x3FB0] =	sst s3  }
0xc: {  	[smem:$0x3FB1] =	sst s4  }
0xd: {  	[smem:$0x3FB2] =	sst s5  }
0xe: {  	[smem:$0x3FB3] =	sst s6  }
0xf: {  	[smem:$0x3FB4] =	sst s7  }
0x10: {  	[smem:$0x3FB5] =	sst s8  }
0x11: {  	[smem:$0x3FB6] =	sst s9;
	s0 =	simm.s32 @!p0 $0x0  }
0x12: {  	s1 =	sld [smem:$0x3F9C];
	s0 =	simm.s32 @p0 $0x1  }
0x13: {  	[smem:$0x3FB7] =	sst s0;
	s0 =	simm.s32 @!p1 $0x0  }
0x14: {  	s2 =	sld [smem:$0x3F9B];
	s0 =	simm.s32 @p1 $0x1  }
0x15: {  	[smem:$0x3FB8] =	sst s0;
	s0 =	simm.s32 @!p2 $0x0  }
0x16: {  	s3 =	sld [smem:$0x3FDB];
	s0 =	simm.s32 @p2 $0x1  }
0x17: {  	s4 =	simm.s32 $0x1BF5;
	[smem:$0x3FBA] =	sst s0  }
0x18: {  	s0 =	sld [smem:$0x3F9D];
	_ =	swait.ge [sflag:s4], $0x0  }
0x19: {  	s7 =	sld [smem:$0x3F9E]  }
0x1a: {  	s8 =	sadd.s32 $0xFFFFE003, lr  }
0x1b: {  	s9 =	sadd.s32 $0xFFFFFEF7, lr;
	s5 =	simm.s32 $0xFFFFFFFF;
	p2 =	slt.u32 s8, $0xFFFFF086  }
0x1c: {  	p1 =	slt.u32 s9, $0xF7A;
	s5 =	simm.s32 @!p2 $0x0  }
0x1d: {  	s5 =	simm.s32 @p1 $0x1;
	p0 =	seq.s32 s7, s2  }
0x1e: {  	s7 =	smul.u32 @!p0 $0xF7A, s2;
	p2 =	seq.s32 @!p0 s5, $0x0  }
0x1f: {  	s9 =	smul.u32 $0xF7A, s1;
	s8 =	simm.s32 @!p0 $0x1BF5;
	p2 =	por !p2, p0  }
0x20: {  	[sflag:s8] =	ssyncset.s32 @!p0 $0xFFFFF086;
	s6 =	sadd.s32 @!p0 s3, s7;
	s7 =	simm.s32 @!p0 $0x108  }
0x21: {  	s3 =	sadd.s32 s3, s9;
	s6 =	sadd.s32 @!p0 $0x88, s6;
	s7 =	simm.s32 @p2 $0x1082  }
0x22: {  	[simem:s7], [sflag:s8] =	dma.local @!p0 [hbm:s6], $0xF7A  }
0x23: {  	s9 =	sor.u32 $0xD0000000, s2;
	s6 =	simm.s32 $0x108;
	_ =	swait.ge @!p0 [sflag:s8], $0x0  }
0x24: {  	s3 =	sadd.s32 $0x88, s3;
	s6 =	simm.s32 @!p1 $0x1082;
	[sflag:s4] =	ssyncset.s32 $0xFFFFF086  }
0x25: {  	[simem:s6], [sflag:s4] =	dma.local [hbm:s3], $0xF7A  }
0x26: {  	[smem:$0x3F9E] =	sst s1;
	(tag) =	ssettag s2;
	_ =	strace s9  }
0x27: {  	s1 =	sld [smem:$0x3FAE]  }
0x28: {  	s2 =	sld [smem:$0x3FAF]  }
0x29: {  	s4 =	sld [smem:$0x3FB1]  }
0x2a: {  	p0 =	seq.s32 s5, $0x0;
	s5 =	sld [smem:$0x3FB2]  }
0x2b: {  	s6 =	sld [smem:$0x3FB3]  }
0x2c: {  	s7 =	sld [smem:$0x3FB4]  }
0x2d: {  	s3 =	simm.s32 $0x108;
	s8 =	sld [smem:$0x3FB5]  }
0x2e: {  	s3 =	simm.s32 @!p0 $0x1082;
	s9 =	sld [smem:$0x3FB6]  }
0x2f: {  	lr =	sadd.s32 s0, s3;
	s0 =	sld [smem:$0x3FAD]  }
0x30: {  	s3 =	sld [smem:$0x3FB0]  }
0x31: {  	[smem:$0x3FB9] =	sst s10  }
0x32: {  	s10 =	sld [smem:$0x3FB7];
	_ =	sdelay $0x3  }
0x33: {  	p0 =	seq.s32 s10, $0x1;
	s10 =	sld [smem:$0x3FB9];
	_ =	sdelay $0x3  }
0x34: {  	[smem:$0x3FB9] =	sst s10  }
0x35: {  	s10 =	sld [smem:$0x3FB8];
	_ =	sdelay $0x3  }
0x36: {  	p1 =	seq.s32 s10, $0x1;
	s10 =	sld [smem:$0x3FB9];
	_ =	sdelay $0x3  }
0x37: {  	[smem:$0x3FB9] =	sst s10  }
0x38: {  	s10 =	sld [smem:$0x3FBA]  }
0x39: {  	_ = 	snop;
	(pc) =	sbr.ind lr, $3  }
0x3a: {  	_ = 	snop  }
0x3b: {  	_ = 	snop  }
0x3c: {  	p2 =	seq.s32 s10, $0x1;
	s10 =	sld [smem:$0x3FB9]  }
0x3d: {  	_ =	shalt  }
0x3e: {  	_ =	shalt  }
0x3f: {  	_ =	shalt  }
0x40: {  	_ =	shalt  }
0x41: {  	_ =	shalt  }
0x42: {  	_ =	shalt  }
0x43: {  	_ =	shalt  }
0x44: {  	_ =	shalt  }
0x45: {  	_ =	shalt  }
0x46: {  	_ =	shalt  }
0x47: {  	_ =	shalt  }
0x48: {  	_ =	shalt  }
0x49: {  	_ =	shalt  }
0x4a: {  	_ =	shalt  }
0x4b: {  	_ =	shalt  }
0x4c: {  	_ =	shalt  }
0x4d: {  	_ =	shalt  }
0x4e: {  	_ =	shalt  }
0x4f: {  	_ =	shalt  }
0x50: {  	_ =	shalt  }
0x51: {  	_ =	shalt  }
0x52: {  	_ =	shalt  }
0x53: {  	_ =	shalt  }
0x54: {  	_ =	shalt  }
0x55: {  	_ =	shalt  }
0x56: {  	_ =	shalt  }
0x57: {  	_ =	shalt  }
0x58: {  	_ =	shalt  }
0x59: {  	_ =	shalt  }
0x5a: {  	_ =	shalt  }
0x5b: {  	_ =	shalt  }
0x5c: {  	_ =	shalt  }
0x5d: {  	_ =	shalt  }
0x5e: {  	_ =	shalt  }
0x5f: {  	_ =	shalt  }
0x60: {  	_ =	shalt  }
0x61: {  	_ =	shalt  }
0x62: {  	_ =	shalt  }
0x63: {  	_ =	shalt  }
0x64: {  	_ =	shalt  }
0x65: {  	_ =	shalt  }
0x66: {  	_ =	shalt  }
0x67: {  	_ =	shalt  }
0x68: {  	_ =	shalt  }
0x69: {  	_ =	shalt  }
0x6a: {  	_ =	shalt  }
0x6b: {  	_ =	shalt  }
0x6c: {  	_ =	shalt  }
0x6d: {  	_ =	shalt  }
0x6e: {  	_ =	shalt  }
0x6f: {  	_ =	shalt  }
0x70: {  	_ =	shalt  }
0x71: {  	_ =	shalt  }
0x72: {  	_ =	shalt  }
0x73: {  	_ =	shalt  }
0x74: {  	_ =	shalt  }
0x75: {  	_ =	shalt  }
0x76: {  	_ =	shalt  }
0x77: {  	_ =	shalt  }
0x78: {  	_ =	shalt  }
0x79: {  	_ =	shalt  }
0x7a: {  	_ =	shalt  }
0x7b: {  	_ =	shalt  }
0x7c: {  	_ =	shalt  }
0x7d: {  	_ =	shalt  }
0x7e: {  	_ =	shalt  }
0x7f: {  	_ =	shalt  }
0x80: {  	_ =	shalt  }
0x81: {  	_ =	shalt  }
0x82: {  	_ =	shalt  }
0x83: {  	_ =	shalt  }
0x84: {  	_ =	shalt  }
0x85: {  	_ =	shalt  }
0x86: {  	_ =	shalt  }
0x87: {  	_ =	shalt  }
.Lfunc_end0:
.L_simem_size_0:
called_computation.2_lowered:
.L_overlay_start_0:
0x88: {  	s2 =	sld [smem:$0x3FD9]  }
0x89: {  	s3 =	sld [smem:$0x3FFE];
	_ =	sdelay $0x1  }
0x8a: {  	s1 =	srdreg.scid  }
0x8b: {  	s0 =	sand.u32 $0x1, s1  }
0x8c: {  	s17 =	sshll.u32 s0, $0xA;
	s2 =	sadd.s32 s3, s2  }
0x8d: {  	s2 =	sadd.s32 s2, s17  }
0x8e: {  	[smem:$0x3FC5] =	sst s2  }
0x8f: {  	_ = 	snop  }
0x90: {  	(tm) =	ssettm $0x1  }
0x91: {  	s18 =	sld [smem:$0x3FFB];
	_ =	sdelay $0x3  }
0x92: {  	_ =	strace s18  }
0x93: {  	s2 =	sld [smem:$0x3FFC];
	_ =	sdelay $0x3  }
0x94: {  	_ =	strace s2  }
0x95: {  	s2 =	sld [smem:$0x3FFD];
	_ =	sdelay $0x3  }
0x96: {  	_ =	strace s2  }
0x97: {  	_ =	strace $0x8FFFFFFF  }
0x98: {  	s19 =	sld [smem:$0x3FDB];
	_ =	sdelay $0x1  }
0x99: {  	s20 =	simm.s32 $_scs_section_size  }
0x9a: {  	s4 =	simm.s32 $_size__tile_overlayer_lowered;
	s5 =	simm.s32 $_tile_overlayer_lowered  }
0x9b: {  	s6 =	simm.s32 $0x1BFF;
	s21 =	sshll.u32 s5, $0x1;
	s3 =	sadd.s32 s20, s19  }
0x9c: {  	s22 =	simm.s32 $0x0;
	s4 =	sshll.u32 s4, $0x1;
	s5 =	sadd.s32 s21, s3  }
0x9d: {  	[timem:s22], [sflag:s6] =	dma.local [hbm:s5], s4  }
0x9e: {  	_ =	swait.ge [sflag:s6], s4  }
0x9f: {  	s4 =	ssub.s32 $0x0, s4;
	[sflag:s6] =	ssyncset.done $0x0  }
0xa0: {  	[sflag:s6] =	ssyncadd.s32 s4;
	_ =	sdelay $0x1  }
0xa1: {  	s23 =	simm.s32 $0x1B8B  }
0xa2: {  	_ =	swait.ge [sflag:s23], $0x1  }
0xa3: {  	[sflag:s23] =	ssyncset.done $0x0  }
0xa4: {  	[sflag:s23] =	ssyncadd.s32 $0xFFFFFFFF  }
0xa5: {  	s4 =	sld [smem:$0x0]  }
0xa6: {  	s5 =	sand.u32 $0xFFFFFFFE, s1  }
0xa7: {  	p0 =	sne.s32 s1, s5  }
0xa8: {  	s5 =	sshll.u32 @p0 s5, $0xE  }
0xa9: {  	s5 =	sadd.s32 @p0 $0x11B8D, s5;
	s6 =	sshll.u32 @p0 s4, $0x11  }
0xaa: {  	s5 =	sor.u32 @p0 s6, s5  }
0xab: {  	[sflag:s5] =	ssyncadd.remote.s32 @p0 $0x1;
	_ =	sdelay $0x1  }
0xac: {  	s5 =	simm.s32 @p0 $0x1B8D  }
0xad: {  	_ =	swait.eq @p0 [sflag:s5], $0x1  }
0xae: {  	[sflag:s5] =	ssyncadd.s32 @p0 $0xFFFFFFFF  }
0xaf: {  	s6 =	sshll.u32 @!p0 s1, $0xE  }
0xb0: {  	s6 =	sor.u32 @!p0 $0x4000, s6;
	s5 =	simm.s32 @!p0 $0x1B8D  }
0xb1: {  	s4 =	sshll.u32 @!p0 s4, $0x11;
	s6 =	sadd.s32 @!p0 $0x11B8D, s6;
	_ =	swait.eq @!p0 [sflag:s5], $0x1  }
0xb2: {  	s4 =	sor.u32 @!p0 s4, s6;
	[sflag:s5] =	ssyncadd.s32 @!p0 $0xFFFFFFFF  }
0xb3: {  	s25 =	simm.s32 $0x1B8E;
	s24 =	sld [smem:$0x3FFE];
	[sflag:s4] =	ssyncadd.remote.s32 @!p0 $0x1  }
0xb4: {  	s26 =	simm.s32 $execute0_lowered;
	[smem:$0x3FD2] =	sst s25  }
0xb5: {  	s5 =	sshll.u32 s26, $0x1;
	_ =	strace $0x8000004C;
	[dreg:$0x1] =	wrdreg $0xFFFFFFFF  }
0xb6: {  	s28 =	simm.s32 $_size_execute0_lowered;
	s3 =	sadd.s32 s3, s5;
	[dreg:$0x0] =	wrdreg $0x0  }
0xb7: {  	s5 =	sshll.u32 s28, $0x1;
	[dreg:$0x2] =	wrdreg s3  }
0xb8: {  	[dreg:$0x3] =	wrdreg s5  }
0xb9: {  	[dreg:$0x4] =	wrdreg $0xC0  }
0xba: {  	_ =	task [dreg:s22], $0x5FFFF  }
0xbb: {  	[dreg:$0x1] =	wrdreg $0xFFFFFFFF  }
0xbc: {  	[dreg:$0x0] =	wrdreg $0x60  }
0xbd: {  	[dreg:$0x2] =	wrdreg s24  }
0xbe: {  	[dreg:$0x3] =	wrdreg $0xB  }
0xbf: {  	_ =	task.clear_ibuf [dreg:s22], $0x4FFFF;
	_ =	strace $0x9000004C  }
0xc0: {  	s29 =	simm.s32 $0xB;
	_ =	strace $0x8000004E  }
0xc1: {  	_ =	swait.ge [sflag:s29], $0x1  }
0xc2: {  	[sflag:s29] =	ssyncadd.s32 $0xFFFFFFFF  }
0xc3: {  	_ =	strace $0x9000004E  }
0xc4: {  	_ =	sfence  }
0xc5: {  	s30 =	sld [smem:$0x0];
	_ =	sdelay $0x2  }
0xc6: {  	s31 =	sshll.u32 s1, $0xD;
	s1 =	sshrl.u32 s1, $0x2  }
0xc7: {  	s4 =	sand.u32 $0x4000, s31;
	s1 =	sadd.s32 s1, s30  }
0xc8: {  	s0 =	sor.u32 s4, s0;
	s1 =	sshll.u32 s1, $0x11  }
0xc9: {  	s0 =	sor.u32 s1, s0  }
0xca: {  	s0 =	sadd.s32 $0x8F2B, s0  }
0xcb: {  	[sflag:s0] =	ssyncadd.remote.s32 $0x1  }
0xcc: {  	_ =	sfence.sel $0xFFFF  }
0xcd: {  	[dreg:$0x0] =	wrdreg $0xFFFFFFFF;
	(pc) =	sbr.abs _section_cstart, $3  }
0xce: {  	[dreg:$0x1] =	wrdreg $0xFFFFFFFF  }
0xcf: {  	_ =	task.clear_ibuf [dreg:s22], $0x2FFFF;
	_ =	strace $0x9FFFFFFF  }
0xd0: {  	(tm) =	ssettm $0x7FFFFFFF  }
0xd1: {  	_ =	shalt  }
tec
execute0_lowered:
.L_overlay_start_1:
0x0: {  	(tag) =	ssettag $0x1  }
0x1: {  	s3 =	rddreg [dreg:$0x0]  }
0x2: {  	s0 =	rddreg [dreg:$0x1];
	s1 =	stileid.u32  }
0x3: {  	s2 =	simm.s32 $0x0;
	s5 =	srdreg.scid;
	s4 =	smul.u32 $0x14, s1  }
0x4: {  	[smem:$0x7FF] =	sst s2;
	s6 =	smul.u32 $0xA00, s1;
	s5 =	sand.u32 $0x1, s5  }
0x5: {  	_ =	strace $0x8000004D;
	s7 =	ssub.s32 $0x2, s5;
	s8 =	smul.u32 $0x500, s5  }
0x6: {  	s5 =	smul.u32 $0xA, s5;
	s9 =	sadd.s32 s4, s3;
	s30 =	sshrl.u32 s7, $0x1  }
0x7: {  	s6 =	sadd.s32 s6, s3;
	s3 =	sadd.s32 $0x1800, s3;
	s4 =	sshll.u32 s1, $0x1  }
0x8: {  	s7 =	ssub.s32 s7, s30;
	s6 =	sadd.s32 s8, s6;
	s31 =	sadd.s32 s5, s9  }
0x9: {  	s5 =	smax.u32 s7, $0x1;
	s6 =	sadd.s32 $0x22AA00, s6;
	s7 =	sadd.s32 $0x18AA00, s31  }
.LBB2_1:
0xa: {  	s8 =	sadd.s32 $0x0, s4  }
0xb: {  	p0 =	sgt.u32 s8, $0x1F3  }
0xc: {  	s8 =	simm.s32 @!p0 $0x0;
	s9 =	simm.s32 @!p0 $0x3  }
0xd: {  	[tilespmem:s8], [sflag:$0x3] =	stream.linear.gather @!p0 [hbm4b:s7+s8], $0x50, $0x38;
	[tilespmem:$0x2880] =	vst v63  }
0xe: {  	_ =	swait.ge @!p0 [sflag:s9], $0x50  }
0xf: {  	s10 =	simm.s32 @!p0 $0x1;
	[sflag:s9] =	ssyncset.done @!p0 $0x0  }
0x10: {  	s12 =	simm.s32 @!p0 $0x80;
	[sflag:s9] =	ssyncadd.s32 @!p0 $0xFFFFFFB0;
	s9 =	simm.s32 @!p0 $0x50  }
0x11: {  	[tilespmem:s12], [sflag:$0x1] =	stream.indirect.gather @!p0 [hbm4b:s3+s9], $0x80, s8, s9, $0xb8;
	[tilespmem:$0x2880] =	vst v63  }
0x12: {  	p1 =	por p0, p0;
	_ =	swait.ge @!p0 [sflag:s10], $0x2800  }
0x13: {  	[sflag:s10] =	ssyncset.done @!p1 $0x0  }
0x14: {  	s31 =	sadd.s32 $0x20, s4;
	s11 =	simm.s32 @!p1 $0x2;
	[sflag:s10] =	ssyncadd.s32 @!p1 $0xFFFFD800  }
0x15: {  	[hbm4b:s6+s8] =	stream.linear.scatter @!p1 [tilespmem:s12], [sflag:$0x2], $0x2800, $0x38;
	[tilespmem:$0x2880] =	vst v63  }
0x16: {  	s9 =	simm.s32 $0x40;
	p0 =	sgt.u32 s31, $0x1F3;
	_ =	swait.ge @!p1 [sflag:s11], $0x2800  }
0x17: {  	s10 =	sadd.s32 $0x140, s7;
	s8 =	sadd.s32 $0xA000, s6;
	[sflag:s11] =	ssyncset.done @!p1 $0x0  }
.LBB2_2:
0x18: {  	s12 =	simm.s32 @!p0 $0x0;
	s13 =	simm.s32 @!p0 $0x3;
	[sflag:s11] =	ssyncadd.s32 @!p1 $0xFFFFD800  }
0x19: {  	[tilespmem:s12], [sflag:$0x3] =	stream.linear.gather @!p0 [hbm4b:s10+s12], $0x50, $0x38;
	[tilespmem:$0x2880] =	vst v63  }
0x1a: {  	s14 =	smov.u32 s9;
	s9 =	sadd.s32 $0x20, s9;
	_ =	swait.ge @!p0 [sflag:s13], $0x50  }
0x1b: {  	s11 =	simm.s32 @!p0 $0x1;
	p2 =	sne.s32 s9, $0x200;
	[sflag:s13] =	ssyncset.done @!p0 $0x0  }
0x1c: {  	s15 =	simm.s32 @!p0 $0x80;
	[sflag:s13] =	ssyncadd.s32 @!p0 $0xFFFFFFB0;
	s13 =	simm.s32 @!p0 $0x50  }
0x1d: {  	[tilespmem:s15], [sflag:$0x1] =	stream.indirect.gather @!p0 [hbm4b:s3+s13], $0x80, s12, s13, $0xb8;
	[tilespmem:$0x2880] =	vst v63  }
0x1e: {  	p1 =	por p0, p0;
	_ =	swait.ge @!p0 [sflag:s11], $0x2800  }
.Ltmp0:
0x1f: {  	[sflag:s11] =	ssyncset.done @!p1 $0x0;
	(pc) =	sbr.rel @p2 .LBB2_2-.Ltmp0, $4  }
0x20: {  	[sflag:s11] =	ssyncadd.s32 @!p1 $0xFFFFD800;
	s11 =	simm.s32 @!p1 $0x2  }
0x21: {  	[hbm4b:s8+s12] =	stream.linear.scatter @!p1 [tilespmem:s15], [sflag:$0x2], $0x2800, $0x38;
	[tilespmem:$0x2880] =	vst v63  }
0x22: {  	s10 =	sadd.s32 $0x140, s10;
	s12 =	sadd.s32 s14, s4;
	_ =	swait.ge @!p1 [sflag:s11], $0x2800  }
0x23: {  	s8 =	sadd.s32 $0xA000, s8;
	p0 =	sgt.u32 s12, $0x1F3;
	[sflag:s11] =	ssyncset.done @!p1 $0x0  }
0x24: {  	s9 =	simm.s32 @!p0 $0x0;
	s12 =	simm.s32 @!p0 $0x3;
	[sflag:s11] =	ssyncadd.s32 @!p1 $0xFFFFD800  }
0x25: {  	[tilespmem:s9], [sflag:$0x3] =	stream.linear.gather @!p0 [hbm4b:s10+s9], $0x50, $0x38;
	[tilespmem:$0x2880] =	vst v63  }
0x26: {  	_ =	swait.ge @!p0 [sflag:s12], $0x50  }
0x27: {  	s11 =	simm.s32 @!p0 $0x50;
	[sflag:s12] =	ssyncset.done @!p0 $0x0  }
0x28: {  	s10 =	simm.s32 @!p0 $0x1;
	[sflag:s12] =	ssyncadd.s32 @!p0 $0xFFFFFFB0;
	s12 =	simm.s32 @!p0 $0x80  }
0x29: {  	[tilespmem:s12], [sflag:$0x1] =	stream.indirect.gather @!p0 [hbm4b:s3+s11], $0x80, s9, s11, $0xb8;
	[tilespmem:$0x2880] =	vst v63  }
0x2a: {  	s2 =	sadd.s32 $0x1, s2;
	_ =	swait.ge @!p0 [sflag:s10], $0x2800;
	p0 =	por p0, p0  }
0x2b: {  	p1 =	sne.s32 s2, s5;
	[sflag:s10] =	ssyncset.done @!p0 $0x0  }
.Ltmp1:
0x2c: {  	[sflag:s10] =	ssyncadd.s32 @!p0 $0xFFFFD800;
	s10 =	simm.s32 @!p0 $0x2;
	(pc) =	sbr.rel @p1 .LBB2_1-.Ltmp1, $4  }
0x2d: {  	[hbm4b:s8+s9] =	stream.linear.scatter @!p0 [tilespmem:s12], [sflag:$0x2], $0x2800, $0x38;
	[tilespmem:$0x2880] =	vst v63  }
0x2e: {  	_ =	swait.ge @!p0 [sflag:s10], $0x2800  }
0x2f: {  	[sflag:s10] =	ssyncset.done @!p0 $0x0  }
0x30: {  	[sflag:s10] =	ssyncadd.s32 @!p0 $0xFFFFD800  }
0x31: {  	_ =	sfence.sel $0x180000  }
0x32: {  	[bflag:$0x0] =	sbarrier.arrive $0xFFFF  }
0x33: {  	p0 =	sne.s32 s1, $0x0;
	_ =	strace $0x9000004D  }
0x34: {  	s0 =	sadd.s32 @!p0 $0x100000, s0;
	[bflag:$0x2] =	sbarrier.arrive $0xFFFF  }
0x35: {  	[sflag:s0] =	ssyncadd.tile.s32 @!p0 $0x1;
	_ =	shalt  }
.Lfunc_end2:
_tile_overlayer_lowered:
.L_overlay_start_2:
0x36: {  	(tag) =	ssettag $0x2  }
0x37: {  	s0 =	rddreg [dreg:$0x0];
	s2 =	stileid.u32  }
0x38: {  	s1 =	rddreg [dreg:$0x1];
	p0 =	sne.s32 s2, $0x0  }
0x39: {  	s3 =	rddreg [dreg:$0x2];
	[bflag:$0x3] =	sbarrier.arrive $0xFFFF;
	s2 =	simm.s32 @!p0 $0x1C02  }
0x3a: {  	[timem:s3], [sflag:s2] =	dma.local @!p0 [hbm:s0], s1  }
0x3b: {  	s0 =	simm.s32 @!p0 $0x2  }
0x3c: {  	_ =	swait.ge @!p0 [sflag:s0], s1  }
0x3d: {  	s1 =	ssub.s32 @!p0 $0x0, s1;
	[sflag:s0] =	ssyncset.done @!p0 $0x0  }
0x3e: {  	[sflag:s0] =	ssyncadd.s32 @!p0 s1  }
0x3f: {  	[bflag:$0x3] =	sbarrier.arrive $0xFFFF  }
0x40: {  	_ =	shalt  }

// kernel: kernel.22.cloned.1.call-start
scs
__scs_entry_jumppad:
0x0: {  	(pc) =	sbr.rel $0x88, $3  }
0x1: {  	(tag) =	ssettag $0x0;
	lr =	simm.s32 $0x1  }
0x2: {  	[smem:$0x3F9E] =	sst lr;
	_ =	strace $0xD0000000  }
0x3: {  	_ = 	snop  }
0x4: {  	_ = 	snop  }
0x5: {  	_ = 	snop  }
0x6: {  	_ = 	snop  }
0x7: {  	_ = 	snop  }
__scs_overlays_trampoline_lowered:
0x8: {  	[smem:$0x3FAD] =	sst s0  }
0x9: {  	[smem:$0x3FAE] =	sst s1  }
0xa: {  	[smem:$0x3FAF] =	sst s2  }
0xb: {  	[smem:$0x3FB0] =	sst s3  }
0xc: {  	[smem:$0x3FB1] =	sst s4  }
0xd: {  	[smem:$0x3FB2] =	sst s5  }
0xe: {  	[smem:$0x3FB3] =	sst s6  }
0xf: {  	[smem:$0x3FB4] =	sst s7  }
0x10: {  	[smem:$0x3FB5] =	sst s8  }
0x11: {  	[smem:$0x3FB6] =	sst s9;
	s0 =	simm.s32 @!p0 $0x0  }
0x12: {  	s1 =	sld [smem:$0x3F9C];
	s0 =	simm.s32 @p0 $0x1  }
0x13: {  	[smem:$0x3FB7] =	sst s0;
	s0 =	simm.s32 @!p1 $0x0  }
0x14: {  	s2 =	sld [smem:$0x3F9B];
	s0 =	simm.s32 @p1 $0x1  }
0x15: {  	[smem:$0x3FB8] =	sst s0;
	s0 =	simm.s32 @!p2 $0x0  }
0x16: {  	s3 =	sld [smem:$0x3FDB];
	s0 =	simm.s32 @p2 $0x1  }
0x17: {  	s4 =	simm.s32 $0x1BF5;
	[smem:$0x3FBA] =	sst s0  }
0x18: {  	s0 =	sld [smem:$0x3F9D];
	_ =	swait.ge [sflag:s4], $0x0  }
0x19: {  	s7 =	sld [smem:$0x3F9E]  }
0x1a: {  	s8 =	sadd.s32 $0xFFFFE003, lr  }
0x1b: {  	s9 =	sadd.s32 $0xFFFFFEF7, lr;
	s5 =	simm.s32 $0xFFFFFFFF;
	p2 =	slt.u32 s8, $0xFFFFF086  }
0x1c: {  	p1 =	slt.u32 s9, $0xF7A;
	s5 =	simm.s32 @!p2 $0x0  }
0x1d: {  	s5 =	simm.s32 @p1 $0x1;
	p0 =	seq.s32 s7, s2  }
0x1e: {  	s7 =	smul.u32 @!p0 $0xF7A, s2;
	p2 =	seq.s32 @!p0 s5, $0x0  }
0x1f: {  	s9 =	smul.u32 $0xF7A, s1;
	s8 =	simm.s32 @!p0 $0x1BF5;
	p2 =	por !p2, p0  }
0x20: {  	[sflag:s8] =	ssyncset.s32 @!p0 $0xFFFFF086;
	s6 =	sadd.s32 @!p0 s3, s7;
	s7 =	simm.s32 @!p0 $0x108  }
0x21: {  	s3 =	sadd.s32 s3, s9;
	s6 =	sadd.s32 @!p0 $0x88, s6;
	s7 =	simm.s32 @p2 $0x1082  }
0x22: {  	[simem:s7], [sflag:s8] =	dma.local @!p0 [hbm:s6], $0xF7A  }
0x23: {  	s9 =	sor.u32 $0xD0000000, s2;
	s6 =	simm.s32 $0x108;
	_ =	swait.ge @!p0 [sflag:s8], $0x0  }
0x24: {  	s3 =	sadd.s32 $0x88, s3;
	s6 =	simm.s32 @!p1 $0x1082;
	[sflag:s4] =	ssyncset.s32 $0xFFFFF086  }
0x25: {  	[simem:s6], [sflag:s4] =	dma.local [hbm:s3], $0xF7A  }
0x26: {  	[smem:$0x3F9E] =	sst s1;
	(tag) =	ssettag s2;
	_ =	strace s9  }
0x27: {  	s1 =	sld [smem:$0x3FAE]  }
0x28: {  	s2 =	sld [smem:$0x3FAF]  }
0x29: {  	s4 =	sld [smem:$0x3FB1]  }
0x2a: {  	p0 =	seq.s32 s5, $0x0;
	s5 =	sld [smem:$0x3FB2]  }
0x2b: {  	s6 =	sld [smem:$0x3FB3]  }
0x2c: {  	s7 =	sld [smem:$0x3FB4]  }
0x2d: {  	s3 =	simm.s32 $0x108;
	s8 =	sld [smem:$0x3FB5]  }
0x2e: {  	s3 =	simm.s32 @!p0 $0x1082;
	s9 =	sld [smem:$0x3FB6]  }
0x2f: {  	lr =	sadd.s32 s0, s3;
	s0 =	sld [smem:$0x3FAD]  }
0x30: {  	s3 =	sld [smem:$0x3FB0]  }
0x31: {  	[smem:$0x3FB9] =	sst s10  }
0x32: {  	s10 =	sld [smem:$0x3FB7];
	_ =	sdelay $0x3  }
0x33: {  	p0 =	seq.s32 s10, $0x1;
	s10 =	sld [smem:$0x3FB9];
	_ =	sdelay $0x3  }
0x34: {  	[smem:$0x3FB9] =	sst s10  }
0x35: {  	s10 =	sld [smem:$0x3FB8];
	_ =	sdelay $0x3  }
0x36: {  	p1 =	seq.s32 s10, $0x1;
	s10 =	sld [smem:$0x3FB9];
	_ =	sdelay $0x3  }
0x37: {  	[smem:$0x3FB9] =	sst s10  }
0x38: {  	s10 =	sld [smem:$0x3FBA]  }
0x39: {  	_ = 	snop;
	(pc) =	sbr.ind lr, $3  }
0x3a: {  	_ = 	snop  }
0x3b: {  	_ = 	snop  }
0x3c: {  	p2 =	seq.s32 s10, $0x1;
	s10 =	sld [smem:$0x3FB9]  }
0x3d: {  	_ =	shalt  }
0x3e: {  	_ =	shalt  }
0x3f: {  	_ =	shalt  }
0x40: {  	_ =	shalt  }
0x41: {  	_ =	shalt  }
0x42: {  	_ =	shalt  }
0x43: {  	_ =	shalt  }
0x44: {  	_ =	shalt  }
0x45: {  	_ =	shalt  }
0x46: {  	_ =	shalt  }
0x47: {  	_ =	shalt  }
0x48: {  	_ =	shalt  }
0x49: {  	_ =	shalt  }
0x4a: {  	_ =	shalt  }
0x4b: {  	_ =	shalt  }
0x4c: {  	_ =	shalt  }
0x4d: {  	_ =	shalt  }
0x4e: {  	_ =	shalt  }
0x4f: {  	_ =	shalt  }
0x50: {  	_ =	shalt  }
0x51: {  	_ =	shalt  }
0x52: {  	_ =	shalt  }
0x53: {  	_ =	shalt  }
0x54: {  	_ =	shalt  }
0x55: {  	_ =	shalt  }
0x56: {  	_ =	shalt  }
0x57: {  	_ =	shalt  }
0x58: {  	_ =	shalt  }
0x59: {  	_ =	shalt  }
0x5a: {  	_ =	shalt  }
0x5b: {  	_ =	shalt  }
0x5c: {  	_ =	shalt  }
0x5d: {  	_ =	shalt  }
0x5e: {  	_ =	shalt  }
0x5f: {  	_ =	shalt  }
0x60: {  	_ =	shalt  }
0x61: {  	_ =	shalt  }
0x62: {  	_ =	shalt  }
0x63: {  	_ =	shalt  }
0x64: {  	_ =	shalt  }
0x65: {  	_ =	shalt  }
0x66: {  	_ =	shalt  }
0x67: {  	_ =	shalt  }
0x68: {  	_ =	shalt  }
0x69: {  	_ =	shalt  }
0x6a: {  	_ =	shalt  }
0x6b: {  	_ =	shalt  }
0x6c: {  	_ =	shalt  }
0x6d: {  	_ =	shalt  }
0x6e: {  	_ =	shalt  }
0x6f: {  	_ =	shalt  }
0x70: {  	_ =	shalt  }
0x71: {  	_ =	shalt  }
0x72: {  	_ =	shalt  }
0x73: {  	_ =	shalt  }
0x74: {  	_ =	shalt  }
0x75: {  	_ =	shalt  }
0x76: {  	_ =	shalt  }
0x77: {  	_ =	shalt  }
0x78: {  	_ =	shalt  }
0x79: {  	_ =	shalt  }
0x7a: {  	_ =	shalt  }
0x7b: {  	_ =	shalt  }
0x7c: {  	_ =	shalt  }
0x7d: {  	_ =	shalt  }
0x7e: {  	_ =	shalt  }
0x7f: {  	_ =	shalt  }
0x80: {  	_ =	shalt  }
0x81: {  	_ =	shalt  }
0x82: {  	_ =	shalt  }
0x83: {  	_ =	shalt  }
0x84: {  	_ =	shalt  }
0x85: {  	_ =	shalt  }
0x86: {  	_ =	shalt  }
0x87: {  	_ =	shalt  }
.Lfunc_end0:
.L_simem_size_0:
called_computation.3_lowered:
.L_overlay_start_0:
0x88: {  	s2 =	sld [smem:$0x3FD9]  }
0x89: {  	s3 =	sld [smem:$0x3FFE];
	_ =	sdelay $0x1  }
0x8a: {  	s1 =	srdreg.scid  }
0x8b: {  	s0 =	sand.u32 $0x1, s1  }
0x8c: {  	s17 =	sshll.u32 s0, $0xA;
	s2 =	sadd.s32 s3, s2  }
0x8d: {  	s2 =	sadd.s32 s2, s17  }
0x8e: {  	[smem:$0x3FC5] =	sst s2  }
0x8f: {  	_ = 	snop  }
0x90: {  	(tm) =	ssettm $0x1  }
0x91: {  	s18 =	sld [smem:$0x3FFB];
	_ =	sdelay $0x3  }
0x92: {  	_ =	strace s18  }
0x93: {  	s2 =	sld [smem:$0x3FFC];
	_ =	sdelay $0x3  }
0x94: {  	_ =	strace s2  }
0x95: {  	s2 =	sld [smem:$0x3FFD];
	_ =	sdelay $0x3  }
0x96: {  	_ =	strace s2  }
0x97: {  	_ =	strace $0x8FFFFFFF  }
0x98: {  	s19 =	sld [smem:$0x3FDB];
	_ =	sdelay $0x1  }
0x99: {  	s20 =	simm.s32 $_scs_section_size  }
0x9a: {  	s4 =	simm.s32 $_size__tile_overlayer_lowered;
	s5 =	simm.s32 $_tile_overlayer_lowered  }
0x9b: {  	s6 =	simm.s32 $0x1BFF;
	s21 =	sshll.u32 s5, $0x1;
	s3 =	sadd.s32 s20, s19  }
0x9c: {  	s22 =	simm.s32 $0x0;
	s4 =	sshll.u32 s4, $0x1;
	s5 =	sadd.s32 s21, s3  }
0x9d: {  	[timem:s22], [sflag:s6] =	dma.local [hbm:s5], s4  }
0x9e: {  	_ =	swait.ge [sflag:s6], s4  }
0x9f: {  	s4 =	ssub.s32 $0x0, s4;
	[sflag:s6] =	ssyncset.done $0x0  }
0xa0: {  	[sflag:s6] =	ssyncadd.s32 s4;
	_ =	sdelay $0x1  }
0xa1: {  	s23 =	simm.s32 $0x1B8B  }
0xa2: {  	_ =	swait.ge [sflag:s23], $0x1  }
0xa3: {  	[sflag:s23] =	ssyncset.done $0x0  }
0xa4: {  	[sflag:s23] =	ssyncadd.s32 $0xFFFFFFFF  }
0xa5: {  	s4 =	sld [smem:$0x0]  }
0xa6: {  	s5 =	sand.u32 $0xFFFFFFFE, s1  }
0xa7: {  	p0 =	sne.s32 s1, s5  }
0xa8: {  	s5 =	sshll.u32 @p0 s5, $0xE  }
0xa9: {  	s5 =	sadd.s32 @p0 $0x11B8D, s5;
	s6 =	sshll.u32 @p0 s4, $0x11  }
0xaa: {  	s5 =	sor.u32 @p0 s6, s5  }
0xab: {  	[sflag:s5] =	ssyncadd.remote.s32 @p0 $0x1;
	_ =	sdelay $0x1  }
0xac: {  	s5 =	simm.s32 @p0 $0x1B8D  }
0xad: {  	_ =	swait.eq @p0 [sflag:s5], $0x1  }
0xae: {  	[sflag:s5] =	ssyncadd.s32 @p0 $0xFFFFFFFF  }
0xaf: {  	s6 =	sshll.u32 @!p0 s1, $0xE  }
0xb0: {  	s6 =	sor.u32 @!p0 $0x4000, s6;
	s5 =	simm.s32 @!p0 $0x1B8D  }
0xb1: {  	s4 =	sshll.u32 @!p0 s4, $0x11;
	s6 =	sadd.s32 @!p0 $0x11B8D, s6;
	_ =	swait.eq @!p0 [sflag:s5], $0x1  }
0xb2: {  	s4 =	sor.u32 @!p0 s4, s6;
	[sflag:s5] =	ssyncadd.s32 @!p0 $0xFFFFFFFF  }
0xb3: {  	s25 =	simm.s32 $0x1B8E;
	s24 =	sld [smem:$0x3FFE];
	[sflag:s4] =	ssyncadd.remote.s32 @!p0 $0x1  }
0xb4: {  	s26 =	simm.s32 $execute0_lowered;
	[smem:$0x3FD2] =	sst s25  }
0xb5: {  	s5 =	sshll.u32 s26, $0x1;
	_ =	strace $0x8000004F;
	[dreg:$0x1] =	wrdreg $0xFFFFFFFF  }
0xb6: {  	s28 =	simm.s32 $_size_execute0_lowered;
	s3 =	sadd.s32 s3, s5;
	[dreg:$0x0] =	wrdreg $0x0  }
0xb7: {  	s5 =	sshll.u32 s28, $0x1;
	[dreg:$0x2] =	wrdreg s3  }
0xb8: {  	[dreg:$0x3] =	wrdreg s5  }
0xb9: {  	[dreg:$0x4] =	wrdreg $0xC0  }
0xba: {  	_ =	task [dreg:s22], $0x5FFFF  }
0xbb: {  	[dreg:$0x1] =	wrdreg $0xFFFFFFFF  }
0xbc: {  	[dreg:$0x0] =	wrdreg $0x60  }
0xbd: {  	[dreg:$0x2] =	wrdreg s24  }
0xbe: {  	[dreg:$0x3] =	wrdreg $0xC  }
0xbf: {  	_ =	task.clear_ibuf [dreg:s22], $0x4FFFF;
	_ =	strace $0x9000004F  }
0xc0: {  	s29 =	simm.s32 $0xC;
	_ =	strace $0x80000051  }
0xc1: {  	_ =	swait.ge [sflag:s29], $0x1  }
0xc2: {  	[sflag:s29] =	ssyncadd.s32 $0xFFFFFFFF  }
0xc3: {  	_ =	strace $0x90000051  }
0xc4: {  	_ =	sfence  }
0xc5: {  	s30 =	sld [smem:$0x0];
	_ =	sdelay $0x2  }
0xc6: {  	s31 =	sshll.u32 s1, $0xD;
	s1 =	sshrl.u32 s1, $0x2  }
0xc7: {  	s4 =	sand.u32 $0x4000, s31;
	s1 =	sadd.s32 s1, s30  }
0xc8: {  	s0 =	sor.u32 s4, s0;
	s1 =	sshll.u32 s1, $0x11  }
0xc9: {  	s0 =	sor.u32 s1, s0  }
0xca: {  	s0 =	sadd.s32 $0x8F2B, s0  }
0xcb: {  	[sflag:s0] =	ssyncadd.remote.s32 $0x1  }
0xcc: {  	_ =	sfence.sel $0xFFFF  }
0xcd: {  	[dreg:$0x0] =	wrdreg $0xFFFFFFFF;
	(pc) =	sbr.abs _section_cstart, $3  }
0xce: {  	[dreg:$0x1] =	wrdreg $0xFFFFFFFF  }
0xcf: {  	_ =	task.clear_ibuf [dreg:s22], $0x2FFFF;
	_ =	strace $0x9FFFFFFF  }
0xd0: {  	(tm) =	ssettm $0x7FFFFFFF  }
0xd1: {  	_ =	shalt  }
tec
execute0_lowered:
.L_overlay_start_1:
0x0: {  	(tag) =	ssettag $0x1  }
0x1: {  	s3 =	rddreg [dreg:$0x0]  }
0x2: {  	s0 =	rddreg [dreg:$0x1];
	s1 =	stileid.u32  }
0x3: {  	s2 =	simm.s32 $0x0;
	s5 =	srdreg.scid;
	s4 =	smul.u32 $0x14, s1  }
0x4: {  	[smem:$0x7FF] =	sst s2;
	s6 =	smul.u32 $0xA00, s1;
	s5 =	sand.u32 $0x1, s5  }
0x5: {  	_ =	strace $0x80000050;
	s7 =	ssub.s32 $0x2, s5;
	s8 =	smul.u32 $0x500, s5  }
0x6: {  	s5 =	smul.u32 $0xA, s5;
	s9 =	sadd.s32 s4, s3;
	s30 =	sshrl.u32 s7, $0x1  }
0x7: {  	s6 =	sadd.s32 s6, s3;
	s3 =	sadd.s32 $0x1800, s3;
	s4 =	sshll.u32 s1, $0x1  }
0x8: {  	s7 =	ssub.s32 s7, s30;
	s6 =	sadd.s32 s8, s6;
	s31 =	sadd.s32 s5, s9  }
0x9: {  	s5 =	smax.u32 s7, $0x1;
	s6 =	sadd.s32 $0x2C6E00, s6;
	s7 =	sadd.s32 $0x18BE00, s31  }
.LBB2_1:
0xa: {  	s8 =	sadd.s32 $0x0, s4  }
0xb: {  	p0 =	sgt.u32 s8, $0x1F3  }
0xc: {  	s8 =	simm.s32 @!p0 $0x0;
	s9 =	simm.s32 @!p0 $0x3  }
0xd: {  	[tilespmem:s8], [sflag:$0x3] =	stream.linear.gather @!p0 [hbm4b:s7+s8], $0x50, $0x38;
	[tilespmem:$0x2880] =	vst v63  }
0xe: {  	_ =	swait.ge @!p0 [sflag:s9], $0x50  }
0xf: {  	s10 =	simm.s32 @!p0 $0x1;
	[sflag:s9] =	ssyncset.done @!p0 $0x0  }
0x10: {  	s12 =	simm.s32 @!p0 $0x80;
	[sflag:s9] =	ssyncadd.s32 @!p0 $0xFFFFFFB0;
	s9 =	simm.s32 @!p0 $0x50  }
0x11: {  	[tilespmem:s12], [sflag:$0x1] =	stream.indirect.gather @!p0 [hbm4b:s3+s9], $0x80, s8, s9, $0xb8;
	[tilespmem:$0x2880] =	vst v63  }
0x12: {  	p1 =	por p0, p0;
	_ =	swait.ge @!p0 [sflag:s10], $0x2800  }
0x13: {  	[sflag:s10] =	ssyncset.done @!p1 $0x0  }
0x14: {  	s31 =	sadd.s32 $0x20, s4;
	s11 =	simm.s32 @!p1 $0x2;
	[sflag:s10] =	ssyncadd.s32 @!p1 $0xFFFFD800  }
0x15: {  	[hbm4b:s6+s8] =	stream.linear.scatter @!p1 [tilespmem:s12], [sflag:$0x2], $0x2800, $0x38;
	[tilespmem:$0x2880] =	vst v63  }
0x16: {  	s9 =	simm.s32 $0x40;
	p0 =	sgt.u32 s31, $0x1F3;
	_ =	swait.ge @!p1 [sflag:s11], $0x2800  }
0x17: {  	s10 =	sadd.s32 $0x140, s7;
	s8 =	sadd.s32 $0xA000, s6;
	[sflag:s11] =	ssyncset.done @!p1 $0x0  }
.LBB2_2:
0x18: {  	s12 =	simm.s32 @!p0 $0x0;
	s13 =	simm.s32 @!p0 $0x3;
	[sflag:s11] =	ssyncadd.s32 @!p1 $0xFFFFD800  }
0x19: {  	[tilespmem:s12], [sflag:$0x3] =	stream.linear.gather @!p0 [hbm4b:s10+s12], $0x50, $0x38;
	[tilespmem:$0x2880] =	vst v63  }
0x1a: {  	s14 =	smov.u32 s9;
	s9 =	sadd.s32 $0x20, s9;
	_ =	swait.ge @!p0 [sflag:s13], $0x50  }
0x1b: {  	s11 =	simm.s32 @!p0 $0x1;
	p2 =	sne.s32 s9, $0x200;
	[sflag:s13] =	ssyncset.done @!p0 $0x0  }
0x1c: {  	s15 =	simm.s32 @!p0 $0x80;
	[sflag:s13] =	ssyncadd.s32 @!p0 $0xFFFFFFB0;
	s13 =	simm.s32 @!p0 $0x50  }
0x1d: {  	[tilespmem:s15], [sflag:$0x1] =	stream.indirect.gather @!p0 [hbm4b:s3+s13], $0x80, s12, s13, $0xb8;
	[tilespmem:$0x2880] =	vst v63  }
0x1e: {  	p1 =	por p0, p0;
	_ =	swait.ge @!p0 [sflag:s11], $0x2800  }
.Ltmp0:
0x1f: {  	[sflag:s11] =	ssyncset.done @!p1 $0x0;
	(pc) =	sbr.rel @p2 .LBB2_2-.Ltmp0, $4  }
0x20: {  	[sflag:s11] =	ssyncadd.s32 @!p1 $0xFFFFD800;
	s11 =	simm.s32 @!p1 $0x2  }
0x21: {  	[hbm4b:s8+s12] =	stream.linear.scatter @!p1 [tilespmem:s15], [sflag:$0x2], $0x2800, $0x38;
	[tilespmem:$0x2880] =	vst v63  }
0x22: {  	s10 =	sadd.s32 $0x140, s10;
	s12 =	sadd.s32 s14, s4;
	_ =	swait.ge @!p1 [sflag:s11], $0x2800  }
0x23: {  	s8 =	sadd.s32 $0xA000, s8;
	p0 =	sgt.u32 s12, $0x1F3;
	[sflag:s11] =	ssyncset.done @!p1 $0x0  }
0x24: {  	s9 =	simm.s32 @!p0 $0x0;
	s12 =	simm.s32 @!p0 $0x3;
	[sflag:s11] =	ssyncadd.s32 @!p1 $0xFFFFD800  }
0x25: {  	[tilespmem:s9], [sflag:$0x3] =	stream.linear.gather @!p0 [hbm4b:s10+s9], $0x50, $0x38;
	[tilespmem:$0x2880] =	vst v63  }
0x26: {  	_ =	swait.ge @!p0 [sflag:s12], $0x50  }
0x27: {  	s11 =	simm.s32 @!p0 $0x50;
	[sflag:s12] =	ssyncset.done @!p0 $0x0  }
0x28: {  	s10 =	simm.s32 @!p0 $0x1;
	[sflag:s12] =	ssyncadd.s32 @!p0 $0xFFFFFFB0;
	s12 =	simm.s32 @!p0 $0x80  }
0x29: {  	[tilespmem:s12], [sflag:$0x1] =	stream.indirect.gather @!p0 [hbm4b:s3+s11], $0x80, s9, s11, $0xb8;
	[tilespmem:$0x2880] =	vst v63  }
0x2a: {  	s2 =	sadd.s32 $0x1, s2;
	_ =	swait.ge @!p0 [sflag:s10], $0x2800;
	p0 =	por p0, p0  }
0x2b: {  	p1 =	sne.s32 s2, s5;
	[sflag:s10] =	ssyncset.done @!p0 $0x0  }
.Ltmp1:
0x2c: {  	[sflag:s10] =	ssyncadd.s32 @!p0 $0xFFFFD800;
	s10 =	simm.s32 @!p0 $0x2;
	(pc) =	sbr.rel @p1 .LBB2_1-.Ltmp1, $4  }
0x2d: {  	[hbm4b:s8+s9] =	stream.linear.scatter @!p0 [tilespmem:s12], [sflag:$0x2], $0x2800, $0x38;
	[tilespmem:$0x2880] =	vst v63  }
0x2e: {  	_ =	swait.ge @!p0 [sflag:s10], $0x2800  }
0x2f: {  	[sflag:s10] =	ssyncset.done @!p0 $0x0  }
0x30: {  	[sflag:s10] =	ssyncadd.s32 @!p0 $0xFFFFD800  }
0x31: {  	_ =	sfence.sel $0x180000  }
0x32: {  	[bflag:$0x0] =	sbarrier.arrive $0xFFFF  }
0x33: {  	p0 =	sne.s32 s1, $0x0;
	_ =	strace $0x90000050  }
0x34: {  	s0 =	sadd.s32 @!p0 $0x100000, s0;
	[bflag:$0x2] =	sbarrier.arrive $0xFFFF  }
0x35: {  	[sflag:s0] =	ssyncadd.tile.s32 @!p0 $0x1;
	_ =	shalt  }
.Lfunc_end2:
_tile_overlayer_lowered:
.L_overlay_start_2:
0x36: {  	(tag) =	ssettag $0x2  }
0x37: {  	s0 =	rddreg [dreg:$0x0];
	s2 =	stileid.u32  }
0x38: {  	s1 =	rddreg [dreg:$0x1];
	p0 =	sne.s32 s2, $0x0  }
0x39: {  	s3 =	rddreg [dreg:$0x2];
	[bflag:$0x3] =	sbarrier.arrive $0xFFFF;
	s2 =	simm.s32 @!p0 $0x1C02  }
0x3a: {  	[timem:s3], [sflag:s2] =	dma.local @!p0 [hbm:s0], s1  }
0x3b: {  	s0 =	simm.s32 @!p0 $0x2  }
0x3c: {  	_ =	swait.ge @!p0 [sflag:s0], s1  }
0x3d: {  	s1 =	ssub.s32 @!p0 $0x0, s1;
	[sflag:s0] =	ssyncset.done @!p0 $0x0  }
0x3e: {  	[sflag:s0] =	ssyncadd.s32 @!p0 s1  }
0x3f: {  	[bflag:$0x3] =	sbarrier.arrive $0xFFFF  }
0x40: {  	_ =	shalt  }

// kernel: kernel.25.cloned.1.call-start
scs
__scs_entry_jumppad:
0x0: {  	(pc) =	sbr.rel $0x88, $3  }
0x1: {  	(tag) =	ssettag $0x0;
	lr =	simm.s32 $0x1  }
0x2: {  	[smem:$0x3F9E] =	sst lr;
	_ =	strace $0xD0000000  }
0x3: {  	_ = 	snop  }
0x4: {  	_ = 	snop  }
0x5: {  	_ = 	snop  }
0x6: {  	_ = 	snop  }
0x7: {  	_ = 	snop  }
__scs_overlays_trampoline_lowered:
0x8: {  	[smem:$0x3FAD] =	sst s0  }
0x9: {  	[smem:$0x3FAE] =	sst s1  }
0xa: {  	[smem:$0x3FAF] =	sst s2  }
0xb: {  	[smem:$0x3FB0] =	sst s3  }
0xc: {  	[smem:$0x3FB1] =	sst s4  }
0xd: {  	[smem:$0x3FB2] =	sst s5  }
0xe: {  	[smem:$0x3FB3] =	sst s6  }
0xf: {  	[smem:$0x3FB4] =	sst s7  }
0x10: {  	[smem:$0x3FB5] =	sst s8  }
0x11: {  	[smem:$0x3FB6] =	sst s9;
	s0 =	simm.s32 @!p0 $0x0  }
0x12: {  	s1 =	sld [smem:$0x3F9C];
	s0 =	simm.s32 @p0 $0x1  }
0x13: {  	[smem:$0x3FB7] =	sst s0;
	s0 =	simm.s32 @!p1 $0x0  }
0x14: {  	s2 =	sld [smem:$0x3F9B];
	s0 =	simm.s32 @p1 $0x1  }
0x15: {  	[smem:$0x3FB8] =	sst s0;
	s0 =	simm.s32 @!p2 $0x0  }
0x16: {  	s3 =	sld [smem:$0x3FDB];
	s0 =	simm.s32 @p2 $0x1  }
0x17: {  	s4 =	simm.s32 $0x1BF5;
	[smem:$0x3FBA] =	sst s0  }
0x18: {  	s0 =	sld [smem:$0x3F9D];
	_ =	swait.ge [sflag:s4], $0x0  }
0x19: {  	s7 =	sld [smem:$0x3F9E]  }
0x1a: {  	s8 =	sadd.s32 $0xFFFFE003, lr  }
0x1b: {  	s9 =	sadd.s32 $0xFFFFFEF7, lr;
	s5 =	simm.s32 $0xFFFFFFFF;
	p2 =	slt.u32 s8, $0xFFFFF086  }
0x1c: {  	p1 =	slt.u32 s9, $0xF7A;
	s5 =	simm.s32 @!p2 $0x0  }
0x1d: {  	s5 =	simm.s32 @p1 $0x1;
	p0 =	seq.s32 s7, s2  }
0x1e: {  	s7 =	smul.u32 @!p0 $0xF7A, s2;
	p2 =	seq.s32 @!p0 s5, $0x0  }
0x1f: {  	s9 =	smul.u32 $0xF7A, s1;
	s8 =	simm.s32 @!p0 $0x1BF5;
	p2 =	por !p2, p0  }
0x20: {  	[sflag:s8] =	ssyncset.s32 @!p0 $0xFFFFF086;
	s6 =	sadd.s32 @!p0 s3, s7;
	s7 =	simm.s32 @!p0 $0x108  }
0x21: {  	s3 =	sadd.s32 s3, s9;
	s6 =	sadd.s32 @!p0 $0x88, s6;
	s7 =	simm.s32 @p2 $0x1082  }
0x22: {  	[simem:s7], [sflag:s8] =	dma.local @!p0 [hbm:s6], $0xF7A  }
0x23: {  	s9 =	sor.u32 $0xD0000000, s2;
	s6 =	simm.s32 $0x108;
	_ =	swait.ge @!p0 [sflag:s8], $0x0  }
0x24: {  	s3 =	sadd.s32 $0x88, s3;
	s6 =	simm.s32 @!p1 $0x1082;
	[sflag:s4] =	ssyncset.s32 $0xFFFFF086  }
0x25: {  	[simem:s6], [sflag:s4] =	dma.local [hbm:s3], $0xF7A  }
0x26: {  	[smem:$0x3F9E] =	sst s1;
	(tag) =	ssettag s2;
	_ =	strace s9  }
0x27: {  	s1 =	sld [smem:$0x3FAE]  }
0x28: {  	s2 =	sld [smem:$0x3FAF]  }
0x29: {  	s4 =	sld [smem:$0x3FB1]  }
0x2a: {  	p0 =	seq.s32 s5, $0x0;
	s5 =	sld [smem:$0x3FB2]  }
0x2b: {  	s6 =	sld [smem:$0x3FB3]  }
0x2c: {  	s7 =	sld [smem:$0x3FB4]  }
0x2d: {  	s3 =	simm.s32 $0x108;
	s8 =	sld [smem:$0x3FB5]  }
0x2e: {  	s3 =	simm.s32 @!p0 $0x1082;
	s9 =	sld [smem:$0x3FB6]  }
0x2f: {  	lr =	sadd.s32 s0, s3;
	s0 =	sld [smem:$0x3FAD]  }
0x30: {  	s3 =	sld [smem:$0x3FB0]  }
0x31: {  	[smem:$0x3FB9] =	sst s10  }
0x32: {  	s10 =	sld [smem:$0x3FB7];
	_ =	sdelay $0x3  }
0x33: {  	p0 =	seq.s32 s10, $0x1;
	s10 =	sld [smem:$0x3FB9];
	_ =	sdelay $0x3  }
0x34: {  	[smem:$0x3FB9] =	sst s10  }
0x35: {  	s10 =	sld [smem:$0x3FB8];
	_ =	sdelay $0x3  }
0x36: {  	p1 =	seq.s32 s10, $0x1;
	s10 =	sld [smem:$0x3FB9];
	_ =	sdelay $0x3  }
0x37: {  	[smem:$0x3FB9] =	sst s10  }
0x38: {  	s10 =	sld [smem:$0x3FBA]  }
0x39: {  	_ = 	snop;
	(pc) =	sbr.ind lr, $3  }
0x3a: {  	_ = 	snop  }
0x3b: {  	_ = 	snop  }
0x3c: {  	p2 =	seq.s32 s10, $0x1;
	s10 =	sld [smem:$0x3FB9]  }
0x3d: {  	_ =	shalt  }
0x3e: {  	_ =	shalt  }
0x3f: {  	_ =	shalt  }
0x40: {  	_ =	shalt  }
0x41: {  	_ =	shalt  }
0x42: {  	_ =	shalt  }
0x43: {  	_ =	shalt  }
0x44: {  	_ =	shalt  }
0x45: {  	_ =	shalt  }
0x46: {  	_ =	shalt  }
0x47: {  	_ =	shalt  }
0x48: {  	_ =	shalt  }
0x49: {  	_ =	shalt  }
0x4a: {  	_ =	shalt  }
0x4b: {  	_ =	shalt  }
0x4c: {  	_ =	shalt  }
0x4d: {  	_ =	shalt  }
0x4e: {  	_ =	shalt  }
0x4f: {  	_ =	shalt  }
0x50: {  	_ =	shalt  }
0x51: {  	_ =	shalt  }
0x52: {  	_ =	shalt  }
0x53: {  	_ =	shalt  }
0x54: {  	_ =	shalt  }
0x55: {  	_ =	shalt  }
0x56: {  	_ =	shalt  }
0x57: {  	_ =	shalt  }
0x58: {  	_ =	shalt  }
0x59: {  	_ =	shalt  }
0x5a: {  	_ =	shalt  }
0x5b: {  	_ =	shalt  }
0x5c: {  	_ =	shalt  }
0x5d: {  	_ =	shalt  }
0x5e: {  	_ =	shalt  }
0x5f: {  	_ =	shalt  }
0x60: {  	_ =	shalt  }
0x61: {  	_ =	shalt  }
0x62: {  	_ =	shalt  }
0x63: {  	_ =	shalt  }
0x64: {  	_ =	shalt  }
0x65: {  	_ =	shalt  }
0x66: {  	_ =	shalt  }
0x67: {  	_ =	shalt  }
0x68: {  	_ =	shalt  }
0x69: {  	_ =	shalt  }
0x6a: {  	_ =	shalt  }
0x6b: {  	_ =	shalt  }
0x6c: {  	_ =	shalt  }
0x6d: {  	_ =	shalt  }
0x6e: {  	_ =	shalt  }
0x6f: {  	_ =	shalt  }
0x70: {  	_ =	shalt  }
0x71: {  	_ =	shalt  }
0x72: {  	_ =	shalt  }
0x73: {  	_ =	shalt  }
0x74: {  	_ =	shalt  }
0x75: {  	_ =	shalt  }
0x76: {  	_ =	shalt  }
0x77: {  	_ =	shalt  }
0x78: {  	_ =	shalt  }
0x79: {  	_ =	shalt  }
0x7a: {  	_ =	shalt  }
0x7b: {  	_ =	shalt  }
0x7c: {  	_ =	shalt  }
0x7d: {  	_ =	shalt  }
0x7e: {  	_ =	shalt  }
0x7f: {  	_ =	shalt  }
0x80: {  	_ =	shalt  }
0x81: {  	_ =	shalt  }
0x82: {  	_ =	shalt  }
0x83: {  	_ =	shalt  }
0x84: {  	_ =	shalt  }
0x85: {  	_ =	shalt  }
0x86: {  	_ =	shalt  }
0x87: {  	_ =	shalt  }
.Lfunc_end0:
.L_simem_size_0:
called_computation.4_lowered:
.L_overlay_start_0:
0x88: {  	s2 =	sld [smem:$0x3FD9]  }
0x89: {  	s3 =	sld [smem:$0x3FFE];
	_ =	sdelay $0x1  }
0x8a: {  	s1 =	srdreg.scid  }
0x8b: {  	s0 =	sand.u32 $0x1, s1  }
0x8c: {  	s17 =	sshll.u32 s0, $0xA;
	s2 =	sadd.s32 s3, s2  }
0x8d: {  	s2 =	sadd.s32 s2, s17  }
0x8e: {  	[smem:$0x3FC5] =	sst s2  }
0x8f: {  	_ = 	snop  }
0x90: {  	(tm) =	ssettm $0x1  }
0x91: {  	s18 =	sld [smem:$0x3FFB];
	_ =	sdelay $0x3  }
0x92: {  	_ =	strace s18  }
0x93: {  	s2 =	sld [smem:$0x3FFC];
	_ =	sdelay $0x3  }
0x94: {  	_ =	strace s2  }
0x95: {  	s2 =	sld [smem:$0x3FFD];
	_ =	sdelay $0x3  }
0x96: {  	_ =	strace s2  }
0x97: {  	_ =	strace $0x8FFFFFFF  }
0x98: {  	s19 =	sld [smem:$0x3FDB];
	_ =	sdelay $0x1  }
0x99: {  	s20 =	simm.s32 $_scs_section_size  }
0x9a: {  	s4 =	simm.s32 $_size__tile_overlayer_lowered;
	s5 =	simm.s32 $_tile_overlayer_lowered  }
0x9b: {  	s6 =	simm.s32 $0x1BFF;
	s21 =	sshll.u32 s5, $0x1;
	s3 =	sadd.s32 s20, s19  }
0x9c: {  	s22 =	simm.s32 $0x0;
	s4 =	sshll.u32 s4, $0x1;
	s5 =	sadd.s32 s21, s3  }
0x9d: {  	[timem:s22], [sflag:s6] =	dma.local [hbm:s5], s4  }
0x9e: {  	_ =	swait.ge [sflag:s6], s4  }
0x9f: {  	s4 =	ssub.s32 $0x0, s4;
	[sflag:s6] =	ssyncset.done $0x0  }
0xa0: {  	[sflag:s6] =	ssyncadd.s32 s4;
	_ =	sdelay $0x1  }
0xa1: {  	s23 =	simm.s32 $0x1B8B  }
0xa2: {  	_ =	swait.ge [sflag:s23], $0x1  }
0xa3: {  	[sflag:s23] =	ssyncset.done $0x0  }
0xa4: {  	[sflag:s23] =	ssyncadd.s32 $0xFFFFFFFF  }
0xa5: {  	s4 =	sld [smem:$0x0]  }
0xa6: {  	s5 =	sand.u32 $0xFFFFFFFE, s1  }
0xa7: {  	p0 =	sne.s32 s1, s5  }
0xa8: {  	s5 =	sshll.u32 @p0 s5, $0xE  }
0xa9: {  	s5 =	sadd.s32 @p0 $0x11B8D, s5;
	s6 =	sshll.u32 @p0 s4, $0x11  }
0xaa: {  	s5 =	sor.u32 @p0 s6, s5  }
0xab: {  	[sflag:s5] =	ssyncadd.remote.s32 @p0 $0x1;
	_ =	sdelay $0x1  }
0xac: {  	s5 =	simm.s32 @p0 $0x1B8D  }
0xad: {  	_ =	swait.eq @p0 [sflag:s5], $0x1  }
0xae: {  	[sflag:s5] =	ssyncadd.s32 @p0 $0xFFFFFFFF  }
0xaf: {  	s6 =	sshll.u32 @!p0 s1, $0xE  }
0xb0: {  	s6 =	sor.u32 @!p0 $0x4000, s6;
	s5 =	simm.s32 @!p0 $0x1B8D  }
0xb1: {  	s4 =	sshll.u32 @!p0 s4, $0x11;
	s6 =	sadd.s32 @!p0 $0x11B8D, s6;
	_ =	swait.eq @!p0 [sflag:s5], $0x1  }
0xb2: {  	s4 =	sor.u32 @!p0 s4, s6;
	[sflag:s5] =	ssyncadd.s32 @!p0 $0xFFFFFFFF  }
0xb3: {  	s25 =	simm.s32 $0x1B8E;
	s24 =	sld [smem:$0x3FFE];
	[sflag:s4] =	ssyncadd.remote.s32 @!p0 $0x1  }
0xb4: {  	s26 =	simm.s32 $execute0_lowered;
	[smem:$0x3FD2] =	sst s25  }
0xb5: {  	s5 =	sshll.u32 s26, $0x1;
	_ =	strace $0x80000052;
	[dreg:$0x1] =	wrdreg $0xFFFFFFFF  }
0xb6: {  	s28 =	simm.s32 $_size_execute0_lowered;
	s3 =	sadd.s32 s3, s5;
	[dreg:$0x0] =	wrdreg $0x0  }
0xb7: {  	s5 =	sshll.u32 s28, $0x1;
	[dreg:$0x2] =	wrdreg s3  }
0xb8: {  	[dreg:$0x3] =	wrdreg s5  }
0xb9: {  	[dreg:$0x4] =	wrdreg $0xC0  }
0xba: {  	_ =	task [dreg:s22], $0x5FFFF  }
0xbb: {  	[dreg:$0x1] =	wrdreg $0xFFFFFFFF  }
0xbc: {  	[dreg:$0x0] =	wrdreg $0x60  }
0xbd: {  	[dreg:$0x2] =	wrdreg s24  }
0xbe: {  	[dreg:$0x3] =	wrdreg $0xD  }
0xbf: {  	_ =	task.clear_ibuf [dreg:s22], $0x4FFFF;
	_ =	strace $0x90000052  }
0xc0: {  	s29 =	simm.s32 $0xD;
	_ =	strace $0x80000054  }
0xc1: {  	_ =	swait.ge [sflag:s29], $0x1  }
0xc2: {  	[sflag:s29] =	ssyncadd.s32 $0xFFFFFFFF  }
0xc3: {  	_ =	strace $0x90000054  }
0xc4: {  	_ =	sfence  }
0xc5: {  	s30 =	sld [smem:$0x0];
	_ =	sdelay $0x2  }
0xc6: {  	s31 =	sshll.u32 s1, $0xD;
	s1 =	sshrl.u32 s1, $0x2  }
0xc7: {  	s4 =	sand.u32 $0x4000, s31;
	s1 =	sadd.s32 s1, s30  }
0xc8: {  	s0 =	sor.u32 s4, s0;
	s1 =	sshll.u32 s1, $0x11  }
0xc9: {  	s0 =	sor.u32 s1, s0  }
0xca: {  	s0 =	sadd.s32 $0x8F2B, s0  }
0xcb: {  	[sflag:s0] =	ssyncadd.remote.s32 $0x1  }
0xcc: {  	_ =	sfence.sel $0xFFFF  }
0xcd: {  	[dreg:$0x0] =	wrdreg $0xFFFFFFFF;
	(pc) =	sbr.abs _section_cstart, $3  }
0xce: {  	[dreg:$0x1] =	wrdreg $0xFFFFFFFF  }
0xcf: {  	_ =	task.clear_ibuf [dreg:s22], $0x2FFFF;
	_ =	strace $0x9FFFFFFF  }
0xd0: {  	(tm) =	ssettm $0x7FFFFFFF  }
0xd1: {  	_ =	shalt  }
tec
execute0_lowered:
.L_overlay_start_1:
0x0: {  	(tag) =	ssettag $0x1  }
0x1: {  	s3 =	rddreg [dreg:$0x0]  }
0x2: {  	s0 =	rddreg [dreg:$0x1];
	s1 =	stileid.u32  }
0x3: {  	s2 =	simm.s32 $0x0;
	s5 =	srdreg.scid;
	s4 =	smul.u32 $0x14, s1  }
0x4: {  	[smem:$0x7FF] =	sst s2;
	s6 =	smul.u32 $0xA00, s1;
	s5 =	sand.u32 $0x1, s5  }
0x5: {  	_ =	strace $0x80000053;
	s7 =	ssub.s32 $0x2, s5;
	s8 =	smul.u32 $0x500, s5  }
0x6: {  	s5 =	smul.u32 $0xA, s5;
	s9 =	sadd.s32 s4, s3;
	s30 =	sshrl.u32 s7, $0x1  }
0x7: {  	s6 =	sadd.s32 s6, s3;
	s3 =	sadd.s32 $0x1800, s3;
	s4 =	sshll.u32 s1, $0x1  }
0x8: {  	s7 =	ssub.s32 s7, s30;
	s6 =	sadd.s32 s8, s6;
	s31 =	sadd.s32 s5, s9  }
0x9: {  	s5 =	smax.u32 s7, $0x1;
	s6 =	sadd.s32 $0x363200, s6;
	s7 =	sadd.s32 $0x18D200, s31  }
.LBB2_1:
0xa: {  	s8 =	sadd.s32 $0x0, s4  }
0xb: {  	p0 =	sgt.u32 s8, $0x1F3  }
0xc: {  	s8 =	simm.s32 @!p0 $0x0;
	s9 =	simm.s32 @!p0 $0x3  }
0xd: {  	[tilespmem:s8], [sflag:$0x3] =	stream.linear.gather @!p0 [hbm4b:s7+s8], $0x50, $0x38;
	[tilespmem:$0x2880] =	vst v63  }
0xe: {  	_ =	swait.ge @!p0 [sflag:s9], $0x50  }
0xf: {  	s10 =	simm.s32 @!p0 $0x1;
	[sflag:s9] =	ssyncset.done @!p0 $0x0  }
0x10: {  	s12 =	simm.s32 @!p0 $0x80;
	[sflag:s9] =	ssyncadd.s32 @!p0 $0xFFFFFFB0;
	s9 =	simm.s32 @!p0 $0x50  }
0x11: {  	[tilespmem:s12], [sflag:$0x1] =	stream.indirect.gather @!p0 [hbm4b:s3+s9], $0x80, s8, s9, $0xb8;
	[tilespmem:$0x2880] =	vst v63  }
0x12: {  	p1 =	por p0, p0;
	_ =	swait.ge @!p0 [sflag:s10], $0x2800  }
0x13: {  	[sflag:s10] =	ssyncset.done @!p1 $0x0  }
0x14: {  	s31 =	sadd.s32 $0x20, s4;
	s11 =	simm.s32 @!p1 $0x2;
	[sflag:s10] =	ssyncadd.s32 @!p1 $0xFFFFD800  }
0x15: {  	[hbm4b:s6+s8] =	stream.linear.scatter @!p1 [tilespmem:s12], [sflag:$0x2], $0x2800, $0x38;
	[tilespmem:$0x2880] =	vst v63  }
0x16: {  	s9 =	simm.s32 $0x40;
	p0 =	sgt.u32 s31, $0x1F3;
	_ =	swait.ge @!p1 [sflag:s11], $0x2800  }
0x17: {  	s10 =	sadd.s32 $0x140, s7;
	s8 =	sadd.s32 $0xA000, s6;
	[sflag:s11] =	ssyncset.done @!p1 $0x0  }
.LBB2_2:
0x18: {  	s12 =	simm.s32 @!p0 $0x0;
	s13 =	simm.s32 @!p0 $0x3;
	[sflag:s11] =	ssyncadd.s32 @!p1 $0xFFFFD800  }
0x19: {  	[tilespmem:s12], [sflag:$0x3] =	stream.linear.gather @!p0 [hbm4b:s10+s12], $0x50, $0x38;
	[tilespmem:$0x2880] =	vst v63  }
0x1a: {  	s14 =	smov.u32 s9;
	s9 =	sadd.s32 $0x20, s9;
	_ =	swait.ge @!p0 [sflag:s13], $0x50  }
0x1b: {  	s11 =	simm.s32 @!p0 $0x1;
	p2 =	sne.s32 s9, $0x200;
	[sflag:s13] =	ssyncset.done @!p0 $0x0  }
0x1c: {  	s15 =	simm.s32 @!p0 $0x80;
	[sflag:s13] =	ssyncadd.s32 @!p0 $0xFFFFFFB0;
	s13 =	simm.s32 @!p0 $0x50  }
0x1d: {  	[tilespmem:s15], [sflag:$0x1] =	stream.indirect.gather @!p0 [hbm4b:s3+s13], $0x80, s12, s13, $0xb8;
	[tilespmem:$0x2880] =	vst v63  }
0x1e: {  	p1 =	por p0, p0;
	_ =	swait.ge @!p0 [sflag:s11], $0x2800  }
.Ltmp0:
0x1f: {  	[sflag:s11] =	ssyncset.done @!p1 $0x0;
	(pc) =	sbr.rel @p2 .LBB2_2-.Ltmp0, $4  }
0x20: {  	[sflag:s11] =	ssyncadd.s32 @!p1 $0xFFFFD800;
	s11 =	simm.s32 @!p1 $0x2  }
0x21: {  	[hbm4b:s8+s12] =	stream.linear.scatter @!p1 [tilespmem:s15], [sflag:$0x2], $0x2800, $0x38;
	[tilespmem:$0x2880] =	vst v63  }
0x22: {  	s10 =	sadd.s32 $0x140, s10;
	s12 =	sadd.s32 s14, s4;
	_ =	swait.ge @!p1 [sflag:s11], $0x2800  }
0x23: {  	s8 =	sadd.s32 $0xA000, s8;
	p0 =	sgt.u32 s12, $0x1F3;
	[sflag:s11] =	ssyncset.done @!p1 $0x0  }
0x24: {  	s9 =	simm.s32 @!p0 $0x0;
	s12 =	simm.s32 @!p0 $0x3;
	[sflag:s11] =	ssyncadd.s32 @!p1 $0xFFFFD800  }
0x25: {  	[tilespmem:s9], [sflag:$0x3] =	stream.linear.gather @!p0 [hbm4b:s10+s9], $0x50, $0x38;
	[tilespmem:$0x2880] =	vst v63  }
0x26: {  	_ =	swait.ge @!p0 [sflag:s12], $0x50  }
0x27: {  	s11 =	simm.s32 @!p0 $0x50;
	[sflag:s12] =	ssyncset.done @!p0 $0x0  }
0x28: {  	s10 =	simm.s32 @!p0 $0x1;
	[sflag:s12] =	ssyncadd.s32 @!p0 $0xFFFFFFB0;
	s12 =	simm.s32 @!p0 $0x80  }
0x29: {  	[tilespmem:s12], [sflag:$0x1] =	stream.indirect.gather @!p0 [hbm4b:s3+s11], $0x80, s9, s11, $0xb8;
	[tilespmem:$0x2880] =	vst v63  }
0x2a: {  	s2 =	sadd.s32 $0x1, s2;
	_ =	swait.ge @!p0 [sflag:s10], $0x2800;
	p0 =	por p0, p0  }
0x2b: {  	p1 =	sne.s32 s2, s5;
	[sflag:s10] =	ssyncset.done @!p0 $0x0  }
.Ltmp1:
0x2c: {  	[sflag:s10] =	ssyncadd.s32 @!p0 $0xFFFFD800;
	s10 =	simm.s32 @!p0 $0x2;
	(pc) =	sbr.rel @p1 .LBB2_1-.Ltmp1, $4  }
0x2d: {  	[hbm4b:s8+s9] =	stream.linear.scatter @!p0 [tilespmem:s12], [sflag:$0x2], $0x2800, $0x38;
	[tilespmem:$0x2880] =	vst v63  }
0x2e: {  	_ =	swait.ge @!p0 [sflag:s10], $0x2800  }
0x2f: {  	[sflag:s10] =	ssyncset.done @!p0 $0x0  }
0x30: {  	[sflag:s10] =	ssyncadd.s32 @!p0 $0xFFFFD800  }
0x31: {  	_ =	sfence.sel $0x180000  }
0x32: {  	[bflag:$0x0] =	sbarrier.arrive $0xFFFF  }
0x33: {  	p0 =	sne.s32 s1, $0x0;
	_ =	strace $0x90000053  }
0x34: {  	s0 =	sadd.s32 @!p0 $0x100000, s0;
	[bflag:$0x2] =	sbarrier.arrive $0xFFFF  }
0x35: {  	[sflag:s0] =	ssyncadd.tile.s32 @!p0 $0x1;
	_ =	shalt  }
.Lfunc_end2:
_tile_overlayer_lowered:
.L_overlay_start_2:
0x36: {  	(tag) =	ssettag $0x2  }
0x37: {  	s0 =	rddreg [dreg:$0x0];
	s2 =	stileid.u32  }
0x38: {  	s1 =	rddreg [dreg:$0x1];
	p0 =	sne.s32 s2, $0x0  }
0x39: {  	s3 =	rddreg [dreg:$0x2];
	[bflag:$0x3] =	sbarrier.arrive $0xFFFF;
	s2 =	simm.s32 @!p0 $0x1C02  }
0x3a: {  	[timem:s3], [sflag:s2] =	dma.local @!p0 [hbm:s0], s1  }
0x3b: {  	s0 =	simm.s32 @!p0 $0x2  }
0x3c: {  	_ =	swait.ge @!p0 [sflag:s0], s1  }
0x3d: {  	s1 =	ssub.s32 @!p0 $0x0, s1;
	[sflag:s0] =	ssyncset.done @!p0 $0x0  }
0x3e: {  	[sflag:s0] =	ssyncadd.s32 @!p0 s1  }
0x3f: {  	[bflag:$0x3] =	sbarrier.arrive $0xFFFF  }
0x40: {  	_ =	shalt  }

</sc_bundles>
